<compile_context>
chip_gen: v7x
topology: tpu7x:2x2x1
jax: 0.10.2.dev20260603
libtpu: 0.0.44.dev20260713+nightly
codegen_flags: <defaults>
</compile_context>

<pallas_src>
import dataclasses
import functools

import jax
import jax.numpy as jnp
from jax import lax
from jax.experimental import pallas as pl
from jax.experimental.pallas import tpu as pltpu
from jax.experimental.pallas import tpu_sc as plsc

NC = 2
NS = 16
NT = NC * NS
BB = 128
LCAP = 10240
SEGW = 3392
NREL = 3456
DUMPR = 3408
HSZ = NREL * 16
ACHUNK = 2000


def _mesh():
    return plsc.VectorSubcoreMesh(
        core_axis_name="c", subcore_axis_name="s", num_cores=NC, num_subcores=NS
    )


def _compiler_params():
    cp = pltpu.CompilerParams()
    if "needs_layout_passes" in pltpu.CompilerParams.__dataclass_fields__:
        cp = dataclasses.replace(cp, needs_layout_passes=False)
    return cp


def _sc_partition(e, src, dst, sgn):
    ept = e // NT
    achunks = ept // ACHUNK

    @functools.partial(
        pl.kernel,
        out_type=[
            jax.ShapeDtypeStruct((6 * NT * LCAP,), jnp.int32),
            jax.ShapeDtypeStruct((6 * NT * LCAP,), jnp.int32),
            jax.ShapeDtypeStruct((6 * NT * 16,), jnp.int32),
        ],
        mesh=_mesh(),
        scratch_types=[
            pltpu.VMEM((ACHUNK,), jnp.int32),
            pltpu.VMEM((ACHUNK,), jnp.int32),
            pltpu.VMEM((ACHUNK,), jnp.float32),
            pltpu.VMEM((LCAP + 16,), jnp.int32),
            pltpu.VMEM((LCAP + 16,), jnp.int32),
            pltpu.VMEM((LCAP + 16,), jnp.int32),
            pltpu.VMEM((LCAP + 16,), jnp.int32),
            pltpu.VMEM((LCAP + 16,), jnp.int32),
            pltpu.VMEM((LCAP + 16,), jnp.int32),
            pltpu.VMEM((LCAP + 16,), jnp.int32),
            pltpu.VMEM((LCAP + 16,), jnp.int32),
            pltpu.VMEM((LCAP + 16,), jnp.int32),
            pltpu.VMEM((LCAP + 16,), jnp.int32),
            pltpu.VMEM((LCAP + 16,), jnp.int32),
            pltpu.VMEM((LCAP + 16,), jnp.int32),
            pltpu.VMEM((16,), jnp.int32),
        ],
        compiler_params=_compiler_params(),
    )
    def part_kernel(src_hbm, dst_hbm, sgn_hbm, lsrc_out, ldst_out, cnt_out,
                    ssrc, sdst, ssgn, s0, s1, s2, s3, s4, s5,
                    d0, d1, d2, d3, d4, d5, cntv):
        c = lax.axis_index("c")
        s = lax.axis_index("s")
        g = c * NS + s

        slists = (s0, s1, s2, s3, s4, s5)
        dlists = (d0, d1, d2, d3, d4, d5)

        zsrc = jnp.zeros((16,), jnp.int32)
        zdst = jnp.full((16,), DUMPR, jnp.int32)

        @pl.loop(0, LCAP, step=16)
        def _(i):
            for q in range(6):
                slists[q][pl.ds(i, 16)] = zsrc
                dlists[q][pl.ds(i, 16)] = zdst

        iota16 = lax.iota(jnp.int32, 16)
        tidx = LCAP + iota16
        zero = jnp.int32(0)

        @pl.loop(0, achunks, init_carry=(zero,) * 6)
        def counts(t, carry):
            pltpu.sync_copy(src_hbm.at[pl.ds(g * ept + t * ACHUNK, ACHUNK)],
                            ssrc)
            pltpu.sync_copy(dst_hbm.at[pl.ds(g * ept + t * ACHUNK, ACHUNK)],
                            sdst)
            pltpu.sync_copy(sgn_hbm.at[pl.ds(g * ept + t * ACHUNK, ACHUNK)],
                            ssgn)

            @pl.loop(0, ACHUNK // 16, init_carry=carry)
            def inner(i, icarry):
                sv = ssrc[pl.ds(i * 16, 16)]
                dv = sdst[pl.ds(i * 16, 16)]
                mp = ssgn[pl.ds(i * 16, 16)] >= 0.0
                m1 = dv >= SEGW
                m2 = dv >= 2 * SEGW
                rel = dv - jnp.where(m2, 2 * SEGW, jnp.where(m1, SEGW, 0))
                third = m1.astype(jnp.int32) + m2.astype(jnp.int32)
                out = []
                for q in range(6):
                    mq = jnp.logical_and(
                        mp if q < 3 else jnp.logical_not(mp),
                        third == (q % 3))
                    mi = mq.astype(jnp.int32)
                    incl = plsc.cumsum(mi)
                    dest = jnp.where(mq, icarry[q] + incl - mi, tidx)
                    plsc.store_scatter(slists[q], [dest], sv)
                    plsc.store_scatter(dlists[q], [dest], rel)
                    out.append(icarry[q] + jnp.max(incl))
                return tuple(out)

            return inner

        for q in range(6):
            base = (q * NT + g) * LCAP
            pltpu.sync_copy(slists[q].at[pl.ds(0, LCAP)],
                            lsrc_out.at[pl.ds(base, LCAP)])
            pltpu.sync_copy(dlists[q].at[pl.ds(0, LCAP)],
                            ldst_out.at[pl.ds(base, LCAP)])
            nbq = (counts[q] + (BB - 1)) // BB
            cntv[...] = jnp.full((16,), 0, jnp.int32) + nbq
            pltpu.sync_copy(cntv, cnt_out.at[pl.ds((q * NT + g) * 16, 16)])

    return part_kernel(src, dst, sgn)


def _sc_accumulate(n, dfull, feat, lsrc, ldst, cnts, h):
    acc_slice = NREL // NS

    @functools.partial(
        pl.kernel,
        out_type=[
            jax.ShapeDtypeStruct((NC * NREL, dfull), jnp.float32),
            jax.ShapeDtypeStruct((NT * HSZ,), jnp.float32),
        ],
        mesh=_mesh(),
        scratch_types=[
            pltpu.VMEM((BB,), jnp.int32),
            pltpu.VMEM((BB,), jnp.int32),
            pltpu.VMEM((BB,), jnp.int32),
            pltpu.VMEM((BB,), jnp.int32),
            pltpu.VMEM((BB, dfull), jnp.float32),
            pltpu.VMEM((BB, dfull), jnp.float32),
            pltpu.VMEM((16,), jnp.int32),
            pltpu.VMEM((HSZ,), jnp.float32),
            pltpu.VMEM_SHARED((NREL, dfull), jnp.float32),
            pltpu.SemaphoreType.DMA,
            pltpu.SemaphoreType.DMA,
            pltpu.SemaphoreType.DMA,
            pltpu.SemaphoreType.DMA,
            pltpu.SemaphoreType.DMA,
            pltpu.SemaphoreType.DMA,
            pltpu.SemaphoreType.DMA,
            pltpu.SemaphoreType.DMA,
        ],
        compiler_params=_compiler_params(),
        name=f"sc_accumulate_h{h}",
    )
    def acc_kernel(feat_hbm, lsrc_hbm, ldst_hbm, cnt_hbm,
                   acc_out, deg_out,
                   srcA, srcB, dstA, dstB, rowsA, rowsB, cntv, hist,
                   acc_sh, sm0, sm1, sm2, sm3, sm4, sm5, sm6, sm7):
        c = lax.axis_index("c")
        s = lax.axis_index("s")
        g = c * NS + s
        iota16 = lax.iota(jnp.int32, 16)
        zf16 = jnp.zeros((16,), jnp.float32)
        fone = jnp.ones((16,), jnp.float32)

        if True:
            @pl.loop(0, BB)
            def _(r):
                @pl.loop(0, dfull, step=16)
                def _(q):
                    rowsA[r, pl.ds(q, 16)] = zf16

            @pl.loop(0, acc_slice // BB)
            def _(i):
                pltpu.sync_copy(
                    rowsA, acc_sh.at[pl.ds(s * acc_slice + i * BB, BB)])

            rem = acc_slice % BB
            if rem:
                pltpu.sync_copy(
                    rowsA.at[pl.ds(0, rem)],
                    acc_sh.at[pl.ds(s * acc_slice + acc_slice - rem, rem)])

            @pl.loop(0, HSZ, step=16)
            def _(i):
                hist[pl.ds(i, 16)] = zf16

            plsc.subcore_barrier()

            @pl.loop(0, 2)
            def _(l):
                g2 = 2 * s + l
                lidx = (c * 3 + h) * NT + g2
                lbase = lidx * LCAP
                pltpu.sync_copy(cnt_hbm.at[pl.ds(lidx * 16, 16)], cntv)
                nb = jnp.max(cntv[...])

                @pl.loop(0, nb)
                def _(k):
                    pltpu.sync_copy(
                        lsrc_hbm.at[pl.ds(lbase + k * BB, BB)], srcA)
                    pltpu.sync_copy(
                        ldst_hbm.at[pl.ds(lbase + k * BB, BB)], dstA)
                    pltpu.async_copy(feat_hbm.at[srcA], rowsA, sm0).wait()
                    pltpu.sync_copy(rowsA, acc_sh.at[dstA], add=True)

                    @pl.loop(0, BB // 16)
                    def _(j):
                        ra = dstA[pl.ds(j * 16, 16)]
                        plsc.addupdate_scatter(hist, [ra * 16 + iota16],
                                               fone)

            pltpu.sync_copy(hist, deg_out.at[pl.ds(g * HSZ, HSZ)])
            plsc.subcore_barrier()

            pltpu.sync_copy(
                acc_sh.at[pl.ds(s * acc_slice, acc_slice)],
                acc_out.at[pl.ds(c * NREL + s * acc_slice, acc_slice)])

    return acc_kernel(feat, lsrc, ldst, cnts)


def _tc_body(d, pos, neg, hist, x, wc, bb, o):
    deg = jnp.sum(hist[...], axis=(0, 2))[:, None]
    denom = jnp.maximum(deg, 1.0)
    w = wc[...]
    dot = functools.partial(jnp.dot, precision=lax.Precision.HIGHEST,
                            preferred_element_type=jnp.float32)
    y = dot(pos[0], w[0:d]) + dot(neg[0], w[d:2 * d])
    y = y / denom + dot(x[...], w[2 * d:3 * d]) + bb[...]
    n2 = jnp.sum(y * y, axis=1, keepdims=True)
    o[...] = y * lax.rsqrt(jnp.maximum(n2, 1e-24))


def _tc_combine(n, d, dout, acc, deg, feature, wc, bb, h):
    bn = 848
    rows = min(SEGW, n - h * SEGW)
    grid = ((rows + bn - 1) // bn,)
    acc4 = acc.reshape(NC, NREL, d)
    hist = deg.reshape(NT, NREL, 16)
    off = h * (SEGW // bn)
    return pl.pallas_call(
        functools.partial(_tc_body, d),
        grid=grid,
        in_specs=[
            pl.BlockSpec((1, bn, d), lambda j: (0, j, 0)),
            pl.BlockSpec((1, bn, d), lambda j: (1, j, 0)),
            pl.BlockSpec((NT, bn, 16), lambda j: (0, j, 0)),
            pl.BlockSpec((bn, d), lambda j: (j + off, 0)),
            pl.BlockSpec((3 * d, dout), lambda j: (0, 0)),
            pl.BlockSpec((1, dout), lambda j: (0, 0)),
        ],
        out_specs=pl.BlockSpec((bn, dout), lambda j: (j, 0)),
        out_shape=jax.ShapeDtypeStruct((rows, dout), jnp.float32),
    )(acc4, acc4, hist, feature, wc, bb)


def kernel(feature, edge_index, edge_sign, W, b):
    n, d = feature.shape
    e = edge_index.shape[1]
    dout = W.shape[0]

    src = edge_index[0].astype(jnp.int32)
    dst = edge_index[1].astype(jnp.int32)

    lsrc, ldst, cnts = _sc_partition(e, src, dst, edge_sign)
    wc = W.T
    bb = b.reshape(1, dout)
    outs = []
    for h in range(3):
        acc, deg = _sc_accumulate(n, d, feature, lsrc, ldst, cnts, h)
        outs.append(_tc_combine(n, d, dout, acc, deg, feature, wc, bb, h))
    return jnp.concatenate(outs, axis=0)

# --- scband reference (transcript-rebuilt; emitter-appended) ---
"""Pipeline reference for scband-sign-conv-47828755808945 (READ-ONLY COPY).

The authoritative reference and input builder live on the scoring server;
editing this copy changes nothing except your own understanding.
"""

import jax, jax.numpy as jnp
import numpy as np

N, E, D, DOUT = 10000, 320000, 128, 128

def setup_inputs(seed: int = 0) -> dict:
    key = jax.random.key(seed)
    k1, k2, k3, k4, k5 = jax.random.split(key, 5)
    feature = jax.random.normal(k1, (N, D), dtype=jnp.float32)
    edge_index = jax.random.randint(k2, (2, E), 0, N, dtype=jnp.int32)
    edge_sign = jax.random.normal(k3, (E,), dtype=jnp.float32)
    # Linear(in_feats*3 -> out_feats), torch default init scale
    bound = 1.0 / np.sqrt(3 * D)
    W = jax.random.uniform(k4, (DOUT, 3 * D), minval=-bound, maxval=bound, dtype=jnp.float32)
    b = jax.random.uniform(k5, (DOUT,), minval=-bound, maxval=bound, dtype=jnp.float32)
    return {"feature": feature, "edge_index": edge_index, "edge_sign": edge_sign, "W": W, "b": b}

def reference(feature, edge_index, edge_sign, W, b):
    # SignConv.forward_deep (first_aggr=False, norm=True mean reducer, norm_embed=True)
    src = edge_index[0]
    dst = edge_index[1]
    n = feature.shape[0]
    pos_e = (edge_sign >= 0).astype(feature.dtype)
    neg_e = (edge_sign < 0).astype(feature.dtype)
    msg = jnp.take(feature, src, axis=0)  # gather u features over edges
    # DGL mean reducer divides by in-degree (count of all incoming messages)
    deg = jax.ops.segment_sum(jnp.ones((msg.shape[0],), dtype=feature.dtype), dst, num_segments=n)
    denom = jnp.maximum(deg, 1.0)[:, None]
    pos_out = jax.ops.segment_sum(msg * pos_e[:, None], dst, num_segments=n) / denom
    neg_out = jax.ops.segment_sum(msg * neg_e[:, None], dst, num_segments=n) / denom
    out = jnp.concatenate([pos_out, neg_out, feature], axis=1)
    out = out @ W.T + b
    # F.normalize(out, p=2, dim=-1)
    nrm = jnp.linalg.norm(out, ord=2, axis=-1, keepdims=True)
    out = out / jnp.maximum(nrm, 1e-12)
    return out

if __name__ == "__main__":
    import jax
    _d = setup_inputs()
    print(jax.jit(kernel)(*tuple(_d.values())))

</pallas_src>

<mosaic_0001>
#map = affine_map<(d0, d1) -> (0)>
module attributes {stable_mosaic.version = 14 : i64} {
  func.func @part_kernel(%arg0: i32, %arg1: i32, %arg2: memref<320000xi32, #tpu.memory_space<hbm>>, %arg3: memref<320000xi32, #tpu.memory_space<hbm>>, %arg4: memref<320000xf32, #tpu.memory_space<hbm>>, %arg5: memref<1966080xi32, #tpu.memory_space<hbm>>, %arg6: memref<1966080xi32, #tpu.memory_space<hbm>>, %arg7: memref<3072xi32, #tpu.memory_space<hbm>>, %arg8: memref<2000xi32, #tpu.memory_space<vmem>>, %arg9: memref<2000xi32, #tpu.memory_space<vmem>>, %arg10: memref<2000xf32, #tpu.memory_space<vmem>>, %arg11: memref<10256xi32, #tpu.memory_space<vmem>>, %arg12: memref<10256xi32, #tpu.memory_space<vmem>>, %arg13: memref<10256xi32, #tpu.memory_space<vmem>>, %arg14: memref<10256xi32, #tpu.memory_space<vmem>>, %arg15: memref<10256xi32, #tpu.memory_space<vmem>>, %arg16: memref<10256xi32, #tpu.memory_space<vmem>>, %arg17: memref<10256xi32, #tpu.memory_space<vmem>>, %arg18: memref<10256xi32, #tpu.memory_space<vmem>>, %arg19: memref<10256xi32, #tpu.memory_space<vmem>>, %arg20: memref<10256xi32, #tpu.memory_space<vmem>>, %arg21: memref<10256xi32, #tpu.memory_space<vmem>>, %arg22: memref<10256xi32, #tpu.memory_space<vmem>>, %arg23: memref<16xi32, #tpu.memory_space<vmem>>) attributes {dimension_semantics = [#tpu.dimension_semantics<core_parallel>, #tpu.dimension_semantics<subcore_parallel>], iteration_bounds = array<i64: 2, 16>, scalar_prefetch = 0 : i64, scratch_operands = 16 : i64, tpu.core_type = #tpu.core_type<sc_vector_subcore>, window_params = [{transform_indices = #map}, {transform_indices = #map}, {transform_indices = #map}, {transform_indices = #map}, {transform_indices = #map}, {transform_indices = #map}]} {
    %mul3A = arith.constant 16 : i32
    %mul3A_0 = arith.muli %arg0, %mul3A : i32
    %add3A = arith.addi %mul3A_0, %arg1 : i32
    %broadcast_in_dim3A = arith.constant 0 : i32
    %broadcast_in_dim3A_1 = vector.broadcast %broadcast_in_dim3A : i32 to vector<16xi32>
    %broadcast_in_dim3A_2 = arith.constant 3408 : i32
    %broadcast_in_dim3A_3 = vector.broadcast %broadcast_in_dim3A_2 : i32 to vector<16xi32>
    %scan3A = arith.constant 0 : i32
    %scan3A_4 = arith.constant 640 : i32
    %scan3A_5 = arith.addi %scan3A, %scan3A_4 : i32
    %scan3A_6 = arith.constant 1 : i32
    scf.for %scan3A_254 = %scan3A to %scan3A_5 step %scan3A_6  : i32 {
      %mul3A_255 = arith.constant 16 : i32
      %mul3A_256 = arith.muli %scan3A_254, %mul3A_255 : i32
      %add3A_257 = arith.constant 0 : i32
      %add3A_258 = arith.addi %add3A_257, %mul3A_256 : i32
      %swap3A_259 = arith.index_cast %add3A_258 : i32 to index
      %swap3A_260 = tpu.vector_load %arg11[%swap3A_259] {strides = array<i32>} : memref<10256xi32, #tpu.memory_space<vmem>>, vector<16xi32>,
      tpu.vector_store %arg11[%swap3A_259], %broadcast_in_dim3A_1 {strides = array<i32>} : memref<10256xi32, #tpu.memory_space<vmem>>, vector<16xi32>,
      %swap3A_261 = arith.index_cast %add3A_258 : i32 to index
      %swap3A_262 = tpu.vector_load %arg17[%swap3A_261] {strides = array<i32>} : memref<10256xi32, #tpu.memory_space<vmem>>, vector<16xi32>,
      tpu.vector_store %arg17[%swap3A_261], %broadcast_in_dim3A_3 {strides = array<i32>} : memref<10256xi32, #tpu.memory_space<vmem>>, vector<16xi32>,
      %swap3A_263 = arith.index_cast %add3A_258 : i32 to index
      %swap3A_264 = tpu.vector_load %arg12[%swap3A_263] {strides = array<i32>} : memref<10256xi32, #tpu.memory_space<vmem>>, vector<16xi32>,
      tpu.vector_store %arg12[%swap3A_263], %broadcast_in_dim3A_1 {strides = array<i32>} : memref<10256xi32, #tpu.memory_space<vmem>>, vector<16xi32>,
      %swap3A_265 = arith.index_cast %add3A_258 : i32 to index
      %swap3A_266 = tpu.vector_load %arg18[%swap3A_265] {strides = array<i32>} : memref<10256xi32, #tpu.memory_space<vmem>>, vector<16xi32>,
      tpu.vector_store %arg18[%swap3A_265], %broadcast_in_dim3A_3 {strides = array<i32>} : memref<10256xi32, #tpu.memory_space<vmem>>, vector<16xi32>,
      %swap3A_267 = arith.index_cast %add3A_258 : i32 to index
      %swap3A_268 = tpu.vector_load %arg13[%swap3A_267] {strides = array<i32>} : memref<10256xi32, #tpu.memory_space<vmem>>, vector<16xi32>,
      tpu.vector_store %arg13[%swap3A_267], %broadcast_in_dim3A_1 {strides = array<i32>} : memref<10256xi32, #tpu.memory_space<vmem>>, vector<16xi32>,
      %swap3A_269 = arith.index_cast %add3A_258 : i32 to index
      %swap3A_270 = tpu.vector_load %arg19[%swap3A_269] {strides = array<i32>} : memref<10256xi32, #tpu.memory_space<vmem>>, vector<16xi32>,
      tpu.vector_store %arg19[%swap3A_269], %broadcast_in_dim3A_3 {strides = array<i32>} : memref<10256xi32, #tpu.memory_space<vmem>>, vector<16xi32>,
      %swap3A_271 = arith.index_cast %add3A_258 : i32 to index
      %swap3A_272 = tpu.vector_load %arg14[%swap3A_271] {strides = array<i32>} : memref<10256xi32, #tpu.memory_space<vmem>>, vector<16xi32>,
      tpu.vector_store %arg14[%swap3A_271], %broadcast_in_dim3A_1 {strides = array<i32>} : memref<10256xi32, #tpu.memory_space<vmem>>, vector<16xi32>,
      %swap3A_273 = arith.index_cast %add3A_258 : i32 to index
      %swap3A_274 = tpu.vector_load %arg20[%swap3A_273] {strides = array<i32>} : memref<10256xi32, #tpu.memory_space<vmem>>, vector<16xi32>,
      tpu.vector_store %arg20[%swap3A_273], %broadcast_in_dim3A_3 {strides = array<i32>} : memref<10256xi32, #tpu.memory_space<vmem>>, vector<16xi32>,
      %swap3A_275 = arith.index_cast %add3A_258 : i32 to index
      %swap3A_276 = tpu.vector_load %arg15[%swap3A_275] {strides = array<i32>} : memref<10256xi32, #tpu.memory_space<vmem>>, vector<16xi32>,
      tpu.vector_store %arg15[%swap3A_275], %broadcast_in_dim3A_1 {strides = array<i32>} : memref<10256xi32, #tpu.memory_space<vmem>>, vector<16xi32>,
      %swap3A_277 = arith.index_cast %add3A_258 : i32 to index
      %swap3A_278 = tpu.vector_load %arg21[%swap3A_277] {strides = array<i32>} : memref<10256xi32, #tpu.memory_space<vmem>>, vector<16xi32>,
      tpu.vector_store %arg21[%swap3A_277], %broadcast_in_dim3A_3 {strides = array<i32>} : memref<10256xi32, #tpu.memory_space<vmem>>, vector<16xi32>,
      %swap3A_279 = arith.index_cast %add3A_258 : i32 to index
      %swap3A_280 = tpu.vector_load %arg16[%swap3A_279] {strides = array<i32>} : memref<10256xi32, #tpu.memory_space<vmem>>, vector<16xi32>,
      tpu.vector_store %arg16[%swap3A_279], %broadcast_in_dim3A_1 {strides = array<i32>} : memref<10256xi32, #tpu.memory_space<vmem>>, vector<16xi32>,
      %swap3A_281 = arith.index_cast %add3A_258 : i32 to index
      %swap3A_282 = tpu.vector_load %arg22[%swap3A_281] {strides = array<i32>} : memref<10256xi32, #tpu.memory_space<vmem>>, vector<16xi32>,
      tpu.vector_store %arg22[%swap3A_281], %broadcast_in_dim3A_3 {strides = array<i32>} : memref<10256xi32, #tpu.memory_space<vmem>>, vector<16xi32>,
    }
    %scan3A_7 = arith.constant 640 : i32
    %iota3A = tpu.iota {dimensions = array<i32: 0>} : vector<16xi32>
    %add3A_8 = arith.constant 10240 : i32
    %add3A_9 = vector.broadcast %add3A_8 : i32 to vector<16xi32>
    %add3A_10 = arith.addi %add3A_9, %iota3A : vector<16xi32>
    %scan3A_11 = arith.constant 0 : i32
    %scan3A_12 = arith.constant 0 : i32
    %scan3A_13 = arith.constant 0 : i32
    %scan3A_14 = arith.constant 0 : i32
    %scan3A_15 = arith.constant 0 : i32
    %scan3A_16 = arith.constant 0 : i32
    %scan3A_17 = arith.constant 0 : i32
    %scan3A_18 = arith.constant 5 : i32
    %scan3A_19 = arith.addi %scan3A_17, %scan3A_18 : i32
    %scan3A_20 = arith.constant 1 : i32
    %scan3A_21:6 = scf.for %scan3A_254 = %scan3A_17 to %scan3A_19 step %scan3A_20 iter_args(%scan3A_255 = %scan3A_11, %scan3A_256 = %scan3A_12, %scan3A_257 = %scan3A_13, %scan3A_258 = %scan3A_14, %scan3A_259 = %scan3A_15, %scan3A_260 = %scan3A_16) -> (i32, i32, i32, i32, i32, i32)  : i32 {
      %mul3A_261 = arith.constant 1 : i32
      %mul3A_262 = arith.muli %scan3A_254, %mul3A_261 : i32
      %add3A_263 = arith.constant 0 : i32
      %add3A_264 = arith.addi %add3A_263, %mul3A_262 : i32
      %mul3A_265 = arith.constant 10000 : i32
      %mul3A_266 = arith.muli %add3A, %mul3A_265 : i32
      %mul3A_267 = arith.constant 2000 : i32
      %mul3A_268 = arith.muli %add3A_264, %mul3A_267 : i32
      %add3A_269 = arith.addi %mul3A_266, %mul3A_268 : i32
      "tpu.region"() ({
        %run_scoped3A = tpu.sem_alloc : memref<!tpu.dma_semaphore, #tpu.memory_space<semaphore_mem>>
        %dma_start3A = tpu.memref_slice %arg2[%add3A_269] : memref<320000xi32, #tpu.memory_space<hbm>> -> memref<2000xi32, #tpu.memory_space<hbm>>
        %dma_start3A_286 = tpu.memref_slice %arg2[%add3A_269] : memref<320000xi32, #tpu.memory_space<hbm>> -> memref<2000xi32, #tpu.memory_space<hbm>>
        tpu.enqueue_dma source(%dma_start3A_286 : memref<2000xi32, #tpu.memory_space<hbm>>) target(%arg8 : memref<2000xi32, #tpu.memory_space<vmem>>) target_semaphore(%run_scoped3A : memref<!tpu.dma_semaphore, #tpu.memory_space<semaphore_mem>>)
        %dma_wait3A = tpu.memref_slice %arg2[%add3A_269] : memref<320000xi32, #tpu.memory_space<hbm>> -> memref<2000xi32, #tpu.memory_space<hbm>>
        %dma_wait3A_287 = tpu.memref_slice %arg2[%add3A_269] : memref<320000xi32, #tpu.memory_space<hbm>> -> memref<2000xi32, #tpu.memory_space<hbm>>
        tpu.wait_dma2 semaphore(%run_scoped3A : memref<!tpu.dma_semaphore, #tpu.memory_space<semaphore_mem>>) src(%dma_wait3A_287 : memref<2000xi32, #tpu.memory_space<hbm>>) dst(%arg8 : memref<2000xi32, #tpu.memory_space<vmem>>)
        tpu.yield
      }) : () -> ()
      %mul3A_270 = arith.constant 10000 : i32
      %mul3A_271 = arith.muli %add3A, %mul3A_270 : i32
      %mul3A_272 = arith.constant 2000 : i32
      %mul3A_273 = arith.muli %add3A_264, %mul3A_272 : i32
      %add3A_274 = arith.addi %mul3A_271, %mul3A_273 : i32
      "tpu.region"() ({
        %run_scoped3A = tpu.sem_alloc : memref<!tpu.dma_semaphore, #tpu.memory_space<semaphore_mem>>
        %dma_start3A = tpu.memref_slice %arg3[%add3A_274] : memref<320000xi32, #tpu.memory_space<hbm>> -> memref<2000xi32, #tpu.memory_space<hbm>>
        %dma_start3A_286 = tpu.memref_slice %arg3[%add3A_274] : memref<320000xi32, #tpu.memory_space<hbm>> -> memref<2000xi32, #tpu.memory_space<hbm>>
        tpu.enqueue_dma source(%dma_start3A_286 : memref<2000xi32, #tpu.memory_space<hbm>>) target(%arg9 : memref<2000xi32, #tpu.memory_space<vmem>>) target_semaphore(%run_scoped3A : memref<!tpu.dma_semaphore, #tpu.memory_space<semaphore_mem>>)
        %dma_wait3A = tpu.memref_slice %arg3[%add3A_274] : memref<320000xi32, #tpu.memory_space<hbm>> -> memref<2000xi32, #tpu.memory_space<hbm>>
        %dma_wait3A_287 = tpu.memref_slice %arg3[%add3A_274] : memref<320000xi32, #tpu.memory_space<hbm>> -> memref<2000xi32, #tpu.memory_space<hbm>>
        tpu.wait_dma2 semaphore(%run_scoped3A : memref<!tpu.dma_semaphore, #tpu.memory_space<semaphore_mem>>) src(%dma_wait3A_287 : memref<2000xi32, #tpu.memory_space<hbm>>) dst(%arg9 : memref<2000xi32, #tpu.memory_space<vmem>>)
        tpu.yield
      }) : () -> ()
      %mul3A_275 = arith.constant 10000 : i32
      %mul3A_276 = arith.muli %add3A, %mul3A_275 : i32
      %mul3A_277 = arith.constant 2000 : i32
      %mul3A_278 = arith.muli %add3A_264, %mul3A_277 : i32
      %add3A_279 = arith.addi %mul3A_276, %mul3A_278 : i32
      "tpu.region"() ({
        %run_scoped3A = tpu.sem_alloc : memref<!tpu.dma_semaphore, #tpu.memory_space<semaphore_mem>>
        %dma_start3A = tpu.memref_slice %arg4[%add3A_279] : memref<320000xf32, #tpu.memory_space<hbm>> -> memref<2000xf32, #tpu.memory_space<hbm>>
        %dma_start3A_286 = tpu.memref_slice %arg4[%add3A_279] : memref<320000xf32, #tpu.memory_space<hbm>> -> memref<2000xf32, #tpu.memory_space<hbm>>
        tpu.enqueue_dma source(%dma_start3A_286 : memref<2000xf32, #tpu.memory_space<hbm>>) target(%arg10 : memref<2000xf32, #tpu.memory_space<vmem>>) target_semaphore(%run_scoped3A : memref<!tpu.dma_semaphore, #tpu.memory_space<semaphore_mem>>)
        %dma_wait3A = tpu.memref_slice %arg4[%add3A_279] : memref<320000xf32, #tpu.memory_space<hbm>> -> memref<2000xf32, #tpu.memory_space<hbm>>
        %dma_wait3A_287 = tpu.memref_slice %arg4[%add3A_279] : memref<320000xf32, #tpu.memory_space<hbm>> -> memref<2000xf32, #tpu.memory_space<hbm>>
        tpu.wait_dma2 semaphore(%run_scoped3A : memref<!tpu.dma_semaphore, #tpu.memory_space<semaphore_mem>>) src(%dma_wait3A_287 : memref<2000xf32, #tpu.memory_space<hbm>>) dst(%arg10 : memref<2000xf32, #tpu.memory_space<vmem>>)
        tpu.yield
      }) : () -> ()
      %scan3A_280 = arith.constant 0 : i32
      %scan3A_281 = arith.constant 125 : i32
      %scan3A_282 = arith.addi %scan3A_280, %scan3A_281 : i32
      %scan3A_283 = arith.constant 1 : i32
      %scan3A_284:6 = scf.for %scan3A_286 = %scan3A_280 to %scan3A_282 step %scan3A_283 iter_args(%scan3A_287 = %scan3A_255, %scan3A_288 = %scan3A_256, %scan3A_289 = %scan3A_257, %scan3A_290 = %scan3A_258, %scan3A_291 = %scan3A_259, %scan3A_292 = %scan3A_260) -> (i32, i32, i32, i32, i32, i32)  : i32 {
        %mul3A_293 = arith.constant 1 : i32
        %mul3A_294 = arith.muli %scan3A_286, %mul3A_293 : i32
        %add3A_295 = arith.constant 0 : i32
        %add3A_296 = arith.addi %add3A_295, %mul3A_294 : i32
        %mul3A_297 = arith.constant 16 : i32
        %mul3A_298 = arith.muli %add3A_296, %mul3A_297 : i32
        %get3A = arith.index_cast %mul3A_298 : i32 to index
        %get3A_299 = tpu.vector_load %arg8[%get3A] {strides = array<i32>} : memref<2000xi32, #tpu.memory_space<vmem>>, vector<16xi32>,
        %mul3A_300 = arith.constant 16 : i32
        %mul3A_301 = arith.muli %add3A_296, %mul3A_300 : i32
        %get3A_302 = arith.index_cast %mul3A_301 : i32 to index
        %get3A_303 = tpu.vector_load %arg9[%get3A_302] {strides = array<i32>} : memref<2000xi32, #tpu.memory_space<vmem>>, vector<16xi32>,
        %mul3A_304 = arith.constant 16 : i32
        %mul3A_305 = arith.muli %add3A_296, %mul3A_304 : i32
        %get3A_306 = arith.index_cast %mul3A_305 : i32 to index
        %get3A_307 = tpu.vector_load %arg10[%get3A_306] {strides = array<i32>} : memref<2000xf32, #tpu.memory_space<vmem>>, vector<16xf32>,
        %ge3A = arith.constant 0.000000e+00 : f32
        %ge3A_308 = vector.broadcast %ge3A : f32 to vector<16xf32>
        %ge3A_309 = arith.cmpf oge, %get3A_307, %ge3A_308 : vector<16xf32>
        %ge3A_310 = arith.constant 3392 : i32
        %ge3A_311 = vector.broadcast %ge3A_310 : i32 to vector<16xi32>
        %ge3A_312 = arith.cmpi sge, %get3A_303, %ge3A_311 : vector<16xi32>
        %ge3A_313 = arith.constant 6784 : i32
        %ge3A_314 = vector.broadcast %ge3A_313 : i32 to vector<16xi32>
        %ge3A_315 = arith.cmpi sge, %get3A_303, %ge3A_314 : vector<16xi32>
        %jit3A_316 = arith.constant 3392 : i32
        %jit3A_317 = arith.constant 0 : i32
        %broadcast_in_dim3A_318 = vector.broadcast %jit3A_316 : i32 to vector<16xi32>
        %broadcast_in_dim3A_319 = vector.broadcast %jit3A_317 : i32 to vector<16xi32>
        %select_n3A_320 = arith.select %ge3A_312, %broadcast_in_dim3A_318, %broadcast_in_dim3A_319 : vector<16xi1>, vector<16xi32>
        %jit3A_321 = arith.constant 6784 : i32
        %broadcast_in_dim3A_322 = vector.broadcast %jit3A_321 : i32 to vector<16xi32>
        %select_n3A_323 = arith.select %ge3A_315, %broadcast_in_dim3A_322, %select_n3A_320 : vector<16xi1>, vector<16xi32>
        %sub3A_324 = arith.subi %get3A_303, %select_n3A_323 : vector<16xi32>
        %convert_element_type3A = arith.extui %ge3A_312 : vector<16xi1> to vector<16xi32>
        %convert_element_type3A_325 = arith.extui %ge3A_315 : vector<16xi1> to vector<16xi32>
        %add3A_326 = arith.addi %convert_element_type3A, %convert_element_type3A_325 : vector<16xi32>
        %eq3A = arith.constant 0 : i32
        %eq3A_327 = vector.broadcast %eq3A : i32 to vector<16xi32>
        %eq3A_328 = arith.cmpi eq, %add3A_326, %eq3A_327 : vector<16xi32>
        %and3A_329 = arith.andi %ge3A_309, %eq3A_328 : vector<16xi1>
        %convert_element_type3A_330 = arith.extui %and3A_329 : vector<16xi1> to vector<16xi32>
        %broadcast_in_dim3A_331 = arith.constant true
        %broadcast_in_dim3A_332 = vector.broadcast %broadcast_in_dim3A_331 : i1 to vector<16xi1>
        %masked_cumsum3A = tpu.scan <sum>, %convert_element_type3A_330 masked %broadcast_in_dim3A_332 : vector<16xi32>, vector<16xi1> -> vector<16xi32>
        %add3A_333 = vector.broadcast %scan3A_287 : i32 to vector<16xi32>
        %add3A_334 = arith.addi %add3A_333, %masked_cumsum3A : vector<16xi32>
        %sub3A_335 = arith.subi %add3A_334, %convert_element_type3A_330 : vector<16xi32>
        %select_n3A_336 = arith.select %and3A_329, %sub3A_335, %add3A_10 : vector<16xi1>, vector<16xi32>
        tpu.vector_store_idx %arg11[%select_n3A_336], %get3A_299 : memref<10256xi32, #tpu.memory_space<vmem>>[vector<16xi32>], vector<16xi32>,
        tpu.vector_store_idx %arg17[%select_n3A_336], %sub3A_324 : memref<10256xi32, #tpu.memory_space<vmem>>[vector<16xi32>], vector<16xi32>,
        %reduce_max3A = arith.constant true
        %reduce_max3A_337 = vector.broadcast %reduce_max3A : i1 to vector<16xi1>
        %reduce_max3A_338 = arith.constant -2147483648 : i32
        %reduce_max3A_339 = vector.broadcast %reduce_max3A_338 : i32 to vector<16xi32>
        %reduce_max3A_340 = arith.xori %masked_cumsum3A, %reduce_max3A_339 : vector<16xi32>
        %reduce_max3A_341 = tpu.scan <max>, %reduce_max3A_340 masked %reduce_max3A_337 : vector<16xi32>, vector<16xi1> -> vector<16xi32>
        %reduce_max3A_342 = arith.xori %reduce_max3A_341, %reduce_max3A_339 : vector<16xi32>
        %reduce_max3A_343 = vector.extract %reduce_max3A_342[15] : i32 from vector<16xi32>
        %add3A_344 = arith.addi %scan3A_287, %reduce_max3A_343 : i32
        %eq3A_345 = arith.constant 1 : i32
        %eq3A_346 = vector.broadcast %eq3A_345 : i32 to vector<16xi32>
        %eq3A_347 = arith.cmpi eq, %add3A_326, %eq3A_346 : vector<16xi32>
        %and3A_348 = arith.andi %ge3A_309, %eq3A_347 : vector<16xi1>
        %convert_element_type3A_349 = arith.extui %and3A_348 : vector<16xi1> to vector<16xi32>
        %broadcast_in_dim3A_350 = arith.constant true
        %broadcast_in_dim3A_351 = vector.broadcast %broadcast_in_dim3A_350 : i1 to vector<16xi1>
        %masked_cumsum3A_352 = tpu.scan <sum>, %convert_element_type3A_349 masked %broadcast_in_dim3A_351 : vector<16xi32>, vector<16xi1> -> vector<16xi32>
        %add3A_353 = vector.broadcast %scan3A_288 : i32 to vector<16xi32>
        %add3A_354 = arith.addi %add3A_353, %masked_cumsum3A_352 : vector<16xi32>
        %sub3A_355 = arith.subi %add3A_354, %convert_element_type3A_349 : vector<16xi32>
        %select_n3A_356 = arith.select %and3A_348, %sub3A_355, %add3A_10 : vector<16xi1>, vector<16xi32>
        tpu.vector_store_idx %arg12[%select_n3A_356], %get3A_299 : memref<10256xi32, #tpu.memory_space<vmem>>[vector<16xi32>], vector<16xi32>,
        tpu.vector_store_idx %arg18[%select_n3A_356], %sub3A_324 : memref<10256xi32, #tpu.memory_space<vmem>>[vector<16xi32>], vector<16xi32>,
        %reduce_max3A_357 = arith.constant true
        %reduce_max3A_358 = vector.broadcast %reduce_max3A_357 : i1 to vector<16xi1>
        %reduce_max3A_359 = arith.constant -2147483648 : i32
        %reduce_max3A_360 = vector.broadcast %reduce_max3A_359 : i32 to vector<16xi32>
        %reduce_max3A_361 = arith.xori %masked_cumsum3A_352, %reduce_max3A_360 : vector<16xi32>
        %reduce_max3A_362 = tpu.scan <max>, %reduce_max3A_361 masked %reduce_max3A_358 : vector<16xi32>, vector<16xi1> -> vector<16xi32>
        %reduce_max3A_363 = arith.xori %reduce_max3A_362, %reduce_max3A_360 : vector<16xi32>
        %reduce_max3A_364 = vector.extract %reduce_max3A_363[15] : i32 from vector<16xi32>
        %add3A_365 = arith.addi %scan3A_288, %reduce_max3A_364 : i32
        %eq3A_366 = arith.constant 2 : i32
        %eq3A_367 = vector.broadcast %eq3A_366 : i32 to vector<16xi32>
        %eq3A_368 = arith.cmpi eq, %add3A_326, %eq3A_367 : vector<16xi32>
        %and3A_369 = arith.andi %ge3A_309, %eq3A_368 : vector<16xi1>
        %convert_element_type3A_370 = arith.extui %and3A_369 : vector<16xi1> to vector<16xi32>
        %broadcast_in_dim3A_371 = arith.constant true
        %broadcast_in_dim3A_372 = vector.broadcast %broadcast_in_dim3A_371 : i1 to vector<16xi1>
        %masked_cumsum3A_373 = tpu.scan <sum>, %convert_element_type3A_370 masked %broadcast_in_dim3A_372 : vector<16xi32>, vector<16xi1> -> vector<16xi32>
        %add3A_374 = vector.broadcast %scan3A_289 : i32 to vector<16xi32>
        %add3A_375 = arith.addi %add3A_374, %masked_cumsum3A_373 : vector<16xi32>
        %sub3A_376 = arith.subi %add3A_375, %convert_element_type3A_370 : vector<16xi32>
        %select_n3A_377 = arith.select %and3A_369, %sub3A_376, %add3A_10 : vector<16xi1>, vector<16xi32>
        tpu.vector_store_idx %arg13[%select_n3A_377], %get3A_299 : memref<10256xi32, #tpu.memory_space<vmem>>[vector<16xi32>], vector<16xi32>,
        tpu.vector_store_idx %arg19[%select_n3A_377], %sub3A_324 : memref<10256xi32, #tpu.memory_space<vmem>>[vector<16xi32>], vector<16xi32>,
        %reduce_max3A_378 = arith.constant true
        %reduce_max3A_379 = vector.broadcast %reduce_max3A_378 : i1 to vector<16xi1>
        %reduce_max3A_380 = arith.constant -2147483648 : i32
        %reduce_max3A_381 = vector.broadcast %reduce_max3A_380 : i32 to vector<16xi32>
        %reduce_max3A_382 = arith.xori %masked_cumsum3A_373, %reduce_max3A_381 : vector<16xi32>
        %reduce_max3A_383 = tpu.scan <max>, %reduce_max3A_382 masked %reduce_max3A_379 : vector<16xi32>, vector<16xi1> -> vector<16xi32>
        %reduce_max3A_384 = arith.xori %reduce_max3A_383, %reduce_max3A_381 : vector<16xi32>
        %reduce_max3A_385 = vector.extract %reduce_max3A_384[15] : i32 from vector<16xi32>
        %add3A_386 = arith.addi %scan3A_289, %reduce_max3A_385 : i32
        %not3A = arith.constant dense<true> : vector<16xi1>
        %not3A_387 = arith.xori %ge3A_309, %not3A : vector<16xi1>
        %eq3A_388 = arith.constant 0 : i32
        %eq3A_389 = vector.broadcast %eq3A_388 : i32 to vector<16xi32>
        %eq3A_390 = arith.cmpi eq, %add3A_326, %eq3A_389 : vector<16xi32>
        %and3A_391 = arith.andi %not3A_387, %eq3A_390 : vector<16xi1>
        %convert_element_type3A_392 = arith.extui %and3A_391 : vector<16xi1> to vector<16xi32>
        %broadcast_in_dim3A_393 = arith.constant true
        %broadcast_in_dim3A_394 = vector.broadcast %broadcast_in_dim3A_393 : i1 to vector<16xi1>
        %masked_cumsum3A_395 = tpu.scan <sum>, %convert_element_type3A_392 masked %broadcast_in_dim3A_394 : vector<16xi32>, vector<16xi1> -> vector<16xi32>
        %add3A_396 = vector.broadcast %scan3A_290 : i32 to vector<16xi32>
        %add3A_397 = arith.addi %add3A_396, %masked_cumsum3A_395 : vector<16xi32>
        %sub3A_398 = arith.subi %add3A_397, %convert_element_type3A_392 : vector<16xi32>
        %select_n3A_399 = arith.select %and3A_391, %sub3A_398, %add3A_10 : vector<16xi1>, vector<16xi32>
        tpu.vector_store_idx %arg14[%select_n3A_399], %get3A_299 : memref<10256xi32, #tpu.memory_space<vmem>>[vector<16xi32>], vector<16xi32>,
        tpu.vector_store_idx %arg20[%select_n3A_399], %sub3A_324 : memref<10256xi32, #tpu.memory_space<vmem>>[vector<16xi32>], vector<16xi32>,
        %reduce_max3A_400 = arith.constant true
        %reduce_max3A_401 = vector.broadcast %reduce_max3A_400 : i1 to vector<16xi1>
        %reduce_max3A_402 = arith.constant -2147483648 : i32
        %reduce_max3A_403 = vector.broadcast %reduce_max3A_402 : i32 to vector<16xi32>
        %reduce_max3A_404 = arith.xori %masked_cumsum3A_395, %reduce_max3A_403 : vector<16xi32>
        %reduce_max3A_405 = tpu.scan <max>, %reduce_max3A_404 masked %reduce_max3A_401 : vector<16xi32>, vector<16xi1> -> vector<16xi32>
        %reduce_max3A_406 = arith.xori %reduce_max3A_405, %reduce_max3A_403 : vector<16xi32>
        %reduce_max3A_407 = vector.extract %reduce_max3A_406[15] : i32 from vector<16xi32>
        %add3A_408 = arith.addi %scan3A_290, %reduce_max3A_407 : i32
        %not3A_409 = arith.constant dense<true> : vector<16xi1>
        %not3A_410 = arith.xori %ge3A_309, %not3A_409 : vector<16xi1>
        %eq3A_411 = arith.constant 1 : i32
        %eq3A_412 = vector.broadcast %eq3A_411 : i32 to vector<16xi32>
        %eq3A_413 = arith.cmpi eq, %add3A_326, %eq3A_412 : vector<16xi32>
        %and3A_414 = arith.andi %not3A_410, %eq3A_413 : vector<16xi1>
        %convert_element_type3A_415 = arith.extui %and3A_414 : vector<16xi1> to vector<16xi32>
        %broadcast_in_dim3A_416 = arith.constant true
        %broadcast_in_dim3A_417 = vector.broadcast %broadcast_in_dim3A_416 : i1 to vector<16xi1>
        %masked_cumsum3A_418 = tpu.scan <sum>, %convert_element_type3A_415 masked %broadcast_in_dim3A_417 : vector<16xi32>, vector<16xi1> -> vector<16xi32>
        %add3A_419 = vector.broadcast %scan3A_291 : i32 to vector<16xi32>
        %add3A_420 = arith.addi %add3A_419, %masked_cumsum3A_418 : vector<16xi32>
        %sub3A_421 = arith.subi %add3A_420, %convert_element_type3A_415 : vector<16xi32>
        %select_n3A_422 = arith.select %and3A_414, %sub3A_421, %add3A_10 : vector<16xi1>, vector<16xi32>
        tpu.vector_store_idx %arg15[%select_n3A_422], %get3A_299 : memref<10256xi32, #tpu.memory_space<vmem>>[vector<16xi32>], vector<16xi32>,
        tpu.vector_store_idx %arg21[%select_n3A_422], %sub3A_324 : memref<10256xi32, #tpu.memory_space<vmem>>[vector<16xi32>], vector<16xi32>,
        %reduce_max3A_423 = arith.constant true
        %reduce_max3A_424 = vector.broadcast %reduce_max3A_423 : i1 to vector<16xi1>
        %reduce_max3A_425 = arith.constant -2147483648 : i32
        %reduce_max3A_426 = vector.broadcast %reduce_max3A_425 : i32 to vector<16xi32>
        %reduce_max3A_427 = arith.xori %masked_cumsum3A_418, %reduce_max3A_426 : vector<16xi32>
        %reduce_max3A_428 = tpu.scan <max>, %reduce_max3A_427 masked %reduce_max3A_424 : vector<16xi32>, vector<16xi1> -> vector<16xi32>
        %reduce_max3A_429 = arith.xori %reduce_max3A_428, %reduce_max3A_426 : vector<16xi32>
        %reduce_max3A_430 = vector.extract %reduce_max3A_429[15] : i32 from vector<16xi32>
        %add3A_431 = arith.addi %scan3A_291, %reduce_max3A_430 : i32
        %not3A_432 = arith.constant dense<true> : vector<16xi1>
        %not3A_433 = arith.xori %ge3A_309, %not3A_432 : vector<16xi1>
        %eq3A_434 = arith.constant 2 : i32
        %eq3A_435 = vector.broadcast %eq3A_434 : i32 to vector<16xi32>
        %eq3A_436 = arith.cmpi eq, %add3A_326, %eq3A_435 : vector<16xi32>
        %and3A_437 = arith.andi %not3A_433, %eq3A_436 : vector<16xi1>
        %convert_element_type3A_438 = arith.extui %and3A_437 : vector<16xi1> to vector<16xi32>
        %broadcast_in_dim3A_439 = arith.constant true
        %broadcast_in_dim3A_440 = vector.broadcast %broadcast_in_dim3A_439 : i1 to vector<16xi1>
        %masked_cumsum3A_441 = tpu.scan <sum>, %convert_element_type3A_438 masked %broadcast_in_dim3A_440 : vector<16xi32>, vector<16xi1> -> vector<16xi32>
        %add3A_442 = vector.broadcast %scan3A_292 : i32 to vector<16xi32>
        %add3A_443 = arith.addi %add3A_442, %masked_cumsum3A_441 : vector<16xi32>
        %sub3A_444 = arith.subi %add3A_443, %convert_element_type3A_438 : vector<16xi32>
        %select_n3A_445 = arith.select %and3A_437, %sub3A_444, %add3A_10 : vector<16xi1>, vector<16xi32>
        tpu.vector_store_idx %arg16[%select_n3A_445], %get3A_299 : memref<10256xi32, #tpu.memory_space<vmem>>[vector<16xi32>], vector<16xi32>,
        tpu.vector_store_idx %arg22[%select_n3A_445], %sub3A_324 : memref<10256xi32, #tpu.memory_space<vmem>>[vector<16xi32>], vector<16xi32>,
        %reduce_max3A_446 = arith.constant true
        %reduce_max3A_447 = vector.broadcast %reduce_max3A_446 : i1 to vector<16xi1>
        %reduce_max3A_448 = arith.constant -2147483648 : i32
        %reduce_max3A_449 = vector.broadcast %reduce_max3A_448 : i32 to vector<16xi32>
        %reduce_max3A_450 = arith.xori %masked_cumsum3A_441, %reduce_max3A_449 : vector<16xi32>
        %reduce_max3A_451 = tpu.scan <max>, %reduce_max3A_450 masked %reduce_max3A_447 : vector<16xi32>, vector<16xi1> -> vector<16xi32>
        %reduce_max3A_452 = arith.xori %reduce_max3A_451, %reduce_max3A_449 : vector<16xi32>
        %reduce_max3A_453 = vector.extract %reduce_max3A_452[15] : i32 from vector<16xi32>
        %add3A_454 = arith.addi %scan3A_292, %reduce_max3A_453 : i32
        scf.yield %add3A_344, %add3A_365, %add3A_386, %add3A_408, %add3A_431, %add3A_454 : i32, i32, i32, i32, i32, i32
      }
      %scan3A_285 = arith.constant 125 : i32
      scf.yield %scan3A_284#0, %scan3A_284#1, %scan3A_284#2, %scan3A_284#3, %scan3A_284#4, %scan3A_284#5 : i32, i32, i32, i32, i32, i32
    }
    %scan3A_22 = arith.constant 5 : i32
    %add3A_23 = arith.constant 0 : i32
    %add3A_24 = arith.addi %add3A_23, %add3A : i32
    %mul3A_25 = arith.constant 10240 : i32
    %mul3A_26 = arith.muli %add3A_24, %mul3A_25 : i32
    "tpu.region"() ({
      %run_scoped3A = tpu.sem_alloc : memref<!tpu.dma_semaphore, #tpu.memory_space<semaphore_mem>>
      %dma_start3A = arith.constant 0 : i32
      %dma_start3A_254 = tpu.memref_slice %arg11[%dma_start3A] : memref<10256xi32, #tpu.memory_space<vmem>> -> memref<10240xi32, #tpu.memory_space<vmem>>
      %dma_start3A_255 = tpu.memref_slice %arg5[%mul3A_26] : memref<1966080xi32, #tpu.memory_space<hbm>> -> memref<10240xi32, #tpu.memory_space<hbm>>
      %dma_start3A_256 = tpu.memref_slice %arg5[%mul3A_26] : memref<1966080xi32, #tpu.memory_space<hbm>> -> memref<10240xi32, #tpu.memory_space<hbm>>
      %dma_start3A_257 = arith.constant 0 : i32
      %dma_start3A_258 = tpu.memref_slice %arg11[%dma_start3A_257] : memref<10256xi32, #tpu.memory_space<vmem>> -> memref<10240xi32, #tpu.memory_space<vmem>>
      tpu.enqueue_dma source(%dma_start3A_258 : memref<10240xi32, #tpu.memory_space<vmem>>) target(%dma_start3A_256 : memref<10240xi32, #tpu.memory_space<hbm>>) target_semaphore(%run_scoped3A : memref<!tpu.dma_semaphore, #tpu.memory_space<semaphore_mem>>)
      %dma_wait3A = arith.constant 0 : i32
      %dma_wait3A_259 = tpu.memref_slice %arg11[%dma_wait3A] : memref<10256xi32, #tpu.memory_space<vmem>> -> memref<10240xi32, #tpu.memory_space<vmem>>
      %dma_wait3A_260 = tpu.memref_slice %arg5[%mul3A_26] : memref<1966080xi32, #tpu.memory_space<hbm>> -> memref<10240xi32, #tpu.memory_space<hbm>>
      %dma_wait3A_261 = tpu.memref_slice %arg5[%mul3A_26] : memref<1966080xi32, #tpu.memory_space<hbm>> -> memref<10240xi32, #tpu.memory_space<hbm>>
      %dma_wait3A_262 = arith.constant 0 : i32
      %dma_wait3A_263 = tpu.memref_slice %arg11[%dma_wait3A_262] : memref<10256xi32, #tpu.memory_space<vmem>> -> memref<10240xi32, #tpu.memory_space<vmem>>
      tpu.wait_dma2 semaphore(%run_scoped3A : memref<!tpu.dma_semaphore, #tpu.memory_space<semaphore_mem>>) src(%dma_wait3A_263 : memref<10240xi32, #tpu.memory_space<vmem>>) dst(%dma_wait3A_261 : memref<10240xi32, #tpu.memory_space<hbm>>)
      tpu.yield
    }) : () -> ()
    "tpu.region"() ({
      %run_scoped3A = tpu.sem_alloc : memref<!tpu.dma_semaphore, #tpu.memory_space<semaphore_mem>>
      %dma_start3A = arith.constant 0 : i32
      %dma_start3A_254 = tpu.memref_slice %arg17[%dma_start3A] : memref<10256xi32, #tpu.memory_space<vmem>> -> memref<10240xi32, #tpu.memory_space<vmem>>
      %dma_start3A_255 = tpu.memref_slice %arg6[%mul3A_26] : memref<1966080xi32, #tpu.memory_space<hbm>> -> memref<10240xi32, #tpu.memory_space<hbm>>
      %dma_start3A_256 = tpu.memref_slice %arg6[%mul3A_26] : memref<1966080xi32, #tpu.memory_space<hbm>> -> memref<10240xi32, #tpu.memory_space<hbm>>
      %dma_start3A_257 = arith.constant 0 : i32
      %dma_start3A_258 = tpu.memref_slice %arg17[%dma_start3A_257] : memref<10256xi32, #tpu.memory_space<vmem>> -> memref<10240xi32, #tpu.memory_space<vmem>>
      tpu.enqueue_dma source(%dma_start3A_258 : memref<10240xi32, #tpu.memory_space<vmem>>) target(%dma_start3A_256 : memref<10240xi32, #tpu.memory_space<hbm>>) target_semaphore(%run_scoped3A : memref<!tpu.dma_semaphore, #tpu.memory_space<semaphore_mem>>)
      %dma_wait3A = arith.constant 0 : i32
      %dma_wait3A_259 = tpu.memref_slice %arg17[%dma_wait3A] : memref<10256xi32, #tpu.memory_space<vmem>> -> memref<10240xi32, #tpu.memory_space<vmem>>
      %dma_wait3A_260 = tpu.memref_slice %arg6[%mul3A_26] : memref<1966080xi32, #tpu.memory_space<hbm>> -> memref<10240xi32, #tpu.memory_space<hbm>>
      %dma_wait3A_261 = tpu.memref_slice %arg6[%mul3A_26] : memref<1966080xi32, #tpu.memory_space<hbm>> -> memref<10240xi32, #tpu.memory_space<hbm>>
      %dma_wait3A_262 = arith.constant 0 : i32
      %dma_wait3A_263 = tpu.memref_slice %arg17[%dma_wait3A_262] : memref<10256xi32, #tpu.memory_space<vmem>> -> memref<10240xi32, #tpu.memory_space<vmem>>
      tpu.wait_dma2 semaphore(%run_scoped3A : memref<!tpu.dma_semaphore, #tpu.memory_space<semaphore_mem>>) src(%dma_wait3A_263 : memref<10240xi32, #tpu.memory_space<vmem>>) dst(%dma_wait3A_261 : memref<10240xi32, #tpu.memory_space<hbm>>)
      tpu.yield
    }) : () -> ()
    %add3A_27 = arith.constant 127 : i32
    %add3A_28 = arith.addi %scan3A_21#0, %add3A_27 : i32
    %jit3A = arith.constant 128 : i32
    %div3A = arith.divsi %add3A_28, %jit3A : i32
    %sign3A = arith.constant 0 : i32
    %sign3A_29 = arith.cmpi sgt, %add3A_28, %sign3A : i32
    %sign3A_30 = arith.extui %sign3A_29 : i1 to i32
    %sign3A_31 = arith.constant 0 : i32
    %sign3A_32 = arith.cmpi slt, %add3A_28, %sign3A_31 : i32
    %sign3A_33 = arith.extui %sign3A_32 : i1 to i32
    %sign3A_34 = arith.subi %sign3A_30, %sign3A_33 : i32
    %sign3A_35 = arith.constant 0 : i32
    %sign3A_36 = arith.cmpi sgt, %jit3A, %sign3A_35 : i32
    %sign3A_37 = arith.extui %sign3A_36 : i1 to i32
    %sign3A_38 = arith.constant 0 : i32
    %sign3A_39 = arith.cmpi slt, %jit3A, %sign3A_38 : i32
    %sign3A_40 = arith.extui %sign3A_39 : i1 to i32
    %sign3A_41 = arith.subi %sign3A_37, %sign3A_40 : i32
    %ne3A = arith.cmpi ne, %sign3A_34, %sign3A_41 : i32
    %rem3A = arith.remsi %add3A_28, %jit3A : i32
    %ne3A_42 = arith.constant 0 : i32
    %ne3A_43 = arith.cmpi ne, %rem3A, %ne3A_42 : i32
    %and3A = arith.andi %ne3A, %ne3A_43 : i1
    %sub3A = arith.constant 1 : i32
    %sub3A_44 = arith.subi %div3A, %sub3A : i32
    %select_n3A = arith.select %and3A, %sub3A_44, %div3A : i32
    %broadcast_in_dim3A_45 = arith.constant 0 : i32
    %broadcast_in_dim3A_46 = vector.broadcast %broadcast_in_dim3A_45 : i32 to vector<16xi32>
    %add3A_47 = vector.broadcast %select_n3A : i32 to vector<16xi32>
    %add3A_48 = arith.addi %broadcast_in_dim3A_46, %add3A_47 : vector<16xi32>
    %swap3A = arith.constant 0 : index
    %swap3A_49 = tpu.vector_load %arg23[%swap3A] {strides = array<i32>} : memref<16xi32, #tpu.memory_space<vmem>>, vector<16xi32>,
    tpu.vector_store %arg23[%swap3A], %add3A_48 {strides = array<i32>} : memref<16xi32, #tpu.memory_space<vmem>>, vector<16xi32>,
    %add3A_50 = arith.constant 0 : i32
    %add3A_51 = arith.addi %add3A_50, %add3A : i32
    %mul3A_52 = arith.constant 16 : i32
    %mul3A_53 = arith.muli %add3A_51, %mul3A_52 : i32
    "tpu.region"() ({
      %run_scoped3A = tpu.sem_alloc : memref<!tpu.dma_semaphore, #tpu.memory_space<semaphore_mem>>
      %dma_start3A = tpu.memref_slice %arg7[%mul3A_53] : memref<3072xi32, #tpu.memory_space<hbm>> -> memref<16xi32, #tpu.memory_space<hbm>>
      %dma_start3A_254 = tpu.memref_slice %arg7[%mul3A_53] : memref<3072xi32, #tpu.memory_space<hbm>> -> memref<16xi32, #tpu.memory_space<hbm>>
      tpu.enqueue_dma source(%arg23 : memref<16xi32, #tpu.memory_space<vmem>>) target(%dma_start3A_254 : memref<16xi32, #tpu.memory_space<hbm>>) target_semaphore(%run_scoped3A : memref<!tpu.dma_semaphore, #tpu.memory_space<semaphore_mem>>)
      %dma_wait3A = tpu.memref_slice %arg7[%mul3A_53] : memref<3072xi32, #tpu.memory_space<hbm>> -> memref<16xi32, #tpu.memory_space<hbm>>
      %dma_wait3A_255 = tpu.memref_slice %arg7[%mul3A_53] : memref<3072xi32, #tpu.memory_space<hbm>> -> memref<16xi32, #tpu.memory_space<hbm>>
      tpu.wait_dma2 semaphore(%run_scoped3A : memref<!tpu.dma_semaphore, #tpu.memory_space<semaphore_mem>>) src(%arg23 : memref<16xi32, #tpu.memory_space<vmem>>) dst(%dma_wait3A_255 : memref<16xi32, #tpu.memory_space<hbm>>)
      tpu.yield
    }) : () -> ()
    %add3A_54 = arith.constant 32 : i32
    %add3A_55 = arith.addi %add3A_54, %add3A : i32
    %mul3A_56 = arith.constant 10240 : i32
    %mul3A_57 = arith.muli %add3A_55, %mul3A_56 : i32
    "tpu.region"() ({
      %run_scoped3A = tpu.sem_alloc : memref<!tpu.dma_semaphore, #tpu.memory_space<semaphore_mem>>
      %dma_start3A = arith.constant 0 : i32
      %dma_start3A_254 = tpu.memref_slice %arg12[%dma_start3A] : memref<10256xi32, #tpu.memory_space<vmem>> -> memref<10240xi32, #tpu.memory_space<vmem>>
      %dma_start3A_255 = tpu.memref_slice %arg5[%mul3A_57] : memref<1966080xi32, #tpu.memory_space<hbm>> -> memref<10240xi32, #tpu.memory_space<hbm>>
      %dma_start3A_256 = tpu.memref_slice %arg5[%mul3A_57] : memref<1966080xi32, #tpu.memory_space<hbm>> -> memref<10240xi32, #tpu.memory_space<hbm>>
      %dma_start3A_257 = arith.constant 0 : i32
      %dma_start3A_258 = tpu.memref_slice %arg12[%dma_start3A_257] : memref<10256xi32, #tpu.memory_space<vmem>> -> memref<10240xi32, #tpu.memory_space<vmem>>
      tpu.enqueue_dma source(%dma_start3A_258 : memref<10240xi32, #tpu.memory_space<vmem>>) target(%dma_start3A_256 : memref<10240xi32, #tpu.memory_space<hbm>>) target_semaphore(%run_scoped3A : memref<!tpu.dma_semaphore, #tpu.memory_space<semaphore_mem>>)
      %dma_wait3A = arith.constant 0 : i32
      %dma_wait3A_259 = tpu.memref_slice %arg12[%dma_wait3A] : memref<10256xi32, #tpu.memory_space<vmem>> -> memref<10240xi32, #tpu.memory_space<vmem>>
      %dma_wait3A_260 = tpu.memref_slice %arg5[%mul3A_57] : memref<1966080xi32, #tpu.memory_space<hbm>> -> memref<10240xi32, #tpu.memory_space<hbm>>
      %dma_wait3A_261 = tpu.memref_slice %arg5[%mul3A_57] : memref<1966080xi32, #tpu.memory_space<hbm>> -> memref<10240xi32, #tpu.memory_space<hbm>>
      %dma_wait3A_262 = arith.constant 0 : i32
      %dma_wait3A_263 = tpu.memref_slice %arg12[%dma_wait3A_262] : memref<10256xi32, #tpu.memory_space<vmem>> -> memref<10240xi32, #tpu.memory_space<vmem>>
      tpu.wait_dma2 semaphore(%run_scoped3A : memref<!tpu.dma_semaphore, #tpu.memory_space<semaphore_mem>>) src(%dma_wait3A_263 : memref<10240xi32, #tpu.memory_space<vmem>>) dst(%dma_wait3A_261 : memref<10240xi32, #tpu.memory_space<hbm>>)
      tpu.yield
    }) : () -> ()
    "tpu.region"() ({
      %run_scoped3A = tpu.sem_alloc : memref<!tpu.dma_semaphore, #tpu.memory_space<semaphore_mem>>
      %dma_start3A = arith.constant 0 : i32
      %dma_start3A_254 = tpu.memref_slice %arg18[%dma_start3A] : memref<10256xi32, #tpu.memory_space<vmem>> -> memref<10240xi32, #tpu.memory_space<vmem>>
      %dma_start3A_255 = tpu.memref_slice %arg6[%mul3A_57] : memref<1966080xi32, #tpu.memory_space<hbm>> -> memref<10240xi32, #tpu.memory_space<hbm>>
      %dma_start3A_256 = tpu.memref_slice %arg6[%mul3A_57] : memref<1966080xi32, #tpu.memory_space<hbm>> -> memref<10240xi32, #tpu.memory_space<hbm>>
      %dma_start3A_257 = arith.constant 0 : i32
      %dma_start3A_258 = tpu.memref_slice %arg18[%dma_start3A_257] : memref<10256xi32, #tpu.memory_space<vmem>> -> memref<10240xi32, #tpu.memory_space<vmem>>
      tpu.enqueue_dma source(%dma_start3A_258 : memref<10240xi32, #tpu.memory_space<vmem>>) target(%dma_start3A_256 : memref<10240xi32, #tpu.memory_space<hbm>>) target_semaphore(%run_scoped3A : memref<!tpu.dma_semaphore, #tpu.memory_space<semaphore_mem>>)
      %dma_wait3A = arith.constant 0 : i32
      %dma_wait3A_259 = tpu.memref_slice %arg18[%dma_wait3A] : memref<10256xi32, #tpu.memory_space<vmem>> -> memref<10240xi32, #tpu.memory_space<vmem>>
      %dma_wait3A_260 = tpu.memref_slice %arg6[%mul3A_57] : memref<1966080xi32, #tpu.memory_space<hbm>> -> memref<10240xi32, #tpu.memory_space<hbm>>
      %dma_wait3A_261 = tpu.memref_slice %arg6[%mul3A_57] : memref<1966080xi32, #tpu.memory_space<hbm>> -> memref<10240xi32, #tpu.memory_space<hbm>>
      %dma_wait3A_262 = arith.constant 0 : i32
      %dma_wait3A_263 = tpu.memref_slice %arg18[%dma_wait3A_262] : memref<10256xi32, #tpu.memory_space<vmem>> -> memref<10240xi32, #tpu.memory_space<vmem>>
      tpu.wait_dma2 semaphore(%run_scoped3A : memref<!tpu.dma_semaphore, #tpu.memory_space<semaphore_mem>>) src(%dma_wait3A_263 : memref<10240xi32, #tpu.memory_space<vmem>>) dst(%dma_wait3A_261 : memref<10240xi32, #tpu.memory_space<hbm>>)
      tpu.yield
    }) : () -> ()
    %add3A_58 = arith.constant 127 : i32
    %add3A_59 = arith.addi %scan3A_21#1, %add3A_58 : i32
    %jit3A_60 = arith.constant 128 : i32
    %div3A_61 = arith.divsi %add3A_59, %jit3A_60 : i32
    %sign3A_62 = arith.constant 0 : i32
    %sign3A_63 = arith.cmpi sgt, %add3A_59, %sign3A_62 : i32
    %sign3A_64 = arith.extui %sign3A_63 : i1 to i32
    %sign3A_65 = arith.constant 0 : i32
    %sign3A_66 = arith.cmpi slt, %add3A_59, %sign3A_65 : i32
    %sign3A_67 = arith.extui %sign3A_66 : i1 to i32
    %sign3A_68 = arith.subi %sign3A_64, %sign3A_67 : i32
    %sign3A_69 = arith.constant 0 : i32
    %sign3A_70 = arith.cmpi sgt, %jit3A_60, %sign3A_69 : i32
    %sign3A_71 = arith.extui %sign3A_70 : i1 to i32
    %sign3A_72 = arith.constant 0 : i32
    %sign3A_73 = arith.cmpi slt, %jit3A_60, %sign3A_72 : i32
    %sign3A_74 = arith.extui %sign3A_73 : i1 to i32
    %sign3A_75 = arith.subi %sign3A_71, %sign3A_74 : i32
    %ne3A_76 = arith.cmpi ne, %sign3A_68, %sign3A_75 : i32
    %rem3A_77 = arith.remsi %add3A_59, %jit3A_60 : i32
    %ne3A_78 = arith.constant 0 : i32
    %ne3A_79 = arith.cmpi ne, %rem3A_77, %ne3A_78 : i32
    %and3A_80 = arith.andi %ne3A_76, %ne3A_79 : i1
    %sub3A_81 = arith.constant 1 : i32
    %sub3A_82 = arith.subi %div3A_61, %sub3A_81 : i32
    %select_n3A_83 = arith.select %and3A_80, %sub3A_82, %div3A_61 : i32
    %broadcast_in_dim3A_84 = arith.constant 0 : i32
    %broadcast_in_dim3A_85 = vector.broadcast %broadcast_in_dim3A_84 : i32 to vector<16xi32>
    %add3A_86 = vector.broadcast %select_n3A_83 : i32 to vector<16xi32>
    %add3A_87 = arith.addi %broadcast_in_dim3A_85, %add3A_86 : vector<16xi32>
    %swap3A_88 = arith.constant 0 : index
    %swap3A_89 = tpu.vector_load %arg23[%swap3A_88] {strides = array<i32>} : memref<16xi32, #tpu.memory_space<vmem>>, vector<16xi32>,
    tpu.vector_store %arg23[%swap3A_88], %add3A_87 {strides = array<i32>} : memref<16xi32, #tpu.memory_space<vmem>>, vector<16xi32>,
    %add3A_90 = arith.constant 32 : i32
    %add3A_91 = arith.addi %add3A_90, %add3A : i32
    %mul3A_92 = arith.constant 16 : i32
    %mul3A_93 = arith.muli %add3A_91, %mul3A_92 : i32
    "tpu.region"() ({
      %run_scoped3A = tpu.sem_alloc : memref<!tpu.dma_semaphore, #tpu.memory_space<semaphore_mem>>
      %dma_start3A = tpu.memref_slice %arg7[%mul3A_93] : memref<3072xi32, #tpu.memory_space<hbm>> -> memref<16xi32, #tpu.memory_space<hbm>>
      %dma_start3A_254 = tpu.memref_slice %arg7[%mul3A_93] : memref<3072xi32, #tpu.memory_space<hbm>> -> memref<16xi32, #tpu.memory_space<hbm>>
      tpu.enqueue_dma source(%arg23 : memref<16xi32, #tpu.memory_space<vmem>>) target(%dma_start3A_254 : memref<16xi32, #tpu.memory_space<hbm>>) target_semaphore(%run_scoped3A : memref<!tpu.dma_semaphore, #tpu.memory_space<semaphore_mem>>)
      %dma_wait3A = tpu.memref_slice %arg7[%mul3A_93] : memref<3072xi32, #tpu.memory_space<hbm>> -> memref<16xi32, #tpu.memory_space<hbm>>
      %dma_wait3A_255 = tpu.memref_slice %arg7[%mul3A_93] : memref<3072xi32, #tpu.memory_space<hbm>> -> memref<16xi32, #tpu.memory_space<hbm>>
      tpu.wait_dma2 semaphore(%run_scoped3A : memref<!tpu.dma_semaphore, #tpu.memory_space<semaphore_mem>>) src(%arg23 : memref<16xi32, #tpu.memory_space<vmem>>) dst(%dma_wait3A_255 : memref<16xi32, #tpu.memory_space<hbm>>)
      tpu.yield
    }) : () -> ()
    %add3A_94 = arith.constant 64 : i32
    %add3A_95 = arith.addi %add3A_94, %add3A : i32
    %mul3A_96 = arith.constant 10240 : i32
    %mul3A_97 = arith.muli %add3A_95, %mul3A_96 : i32
    "tpu.region"() ({
      %run_scoped3A = tpu.sem_alloc : memref<!tpu.dma_semaphore, #tpu.memory_space<semaphore_mem>>
      %dma_start3A = arith.constant 0 : i32
      %dma_start3A_254 = tpu.memref_slice %arg13[%dma_start3A] : memref<10256xi32, #tpu.memory_space<vmem>> -> memref<10240xi32, #tpu.memory_space<vmem>>
      %dma_start3A_255 = tpu.memref_slice %arg5[%mul3A_97] : memref<1966080xi32, #tpu.memory_space<hbm>> -> memref<10240xi32, #tpu.memory_space<hbm>>
      %dma_start3A_256 = tpu.memref_slice %arg5[%mul3A_97] : memref<1966080xi32, #tpu.memory_space<hbm>> -> memref<10240xi32, #tpu.memory_space<hbm>>
      %dma_start3A_257 = arith.constant 0 : i32
      %dma_start3A_258 = tpu.memref_slice %arg13[%dma_start3A_257] : memref<10256xi32, #tpu.memory_space<vmem>> -> memref<10240xi32, #tpu.memory_space<vmem>>
      tpu.enqueue_dma source(%dma_start3A_258 : memref<10240xi32, #tpu.memory_space<vmem>>) target(%dma_start3A_256 : memref<10240xi32, #tpu.memory_space<hbm>>) target_semaphore(%run_scoped3A : memref<!tpu.dma_semaphore, #tpu.memory_space<semaphore_mem>>)
      %dma_wait3A = arith.constant 0 : i32
      %dma_wait3A_259 = tpu.memref_slice %arg13[%dma_wait3A] : memref<10256xi32, #tpu.memory_space<vmem>> -> memref<10240xi32, #tpu.memory_space<vmem>>
      %dma_wait3A_260 = tpu.memref_slice %arg5[%mul3A_97] : memref<1966080xi32, #tpu.memory_space<hbm>> -> memref<10240xi32, #tpu.memory_space<hbm>>
      %dma_wait3A_261 = tpu.memref_slice %arg5[%mul3A_97] : memref<1966080xi32, #tpu.memory_space<hbm>> -> memref<10240xi32, #tpu.memory_space<hbm>>
      %dma_wait3A_262 = arith.constant 0 : i32
      %dma_wait3A_263 = tpu.memref_slice %arg13[%dma_wait3A_262] : memref<10256xi32, #tpu.memory_space<vmem>> -> memref<10240xi32, #tpu.memory_space<vmem>>
      tpu.wait_dma2 semaphore(%run_scoped3A : memref<!tpu.dma_semaphore, #tpu.memory_space<semaphore_mem>>) src(%dma_wait3A_263 : memref<10240xi32, #tpu.memory_space<vmem>>) dst(%dma_wait3A_261 : memref<10240xi32, #tpu.memory_space<hbm>>)
      tpu.yield
    }) : () -> ()
    "tpu.region"() ({
      %run_scoped3A = tpu.sem_alloc : memref<!tpu.dma_semaphore, #tpu.memory_space<semaphore_mem>>
      %dma_start3A = arith.constant 0 : i32
      %dma_start3A_254 = tpu.memref_slice %arg19[%dma_start3A] : memref<10256xi32, #tpu.memory_space<vmem>> -> memref<10240xi32, #tpu.memory_space<vmem>>
      %dma_start3A_255 = tpu.memref_slice %arg6[%mul3A_97] : memref<1966080xi32, #tpu.memory_space<hbm>> -> memref<10240xi32, #tpu.memory_space<hbm>>
      %dma_start3A_256 = tpu.memref_slice %arg6[%mul3A_97] : memref<1966080xi32, #tpu.memory_space<hbm>> -> memref<10240xi32, #tpu.memory_space<hbm>>
      %dma_start3A_257 = arith.constant 0 : i32
      %dma_start3A_258 = tpu.memref_slice %arg19[%dma_start3A_257] : memref<10256xi32, #tpu.memory_space<vmem>> -> memref<10240xi32, #tpu.memory_space<vmem>>
      tpu.enqueue_dma source(%dma_start3A_258 : memref<10240xi32, #tpu.memory_space<vmem>>) target(%dma_start3A_256 : memref<10240xi32, #tpu.memory_space<hbm>>) target_semaphore(%run_scoped3A : memref<!tpu.dma_semaphore, #tpu.memory_space<semaphore_mem>>)
      %dma_wait3A = arith.constant 0 : i32
      %dma_wait3A_259 = tpu.memref_slice %arg19[%dma_wait3A] : memref<10256xi32, #tpu.memory_space<vmem>> -> memref<10240xi32, #tpu.memory_space<vmem>>
      %dma_wait3A_260 = tpu.memref_slice %arg6[%mul3A_97] : memref<1966080xi32, #tpu.memory_space<hbm>> -> memref<10240xi32, #tpu.memory_space<hbm>>
      %dma_wait3A_261 = tpu.memref_slice %arg6[%mul3A_97] : memref<1966080xi32, #tpu.memory_space<hbm>> -> memref<10240xi32, #tpu.memory_space<hbm>>
      %dma_wait3A_262 = arith.constant 0 : i32
      %dma_wait3A_263 = tpu.memref_slice %arg19[%dma_wait3A_262] : memref<10256xi32, #tpu.memory_space<vmem>> -> memref<10240xi32, #tpu.memory_space<vmem>>
      tpu.wait_dma2 semaphore(%run_scoped3A : memref<!tpu.dma_semaphore, #tpu.memory_space<semaphore_mem>>) src(%dma_wait3A_263 : memref<10240xi32, #tpu.memory_space<vmem>>) dst(%dma_wait3A_261 : memref<10240xi32, #tpu.memory_space<hbm>>)
      tpu.yield
    }) : () -> ()
    %add3A_98 = arith.constant 127 : i32
    %add3A_99 = arith.addi %scan3A_21#2, %add3A_98 : i32
    %jit3A_100 = arith.constant 128 : i32
    %div3A_101 = arith.divsi %add3A_99, %jit3A_100 : i32
    %sign3A_102 = arith.constant 0 : i32
    %sign3A_103 = arith.cmpi sgt, %add3A_99, %sign3A_102 : i32
    %sign3A_104 = arith.extui %sign3A_103 : i1 to i32
    %sign3A_105 = arith.constant 0 : i32
    %sign3A_106 = arith.cmpi slt, %add3A_99, %sign3A_105 : i32
    %sign3A_107 = arith.extui %sign3A_106 : i1 to i32
    %sign3A_108 = arith.subi %sign3A_104, %sign3A_107 : i32
    %sign3A_109 = arith.constant 0 : i32
    %sign3A_110 = arith.cmpi sgt, %jit3A_100, %sign3A_109 : i32
    %sign3A_111 = arith.extui %sign3A_110 : i1 to i32
    %sign3A_112 = arith.constant 0 : i32
    %sign3A_113 = arith.cmpi slt, %jit3A_100, %sign3A_112 : i32
    %sign3A_114 = arith.extui %sign3A_113 : i1 to i32
    %sign3A_115 = arith.subi %sign3A_111, %sign3A_114 : i32
    %ne3A_116 = arith.cmpi ne, %sign3A_108, %sign3A_115 : i32
    %rem3A_117 = arith.remsi %add3A_99, %jit3A_100 : i32
    %ne3A_118 = arith.constant 0 : i32
    %ne3A_119 = arith.cmpi ne, %rem3A_117, %ne3A_118 : i32
    %and3A_120 = arith.andi %ne3A_116, %ne3A_119 : i1
    %sub3A_121 = arith.constant 1 : i32
    %sub3A_122 = arith.subi %div3A_101, %sub3A_121 : i32
    %select_n3A_123 = arith.select %and3A_120, %sub3A_122, %div3A_101 : i32
    %broadcast_in_dim3A_124 = arith.constant 0 : i32
    %broadcast_in_dim3A_125 = vector.broadcast %broadcast_in_dim3A_124 : i32 to vector<16xi32>
    %add3A_126 = vector.broadcast %select_n3A_123 : i32 to vector<16xi32>
    %add3A_127 = arith.addi %broadcast_in_dim3A_125, %add3A_126 : vector<16xi32>
    %swap3A_128 = arith.constant 0 : index
    %swap3A_129 = tpu.vector_load %arg23[%swap3A_128] {strides = array<i32>} : memref<16xi32, #tpu.memory_space<vmem>>, vector<16xi32>,
    tpu.vector_store %arg23[%swap3A_128], %add3A_127 {strides = array<i32>} : memref<16xi32, #tpu.memory_space<vmem>>, vector<16xi32>,
    %add3A_130 = arith.constant 64 : i32
    %add3A_131 = arith.addi %add3A_130, %add3A : i32
    %mul3A_132 = arith.constant 16 : i32
    %mul3A_133 = arith.muli %add3A_131, %mul3A_132 : i32
    "tpu.region"() ({
      %run_scoped3A = tpu.sem_alloc : memref<!tpu.dma_semaphore, #tpu.memory_space<semaphore_mem>>
      %dma_start3A = tpu.memref_slice %arg7[%mul3A_133] : memref<3072xi32, #tpu.memory_space<hbm>> -> memref<16xi32, #tpu.memory_space<hbm>>
      %dma_start3A_254 = tpu.memref_slice %arg7[%mul3A_133] : memref<3072xi32, #tpu.memory_space<hbm>> -> memref<16xi32, #tpu.memory_space<hbm>>
      tpu.enqueue_dma source(%arg23 : memref<16xi32, #tpu.memory_space<vmem>>) target(%dma_start3A_254 : memref<16xi32, #tpu.memory_space<hbm>>) target_semaphore(%run_scoped3A : memref<!tpu.dma_semaphore, #tpu.memory_space<semaphore_mem>>)
      %dma_wait3A = tpu.memref_slice %arg7[%mul3A_133] : memref<3072xi32, #tpu.memory_space<hbm>> -> memref<16xi32, #tpu.memory_space<hbm>>
      %dma_wait3A_255 = tpu.memref_slice %arg7[%mul3A_133] : memref<3072xi32, #tpu.memory_space<hbm>> -> memref<16xi32, #tpu.memory_space<hbm>>
      tpu.wait_dma2 semaphore(%run_scoped3A : memref<!tpu.dma_semaphore, #tpu.memory_space<semaphore_mem>>) src(%arg23 : memref<16xi32, #tpu.memory_space<vmem>>) dst(%dma_wait3A_255 : memref<16xi32, #tpu.memory_space<hbm>>)
      tpu.yield
    }) : () -> ()
    %add3A_134 = arith.constant 96 : i32
    %add3A_135 = arith.addi %add3A_134, %add3A : i32
    %mul3A_136 = arith.constant 10240 : i32
    %mul3A_137 = arith.muli %add3A_135, %mul3A_136 : i32
    "tpu.region"() ({
      %run_scoped3A = tpu.sem_alloc : memref<!tpu.dma_semaphore, #tpu.memory_space<semaphore_mem>>
      %dma_start3A = arith.constant 0 : i32
      %dma_start3A_254 = tpu.memref_slice %arg14[%dma_start3A] : memref<10256xi32, #tpu.memory_space<vmem>> -> memref<10240xi32, #tpu.memory_space<vmem>>
      %dma_start3A_255 = tpu.memref_slice %arg5[%mul3A_137] : memref<1966080xi32, #tpu.memory_space<hbm>> -> memref<10240xi32, #tpu.memory_space<hbm>>
      %dma_start3A_256 = tpu.memref_slice %arg5[%mul3A_137] : memref<1966080xi32, #tpu.memory_space<hbm>> -> memref<10240xi32, #tpu.memory_space<hbm>>
      %dma_start3A_257 = arith.constant 0 : i32
      %dma_start3A_258 = tpu.memref_slice %arg14[%dma_start3A_257] : memref<10256xi32, #tpu.memory_space<vmem>> -> memref<10240xi32, #tpu.memory_space<vmem>>
      tpu.enqueue_dma source(%dma_start3A_258 : memref<10240xi32, #tpu.memory_space<vmem>>) target(%dma_start3A_256 : memref<10240xi32, #tpu.memory_space<hbm>>) target_semaphore(%run_scoped3A : memref<!tpu.dma_semaphore, #tpu.memory_space<semaphore_mem>>)
      %dma_wait3A = arith.constant 0 : i32
      %dma_wait3A_259 = tpu.memref_slice %arg14[%dma_wait3A] : memref<10256xi32, #tpu.memory_space<vmem>> -> memref<10240xi32, #tpu.memory_space<vmem>>
      %dma_wait3A_260 = tpu.memref_slice %arg5[%mul3A_137] : memref<1966080xi32, #tpu.memory_space<hbm>> -> memref<10240xi32, #tpu.memory_space<hbm>>
      %dma_wait3A_261 = tpu.memref_slice %arg5[%mul3A_137] : memref<1966080xi32, #tpu.memory_space<hbm>> -> memref<10240xi32, #tpu.memory_space<hbm>>
      %dma_wait3A_262 = arith.constant 0 : i32
      %dma_wait3A_263 = tpu.memref_slice %arg14[%dma_wait3A_262] : memref<10256xi32, #tpu.memory_space<vmem>> -> memref<10240xi32, #tpu.memory_space<vmem>>
      tpu.wait_dma2 semaphore(%run_scoped3A : memref<!tpu.dma_semaphore, #tpu.memory_space<semaphore_mem>>) src(%dma_wait3A_263 : memref<10240xi32, #tpu.memory_space<vmem>>) dst(%dma_wait3A_261 : memref<10240xi32, #tpu.memory_space<hbm>>)
      tpu.yield
    }) : () -> ()
    "tpu.region"() ({
      %run_scoped3A = tpu.sem_alloc : memref<!tpu.dma_semaphore, #tpu.memory_space<semaphore_mem>>
      %dma_start3A = arith.constant 0 : i32
      %dma_start3A_254 = tpu.memref_slice %arg20[%dma_start3A] : memref<10256xi32, #tpu.memory_space<vmem>> -> memref<10240xi32, #tpu.memory_space<vmem>>
      %dma_start3A_255 = tpu.memref_slice %arg6[%mul3A_137] : memref<1966080xi32, #tpu.memory_space<hbm>> -> memref<10240xi32, #tpu.memory_space<hbm>>
      %dma_start3A_256 = tpu.memref_slice %arg6[%mul3A_137] : memref<1966080xi32, #tpu.memory_space<hbm>> -> memref<10240xi32, #tpu.memory_space<hbm>>
      %dma_start3A_257 = arith.constant 0 : i32
      %dma_start3A_258 = tpu.memref_slice %arg20[%dma_start3A_257] : memref<10256xi32, #tpu.memory_space<vmem>> -> memref<10240xi32, #tpu.memory_space<vmem>>
      tpu.enqueue_dma source(%dma_start3A_258 : memref<10240xi32, #tpu.memory_space<vmem>>) target(%dma_start3A_256 : memref<10240xi32, #tpu.memory_space<hbm>>) target_semaphore(%run_scoped3A : memref<!tpu.dma_semaphore, #tpu.memory_space<semaphore_mem>>)
      %dma_wait3A = arith.constant 0 : i32
      %dma_wait3A_259 = tpu.memref_slice %arg20[%dma_wait3A] : memref<10256xi32, #tpu.memory_space<vmem>> -> memref<10240xi32, #tpu.memory_space<vmem>>
      %dma_wait3A_260 = tpu.memref_slice %arg6[%mul3A_137] : memref<1966080xi32, #tpu.memory_space<hbm>> -> memref<10240xi32, #tpu.memory_space<hbm>>
      %dma_wait3A_261 = tpu.memref_slice %arg6[%mul3A_137] : memref<1966080xi32, #tpu.memory_space<hbm>> -> memref<10240xi32, #tpu.memory_space<hbm>>
      %dma_wait3A_262 = arith.constant 0 : i32
      %dma_wait3A_263 = tpu.memref_slice %arg20[%dma_wait3A_262] : memref<10256xi32, #tpu.memory_space<vmem>> -> memref<10240xi32, #tpu.memory_space<vmem>>
      tpu.wait_dma2 semaphore(%run_scoped3A : memref<!tpu.dma_semaphore, #tpu.memory_space<semaphore_mem>>) src(%dma_wait3A_263 : memref<10240xi32, #tpu.memory_space<vmem>>) dst(%dma_wait3A_261 : memref<10240xi32, #tpu.memory_space<hbm>>)
      tpu.yield
    }) : () -> ()
    %add3A_138 = arith.constant 127 : i32
    %add3A_139 = arith.addi %scan3A_21#3, %add3A_138 : i32
    %jit3A_140 = arith.constant 128 : i32
    %div3A_141 = arith.divsi %add3A_139, %jit3A_140 : i32
    %sign3A_142 = arith.constant 0 : i32
    %sign3A_143 = arith.cmpi sgt, %add3A_139, %sign3A_142 : i32
    %sign3A_144 = arith.extui %sign3A_143 : i1 to i32
    %sign3A_145 = arith.constant 0 : i32
    %sign3A_146 = arith.cmpi slt, %add3A_139, %sign3A_145 : i32
    %sign3A_147 = arith.extui %sign3A_146 : i1 to i32
    %sign3A_148 = arith.subi %sign3A_144, %sign3A_147 : i32
    %sign3A_149 = arith.constant 0 : i32
    %sign3A_150 = arith.cmpi sgt, %jit3A_140, %sign3A_149 : i32
    %sign3A_151 = arith.extui %sign3A_150 : i1 to i32
    %sign3A_152 = arith.constant 0 : i32
    %sign3A_153 = arith.cmpi slt, %jit3A_140, %sign3A_152 : i32
    %sign3A_154 = arith.extui %sign3A_153 : i1 to i32
    %sign3A_155 = arith.subi %sign3A_151, %sign3A_154 : i32
    %ne3A_156 = arith.cmpi ne, %sign3A_148, %sign3A_155 : i32
    %rem3A_157 = arith.remsi %add3A_139, %jit3A_140 : i32
    %ne3A_158 = arith.constant 0 : i32
    %ne3A_159 = arith.cmpi ne, %rem3A_157, %ne3A_158 : i32
    %and3A_160 = arith.andi %ne3A_156, %ne3A_159 : i1
    %sub3A_161 = arith.constant 1 : i32
    %sub3A_162 = arith.subi %div3A_141, %sub3A_161 : i32
    %select_n3A_163 = arith.select %and3A_160, %sub3A_162, %div3A_141 : i32
    %broadcast_in_dim3A_164 = arith.constant 0 : i32
    %broadcast_in_dim3A_165 = vector.broadcast %broadcast_in_dim3A_164 : i32 to vector<16xi32>
    %add3A_166 = vector.broadcast %select_n3A_163 : i32 to vector<16xi32>
    %add3A_167 = arith.addi %broadcast_in_dim3A_165, %add3A_166 : vector<16xi32>
    %swap3A_168 = arith.constant 0 : index
    %swap3A_169 = tpu.vector_load %arg23[%swap3A_168] {strides = array<i32>} : memref<16xi32, #tpu.memory_space<vmem>>, vector<16xi32>,
    tpu.vector_store %arg23[%swap3A_168], %add3A_167 {strides = array<i32>} : memref<16xi32, #tpu.memory_space<vmem>>, vector<16xi32>,
    %add3A_170 = arith.constant 96 : i32
    %add3A_171 = arith.addi %add3A_170, %add3A : i32
    %mul3A_172 = arith.constant 16 : i32
    %mul3A_173 = arith.muli %add3A_171, %mul3A_172 : i32
    "tpu.region"() ({
      %run_scoped3A = tpu.sem_alloc : memref<!tpu.dma_semaphore, #tpu.memory_space<semaphore_mem>>
      %dma_start3A = tpu.memref_slice %arg7[%mul3A_173] : memref<3072xi32, #tpu.memory_space<hbm>> -> memref<16xi32, #tpu.memory_space<hbm>>
      %dma_start3A_254 = tpu.memref_slice %arg7[%mul3A_173] : memref<3072xi32, #tpu.memory_space<hbm>> -> memref<16xi32, #tpu.memory_space<hbm>>
      tpu.enqueue_dma source(%arg23 : memref<16xi32, #tpu.memory_space<vmem>>) target(%dma_start3A_254 : memref<16xi32, #tpu.memory_space<hbm>>) target_semaphore(%run_scoped3A : memref<!tpu.dma_semaphore, #tpu.memory_space<semaphore_mem>>)
      %dma_wait3A = tpu.memref_slice %arg7[%mul3A_173] : memref<3072xi32, #tpu.memory_space<hbm>> -> memref<16xi32, #tpu.memory_space<hbm>>
      %dma_wait3A_255 = tpu.memref_slice %arg7[%mul3A_173] : memref<3072xi32, #tpu.memory_space<hbm>> -> memref<16xi32, #tpu.memory_space<hbm>>
      tpu.wait_dma2 semaphore(%run_scoped3A : memref<!tpu.dma_semaphore, #tpu.memory_space<semaphore_mem>>) src(%arg23 : memref<16xi32, #tpu.memory_space<vmem>>) dst(%dma_wait3A_255 : memref<16xi32, #tpu.memory_space<hbm>>)
      tpu.yield
    }) : () -> ()
    %add3A_174 = arith.constant 128 : i32
    %add3A_175 = arith.addi %add3A_174, %add3A : i32
    %mul3A_176 = arith.constant 10240 : i32
    %mul3A_177 = arith.muli %add3A_175, %mul3A_176 : i32
    "tpu.region"() ({
      %run_scoped3A = tpu.sem_alloc : memref<!tpu.dma_semaphore, #tpu.memory_space<semaphore_mem>>
      %dma_start3A = arith.constant 0 : i32
      %dma_start3A_254 = tpu.memref_slice %arg15[%dma_start3A] : memref<10256xi32, #tpu.memory_space<vmem>> -> memref<10240xi32, #tpu.memory_space<vmem>>
      %dma_start3A_255 = tpu.memref_slice %arg5[%mul3A_177] : memref<1966080xi32, #tpu.memory_space<hbm>> -> memref<10240xi32, #tpu.memory_space<hbm>>
      %dma_start3A_256 = tpu.memref_slice %arg5[%mul3A_177] : memref<1966080xi32, #tpu.memory_space<hbm>> -> memref<10240xi32, #tpu.memory_space<hbm>>
      %dma_start3A_257 = arith.constant 0 : i32
      %dma_start3A_258 = tpu.memref_slice %arg15[%dma_start3A_257] : memref<10256xi32, #tpu.memory_space<vmem>> -> memref<10240xi32, #tpu.memory_space<vmem>>
      tpu.enqueue_dma source(%dma_start3A_258 : memref<10240xi32, #tpu.memory_space<vmem>>) target(%dma_start3A_256 : memref<10240xi32, #tpu.memory_space<hbm>>) target_semaphore(%run_scoped3A : memref<!tpu.dma_semaphore, #tpu.memory_space<semaphore_mem>>)
      %dma_wait3A = arith.constant 0 : i32
      %dma_wait3A_259 = tpu.memref_slice %arg15[%dma_wait3A] : memref<10256xi32, #tpu.memory_space<vmem>> -> memref<10240xi32, #tpu.memory_space<vmem>>
      %dma_wait3A_260 = tpu.memref_slice %arg5[%mul3A_177] : memref<1966080xi32, #tpu.memory_space<hbm>> -> memref<10240xi32, #tpu.memory_space<hbm>>
      %dma_wait3A_261 = tpu.memref_slice %arg5[%mul3A_177] : memref<1966080xi32, #tpu.memory_space<hbm>> -> memref<10240xi32, #tpu.memory_space<hbm>>
      %dma_wait3A_262 = arith.constant 0 : i32
      %dma_wait3A_263 = tpu.memref_slice %arg15[%dma_wait3A_262] : memref<10256xi32, #tpu.memory_space<vmem>> -> memref<10240xi32, #tpu.memory_space<vmem>>
      tpu.wait_dma2 semaphore(%run_scoped3A : memref<!tpu.dma_semaphore, #tpu.memory_space<semaphore_mem>>) src(%dma_wait3A_263 : memref<10240xi32, #tpu.memory_space<vmem>>) dst(%dma_wait3A_261 : memref<10240xi32, #tpu.memory_space<hbm>>)
      tpu.yield
    }) : () -> ()
    "tpu.region"() ({
      %run_scoped3A = tpu.sem_alloc : memref<!tpu.dma_semaphore, #tpu.memory_space<semaphore_mem>>
      %dma_start3A = arith.constant 0 : i32
      %dma_start3A_254 = tpu.memref_slice %arg21[%dma_start3A] : memref<10256xi32, #tpu.memory_space<vmem>> -> memref<10240xi32, #tpu.memory_space<vmem>>
      %dma_start3A_255 = tpu.memref_slice %arg6[%mul3A_177] : memref<1966080xi32, #tpu.memory_space<hbm>> -> memref<10240xi32, #tpu.memory_space<hbm>>
      %dma_start3A_256 = tpu.memref_slice %arg6[%mul3A_177] : memref<1966080xi32, #tpu.memory_space<hbm>> -> memref<10240xi32, #tpu.memory_space<hbm>>
      %dma_start3A_257 = arith.constant 0 : i32
      %dma_start3A_258 = tpu.memref_slice %arg21[%dma_start3A_257] : memref<10256xi32, #tpu.memory_space<vmem>> -> memref<10240xi32, #tpu.memory_space<vmem>>
      tpu.enqueue_dma source(%dma_start3A_258 : memref<10240xi32, #tpu.memory_space<vmem>>) target(%dma_start3A_256 : memref<10240xi32, #tpu.memory_space<hbm>>) target_semaphore(%run_scoped3A : memref<!tpu.dma_semaphore, #tpu.memory_space<semaphore_mem>>)
      %dma_wait3A = arith.constant 0 : i32
      %dma_wait3A_259 = tpu.memref_slice %arg21[%dma_wait3A] : memref<10256xi32, #tpu.memory_space<vmem>> -> memref<10240xi32, #tpu.memory_space<vmem>>
      %dma_wait3A_260 = tpu.memref_slice %arg6[%mul3A_177] : memref<1966080xi32, #tpu.memory_space<hbm>> -> memref<10240xi32, #tpu.memory_space<hbm>>
      %dma_wait3A_261 = tpu.memref_slice %arg6[%mul3A_177] : memref<1966080xi32, #tpu.memory_space<hbm>> -> memref<10240xi32, #tpu.memory_space<hbm>>
      %dma_wait3A_262 = arith.constant 0 : i32
      %dma_wait3A_263 = tpu.memref_slice %arg21[%dma_wait3A_262] : memref<10256xi32, #tpu.memory_space<vmem>> -> memref<10240xi32, #tpu.memory_space<vmem>>
      tpu.wait_dma2 semaphore(%run_scoped3A : memref<!tpu.dma_semaphore, #tpu.memory_space<semaphore_mem>>) src(%dma_wait3A_263 : memref<10240xi32, #tpu.memory_space<vmem>>) dst(%dma_wait3A_261 : memref<10240xi32, #tpu.memory_space<hbm>>)
      tpu.yield
    }) : () -> ()
    %add3A_178 = arith.constant 127 : i32
    %add3A_179 = arith.addi %scan3A_21#4, %add3A_178 : i32
    %jit3A_180 = arith.constant 128 : i32
    %div3A_181 = arith.divsi %add3A_179, %jit3A_180 : i32
    %sign3A_182 = arith.constant 0 : i32
    %sign3A_183 = arith.cmpi sgt, %add3A_179, %sign3A_182 : i32
    %sign3A_184 = arith.extui %sign3A_183 : i1 to i32
    %sign3A_185 = arith.constant 0 : i32
    %sign3A_186 = arith.cmpi slt, %add3A_179, %sign3A_185 : i32
    %sign3A_187 = arith.extui %sign3A_186 : i1 to i32
    %sign3A_188 = arith.subi %sign3A_184, %sign3A_187 : i32
    %sign3A_189 = arith.constant 0 : i32
    %sign3A_190 = arith.cmpi sgt, %jit3A_180, %sign3A_189 : i32
    %sign3A_191 = arith.extui %sign3A_190 : i1 to i32
    %sign3A_192 = arith.constant 0 : i32
    %sign3A_193 = arith.cmpi slt, %jit3A_180, %sign3A_192 : i32
    %sign3A_194 = arith.extui %sign3A_193 : i1 to i32
    %sign3A_195 = arith.subi %sign3A_191, %sign3A_194 : i32
    %ne3A_196 = arith.cmpi ne, %sign3A_188, %sign3A_195 : i32
    %rem3A_197 = arith.remsi %add3A_179, %jit3A_180 : i32
    %ne3A_198 = arith.constant 0 : i32
    %ne3A_199 = arith.cmpi ne, %rem3A_197, %ne3A_198 : i32
    %and3A_200 = arith.andi %ne3A_196, %ne3A_199 : i1
    %sub3A_201 = arith.constant 1 : i32
    %sub3A_202 = arith.subi %div3A_181, %sub3A_201 : i32
    %select_n3A_203 = arith.select %and3A_200, %sub3A_202, %div3A_181 : i32
    %broadcast_in_dim3A_204 = arith.constant 0 : i32
    %broadcast_in_dim3A_205 = vector.broadcast %broadcast_in_dim3A_204 : i32 to vector<16xi32>
    %add3A_206 = vector.broadcast %select_n3A_203 : i32 to vector<16xi32>
    %add3A_207 = arith.addi %broadcast_in_dim3A_205, %add3A_206 : vector<16xi32>
    %swap3A_208 = arith.constant 0 : index
    %swap3A_209 = tpu.vector_load %arg23[%swap3A_208] {strides = array<i32>} : memref<16xi32, #tpu.memory_space<vmem>>, vector<16xi32>,
    tpu.vector_store %arg23[%swap3A_208], %add3A_207 {strides = array<i32>} : memref<16xi32, #tpu.memory_space<vmem>>, vector<16xi32>,
    %add3A_210 = arith.constant 128 : i32
    %add3A_211 = arith.addi %add3A_210, %add3A : i32
    %mul3A_212 = arith.constant 16 : i32
    %mul3A_213 = arith.muli %add3A_211, %mul3A_212 : i32
    "tpu.region"() ({
      %run_scoped3A = tpu.sem_alloc : memref<!tpu.dma_semaphore, #tpu.memory_space<semaphore_mem>>
      %dma_start3A = tpu.memref_slice %arg7[%mul3A_213] : memref<3072xi32, #tpu.memory_space<hbm>> -> memref<16xi32, #tpu.memory_space<hbm>>
      %dma_start3A_254 = tpu.memref_slice %arg7[%mul3A_213] : memref<3072xi32, #tpu.memory_space<hbm>> -> memref<16xi32, #tpu.memory_space<hbm>>
      tpu.enqueue_dma source(%arg23 : memref<16xi32, #tpu.memory_space<vmem>>) target(%dma_start3A_254 : memref<16xi32, #tpu.memory_space<hbm>>) target_semaphore(%run_scoped3A : memref<!tpu.dma_semaphore, #tpu.memory_space<semaphore_mem>>)
      %dma_wait3A = tpu.memref_slice %arg7[%mul3A_213] : memref<3072xi32, #tpu.memory_space<hbm>> -> memref<16xi32, #tpu.memory_space<hbm>>
      %dma_wait3A_255 = tpu.memref_slice %arg7[%mul3A_213] : memref<3072xi32, #tpu.memory_space<hbm>> -> memref<16xi32, #tpu.memory_space<hbm>>
      tpu.wait_dma2 semaphore(%run_scoped3A : memref<!tpu.dma_semaphore, #tpu.memory_space<semaphore_mem>>) src(%arg23 : memref<16xi32, #tpu.memory_space<vmem>>) dst(%dma_wait3A_255 : memref<16xi32, #tpu.memory_space<hbm>>)
      tpu.yield
    }) : () -> ()
    %add3A_214 = arith.constant 160 : i32
    %add3A_215 = arith.addi %add3A_214, %add3A : i32
    %mul3A_216 = arith.constant 10240 : i32
    %mul3A_217 = arith.muli %add3A_215, %mul3A_216 : i32
    "tpu.region"() ({
      %run_scoped3A = tpu.sem_alloc : memref<!tpu.dma_semaphore, #tpu.memory_space<semaphore_mem>>
      %dma_start3A = arith.constant 0 : i32
      %dma_start3A_254 = tpu.memref_slice %arg16[%dma_start3A] : memref<10256xi32, #tpu.memory_space<vmem>> -> memref<10240xi32, #tpu.memory_space<vmem>>
      %dma_start3A_255 = tpu.memref_slice %arg5[%mul3A_217] : memref<1966080xi32, #tpu.memory_space<hbm>> -> memref<10240xi32, #tpu.memory_space<hbm>>
      %dma_start3A_256 = tpu.memref_slice %arg5[%mul3A_217] : memref<1966080xi32, #tpu.memory_space<hbm>> -> memref<10240xi32, #tpu.memory_space<hbm>>
      %dma_start3A_257 = arith.constant 0 : i32
      %dma_start3A_258 = tpu.memref_slice %arg16[%dma_start3A_257] : memref<10256xi32, #tpu.memory_space<vmem>> -> memref<10240xi32, #tpu.memory_space<vmem>>
      tpu.enqueue_dma source(%dma_start3A_258 : memref<10240xi32, #tpu.memory_space<vmem>>) target(%dma_start3A_256 : memref<10240xi32, #tpu.memory_space<hbm>>) target_semaphore(%run_scoped3A : memref<!tpu.dma_semaphore, #tpu.memory_space<semaphore_mem>>)
      %dma_wait3A = arith.constant 0 : i32
      %dma_wait3A_259 = tpu.memref_slice %arg16[%dma_wait3A] : memref<10256xi32, #tpu.memory_space<vmem>> -> memref<10240xi32, #tpu.memory_space<vmem>>
      %dma_wait3A_260 = tpu.memref_slice %arg5[%mul3A_217] : memref<1966080xi32, #tpu.memory_space<hbm>> -> memref<10240xi32, #tpu.memory_space<hbm>>
      %dma_wait3A_261 = tpu.memref_slice %arg5[%mul3A_217] : memref<1966080xi32, #tpu.memory_space<hbm>> -> memref<10240xi32, #tpu.memory_space<hbm>>
      %dma_wait3A_262 = arith.constant 0 : i32
      %dma_wait3A_263 = tpu.memref_slice %arg16[%dma_wait3A_262] : memref<10256xi32, #tpu.memory_space<vmem>> -> memref<10240xi32, #tpu.memory_space<vmem>>
      tpu.wait_dma2 semaphore(%run_scoped3A : memref<!tpu.dma_semaphore, #tpu.memory_space<semaphore_mem>>) src(%dma_wait3A_263 : memref<10240xi32, #tpu.memory_space<vmem>>) dst(%dma_wait3A_261 : memref<10240xi32, #tpu.memory_space<hbm>>)
      tpu.yield
    }) : () -> ()
    "tpu.region"() ({
      %run_scoped3A = tpu.sem_alloc : memref<!tpu.dma_semaphore, #tpu.memory_space<semaphore_mem>>
      %dma_start3A = arith.constant 0 : i32
      %dma_start3A_254 = tpu.memref_slice %arg22[%dma_start3A] : memref<10256xi32, #tpu.memory_space<vmem>> -> memref<10240xi32, #tpu.memory_space<vmem>>
      %dma_start3A_255 = tpu.memref_slice %arg6[%mul3A_217] : memref<1966080xi32, #tpu.memory_space<hbm>> -> memref<10240xi32, #tpu.memory_space<hbm>>
      %dma_start3A_256 = tpu.memref_slice %arg6[%mul3A_217] : memref<1966080xi32, #tpu.memory_space<hbm>> -> memref<10240xi32, #tpu.memory_space<hbm>>
      %dma_start3A_257 = arith.constant 0 : i32
      %dma_start3A_258 = tpu.memref_slice %arg22[%dma_start3A_257] : memref<10256xi32, #tpu.memory_space<vmem>> -> memref<10240xi32, #tpu.memory_space<vmem>>
      tpu.enqueue_dma source(%dma_start3A_258 : memref<10240xi32, #tpu.memory_space<vmem>>) target(%dma_start3A_256 : memref<10240xi32, #tpu.memory_space<hbm>>) target_semaphore(%run_scoped3A : memref<!tpu.dma_semaphore, #tpu.memory_space<semaphore_mem>>)
      %dma_wait3A = arith.constant 0 : i32
      %dma_wait3A_259 = tpu.memref_slice %arg22[%dma_wait3A] : memref<10256xi32, #tpu.memory_space<vmem>> -> memref<10240xi32, #tpu.memory_space<vmem>>
      %dma_wait3A_260 = tpu.memref_slice %arg6[%mul3A_217] : memref<1966080xi32, #tpu.memory_space<hbm>> -> memref<10240xi32, #tpu.memory_space<hbm>>
      %dma_wait3A_261 = tpu.memref_slice %arg6[%mul3A_217] : memref<1966080xi32, #tpu.memory_space<hbm>> -> memref<10240xi32, #tpu.memory_space<hbm>>
      %dma_wait3A_262 = arith.constant 0 : i32
      %dma_wait3A_263 = tpu.memref_slice %arg22[%dma_wait3A_262] : memref<10256xi32, #tpu.memory_space<vmem>> -> memref<10240xi32, #tpu.memory_space<vmem>>
      tpu.wait_dma2 semaphore(%run_scoped3A : memref<!tpu.dma_semaphore, #tpu.memory_space<semaphore_mem>>) src(%dma_wait3A_263 : memref<10240xi32, #tpu.memory_space<vmem>>) dst(%dma_wait3A_261 : memref<10240xi32, #tpu.memory_space<hbm>>)
      tpu.yield
    }) : () -> ()
    %add3A_218 = arith.constant 127 : i32
    %add3A_219 = arith.addi %scan3A_21#5, %add3A_218 : i32
    %jit3A_220 = arith.constant 128 : i32
    %div3A_221 = arith.divsi %add3A_219, %jit3A_220 : i32
    %sign3A_222 = arith.constant 0 : i32
    %sign3A_223 = arith.cmpi sgt, %add3A_219, %sign3A_222 : i32
    %sign3A_224 = arith.extui %sign3A_223 : i1 to i32
    %sign3A_225 = arith.constant 0 : i32
    %sign3A_226 = arith.cmpi slt, %add3A_219, %sign3A_225 : i32
    %sign3A_227 = arith.extui %sign3A_226 : i1 to i32
    %sign3A_228 = arith.subi %sign3A_224, %sign3A_227 : i32
    %sign3A_229 = arith.constant 0 : i32
    %sign3A_230 = arith.cmpi sgt, %jit3A_220, %sign3A_229 : i32
    %sign3A_231 = arith.extui %sign3A_230 : i1 to i32
    %sign3A_232 = arith.constant 0 : i32
    %sign3A_233 = arith.cmpi slt, %jit3A_220, %sign3A_232 : i32
    %sign3A_234 = arith.extui %sign3A_233 : i1 to i32
    %sign3A_235 = arith.subi %sign3A_231, %sign3A_234 : i32
    %ne3A_236 = arith.cmpi ne, %sign3A_228, %sign3A_235 : i32
    %rem3A_237 = arith.remsi %add3A_219, %jit3A_220 : i32
    %ne3A_238 = arith.constant 0 : i32
    %ne3A_239 = arith.cmpi ne, %rem3A_237, %ne3A_238 : i32
    %and3A_240 = arith.andi %ne3A_236, %ne3A_239 : i1
    %sub3A_241 = arith.constant 1 : i32
    %sub3A_242 = arith.subi %div3A_221, %sub3A_241 : i32
    %select_n3A_243 = arith.select %and3A_240, %sub3A_242, %div3A_221 : i32
    %broadcast_in_dim3A_244 = arith.constant 0 : i32
    %broadcast_in_dim3A_245 = vector.broadcast %broadcast_in_dim3A_244 : i32 to vector<16xi32>
    %add3A_246 = vector.broadcast %select_n3A_243 : i32 to vector<16xi32>
    %add3A_247 = arith.addi %broadcast_in_dim3A_245, %add3A_246 : vector<16xi32>
    %swap3A_248 = arith.constant 0 : index
    %swap3A_249 = tpu.vector_load %arg23[%swap3A_248] {strides = array<i32>} : memref<16xi32, #tpu.memory_space<vmem>>, vector<16xi32>,
    tpu.vector_store %arg23[%swap3A_248], %add3A_247 {strides = array<i32>} : memref<16xi32, #tpu.memory_space<vmem>>, vector<16xi32>,
    %add3A_250 = arith.constant 160 : i32
    %add3A_251 = arith.addi %add3A_250, %add3A : i32
    %mul3A_252 = arith.constant 16 : i32
    %mul3A_253 = arith.muli %add3A_251, %mul3A_252 : i32
    "tpu.region"() ({
      %run_scoped3A = tpu.sem_alloc : memref<!tpu.dma_semaphore, #tpu.memory_space<semaphore_mem>>
      %dma_start3A = tpu.memref_slice %arg7[%mul3A_253] : memref<3072xi32, #tpu.memory_space<hbm>> -> memref<16xi32, #tpu.memory_space<hbm>>
      %dma_start3A_254 = tpu.memref_slice %arg7[%mul3A_253] : memref<3072xi32, #tpu.memory_space<hbm>> -> memref<16xi32, #tpu.memory_space<hbm>>
      tpu.enqueue_dma source(%arg23 : memref<16xi32, #tpu.memory_space<vmem>>) target(%dma_start3A_254 : memref<16xi32, #tpu.memory_space<hbm>>) target_semaphore(%run_scoped3A : memref<!tpu.dma_semaphore, #tpu.memory_space<semaphore_mem>>)
      %dma_wait3A = tpu.memref_slice %arg7[%mul3A_253] : memref<3072xi32, #tpu.memory_space<hbm>> -> memref<16xi32, #tpu.memory_space<hbm>>
      %dma_wait3A_255 = tpu.memref_slice %arg7[%mul3A_253] : memref<3072xi32, #tpu.memory_space<hbm>> -> memref<16xi32, #tpu.memory_space<hbm>>
      tpu.wait_dma2 semaphore(%run_scoped3A : memref<!tpu.dma_semaphore, #tpu.memory_space<semaphore_mem>>) src(%arg23 : memref<16xi32, #tpu.memory_space<vmem>>) dst(%dma_wait3A_255 : memref<16xi32, #tpu.memory_space<hbm>>)
      tpu.yield
    }) : () -> ()
    return
  }
}

#map = affine_map<(d0, d1) -> (0, 0)>
#map1 = affine_map<(d0, d1) -> (0)>
module attributes {stable_mosaic.version = 14 : i64} {
  func.func @sc_accumulate_h1(%arg0: i32, %arg1: i32, %arg2: memref<10000x128xf32, #tpu.memory_space<hbm>>, %arg3: memref<1966080xi32, #tpu.memory_space<hbm>>, %arg4: memref<1966080xi32, #tpu.memory_space<hbm>>, %arg5: memref<3072xi32, #tpu.memory_space<hbm>>, %arg6: memref<6912x128xf32, #tpu.memory_space<hbm>>, %arg7: memref<1769472xf32, #tpu.memory_space<hbm>>, %arg8: memref<128xi32, #tpu.memory_space<vmem>>, %arg9: memref<128xi32, #tpu.memory_space<vmem>>, %arg10: memref<128xi32, #tpu.memory_space<vmem>>, %arg11: memref<128xi32, #tpu.memory_space<vmem>>, %arg12: memref<128x128xf32, #tpu.memory_space<vmem>>, %arg13: memref<128x128xf32, #tpu.memory_space<vmem>>, %arg14: memref<16xi32, #tpu.memory_space<vmem>>, %arg15: memref<55296xf32, #tpu.memory_space<vmem>>, %arg16: memref<3456x128xf32, #tpu.memory_space<vmem_shared>>, %arg17: memref<!tpu.dma_semaphore, #tpu.memory_space<semaphore_mem>>, %arg18: memref<!tpu.dma_semaphore, #tpu.memory_space<semaphore_mem>>, %arg19: memref<!tpu.dma_semaphore, #tpu.memory_space<semaphore_mem>>, %arg20: memref<!tpu.dma_semaphore, #tpu.memory_space<semaphore_mem>>, %arg21: memref<!tpu.dma_semaphore, #tpu.memory_space<semaphore_mem>>, %arg22: memref<!tpu.dma_semaphore, #tpu.memory_space<semaphore_mem>>, %arg23: memref<!tpu.dma_semaphore, #tpu.memory_space<semaphore_mem>>, %arg24: memref<!tpu.dma_semaphore, #tpu.memory_space<semaphore_mem>>) attributes {dimension_semantics = [#tpu.dimension_semantics<core_parallel>, #tpu.dimension_semantics<subcore_parallel>], iteration_bounds = array<i64: 2, 16>, scalar_prefetch = 0 : i64, scratch_operands = 17 : i64, tpu.core_type = #tpu.core_type<sc_vector_subcore>, window_params = [{transform_indices = #map}, {transform_indices = #map1}, {transform_indices = #map1}, {transform_indices = #map1}, {transform_indices = #map}, {transform_indices = #map1}]} {
    %mul3A = arith.constant 16 : i32
    %mul3A_0 = arith.muli %arg0, %mul3A : i32
    %add3A = arith.addi %mul3A_0, %arg1 : i32
    %iota3A = tpu.iota {dimensions = array<i32: 0>} : vector<16xi32>
    %broadcast_in_dim3A = arith.constant 0.000000e+00 : f32
    %broadcast_in_dim3A_1 = vector.broadcast %broadcast_in_dim3A : f32 to vector<16xf32>
    %broadcast_in_dim3A_2 = arith.constant 1.000000e+00 : f32
    %broadcast_in_dim3A_3 = vector.broadcast %broadcast_in_dim3A_2 : f32 to vector<16xf32>
    %scan3A = arith.constant 0 : i32
    %scan3A_4 = arith.constant 128 : i32
    %scan3A_5 = arith.addi %scan3A, %scan3A_4 : i32
    %scan3A_6 = arith.constant 1 : i32
    scf.for %scan3A_44 = %scan3A to %scan3A_5 step %scan3A_6  : i32 {
      %mul3A_45 = arith.constant 1 : i32
      %mul3A_46 = arith.muli %scan3A_44, %mul3A_45 : i32
      %add3A_47 = arith.constant 0 : i32
      %add3A_48 = arith.addi %add3A_47, %mul3A_46 : i32
      %scan3A_49 = arith.constant 0 : i32
      %scan3A_50 = arith.constant 8 : i32
      %scan3A_51 = arith.addi %scan3A_49, %scan3A_50 : i32
      %scan3A_52 = arith.constant 1 : i32
      scf.for %scan3A_54 = %scan3A_49 to %scan3A_51 step %scan3A_52  : i32 {
        %mul3A_55 = arith.constant 16 : i32
        %mul3A_56 = arith.muli %scan3A_54, %mul3A_55 : i32
        %add3A_57 = arith.constant 0 : i32
        %add3A_58 = arith.addi %add3A_57, %mul3A_56 : i32
        %swap3A = arith.index_cast %add3A_48 : i32 to index
        %swap3A_59 = arith.index_cast %add3A_58 : i32 to index
        %swap3A_60 = tpu.vector_load %arg12[%swap3A, %swap3A_59] {strides = array<i32>} : memref<128x128xf32, #tpu.memory_space<vmem>>, vector<16xf32>,
        tpu.vector_store %arg12[%swap3A, %swap3A_59], %broadcast_in_dim3A_1 {strides = array<i32>} : memref<128x128xf32, #tpu.memory_space<vmem>>, vector<16xf32>,
      }
      %scan3A_53 = arith.constant 8 : i32
    }
    %scan3A_7 = arith.constant 128 : i32
    %scan3A_8 = arith.constant 0 : i32
    %mul3A_9 = arith.constant 1 : i32
    %mul3A_10 = arith.muli %scan3A_8, %mul3A_9 : i32
    %add3A_11 = arith.constant 0 : i32
    %add3A_12 = arith.addi %add3A_11, %mul3A_10 : i32
    %mul3A_13 = arith.constant 216 : i32
    %mul3A_14 = arith.muli %arg1, %mul3A_13 : i32
    %mul3A_15 = arith.constant 128 : i32
    %mul3A_16 = arith.muli %add3A_12, %mul3A_15 : i32
    %add3A_17 = arith.addi %mul3A_14, %mul3A_16 : i32
    "tpu.region"() ({
      %run_scoped3A = tpu.sem_alloc : memref<!tpu.dma_semaphore, #tpu.memory_space<semaphore_mem>>
      %dma_start3A = arith.constant 0 : i32
      %dma_start3A_44 = tpu.memref_slice %arg16[%add3A_17, %dma_start3A] : memref<3456x128xf32, #tpu.memory_space<vmem_shared>> -> memref<128x128xf32, #tpu.memory_space<vmem_shared>>
      %dma_start3A_45 = arith.constant 0 : i32
      %dma_start3A_46 = tpu.memref_slice %arg16[%add3A_17, %dma_start3A_45] : memref<3456x128xf32, #tpu.memory_space<vmem_shared>> -> memref<128x128xf32, #tpu.memory_space<vmem_shared>>
      tpu.enqueue_dma source(%arg12 : memref<128x128xf32, #tpu.memory_space<vmem>>) target(%dma_start3A_46 : memref<128x128xf32, #tpu.memory_space<vmem_shared>>) target_semaphore(%run_scoped3A : memref<!tpu.dma_semaphore, #tpu.memory_space<semaphore_mem>>)
      %dma_wait3A = arith.constant 0 : i32
      %dma_wait3A_47 = tpu.memref_slice %arg16[%add3A_17, %dma_wait3A] : memref<3456x128xf32, #tpu.memory_space<vmem_shared>> -> memref<128x128xf32, #tpu.memory_space<vmem_shared>>
      %dma_wait3A_48 = arith.constant 0 : i32
      %dma_wait3A_49 = tpu.memref_slice %arg16[%add3A_17, %dma_wait3A_48] : memref<3456x128xf32, #tpu.memory_space<vmem_shared>> -> memref<128x128xf32, #tpu.memory_space<vmem_shared>>
      tpu.wait_dma2 semaphore(%run_scoped3A : memref<!tpu.dma_semaphore, #tpu.memory_space<semaphore_mem>>) src(%arg12 : memref<128x128xf32, #tpu.memory_space<vmem>>) dst(%dma_wait3A_49 : memref<128x128xf32, #tpu.memory_space<vmem_shared>>)
      tpu.yield
    }) : () -> ()
    %scan3A_18 = arith.constant 1 : i32
    %mul3A_19 = arith.constant 216 : i32
    %mul3A_20 = arith.muli %arg1, %mul3A_19 : i32
    %add3A_21 = arith.constant 216 : i32
    %add3A_22 = arith.addi %mul3A_20, %add3A_21 : i32
    %sub3A = arith.constant 88 : i32
    %sub3A_23 = arith.subi %add3A_22, %sub3A : i32
    "tpu.region"() ({
      %run_scoped3A = tpu.sem_alloc : memref<!tpu.dma_semaphore, #tpu.memory_space<semaphore_mem>>
      %dma_start3A = arith.constant 0 : i32
      %dma_start3A_44 = arith.constant 0 : i32
      %dma_start3A_45 = tpu.memref_slice %arg12[%dma_start3A, %dma_start3A_44] : memref<128x128xf32, #tpu.memory_space<vmem>> -> memref<88x128xf32, #tpu.memory_space<vmem>>
      %dma_start3A_46 = arith.constant 0 : i32
      %dma_start3A_47 = tpu.memref_slice %arg16[%sub3A_23, %dma_start3A_46] : memref<3456x128xf32, #tpu.memory_space<vmem_shared>> -> memref<88x128xf32, #tpu.memory_space<vmem_shared>>
      %dma_start3A_48 = arith.constant 0 : i32
      %dma_start3A_49 = tpu.memref_slice %arg16[%sub3A_23, %dma_start3A_48] : memref<3456x128xf32, #tpu.memory_space<vmem_shared>> -> memref<88x128xf32, #tpu.memory_space<vmem_shared>>
      %dma_start3A_50 = arith.constant 0 : i32
      %dma_start3A_51 = arith.constant 0 : i32
      %dma_start3A_52 = tpu.memref_slice %arg12[%dma_start3A_50, %dma_start3A_51] : memref<128x128xf32, #tpu.memory_space<vmem>> -> memref<88x128xf32, #tpu.memory_space<vmem>>
      tpu.enqueue_dma source(%dma_start3A_52 : memref<88x128xf32, #tpu.memory_space<vmem>>) target(%dma_start3A_49 : memref<88x128xf32, #tpu.memory_space<vmem_shared>>) target_semaphore(%run_scoped3A : memref<!tpu.dma_semaphore, #tpu.memory_space<semaphore_mem>>)
      %dma_wait3A = arith.constant 0 : i32
      %dma_wait3A_53 = arith.constant 0 : i32
      %dma_wait3A_54 = tpu.memref_slice %arg12[%dma_wait3A, %dma_wait3A_53] : memref<128x128xf32, #tpu.memory_space<vmem>> -> memref<88x128xf32, #tpu.memory_space<vmem>>
      %dma_wait3A_55 = arith.constant 0 : i32
      %dma_wait3A_56 = tpu.memref_slice %arg16[%sub3A_23, %dma_wait3A_55] : memref<3456x128xf32, #tpu.memory_space<vmem_shared>> -> memref<88x128xf32, #tpu.memory_space<vmem_shared>>
      %dma_wait3A_57 = arith.constant 0 : i32
      %dma_wait3A_58 = tpu.memref_slice %arg16[%sub3A_23, %dma_wait3A_57] : memref<3456x128xf32, #tpu.memory_space<vmem_shared>> -> memref<88x128xf32, #tpu.memory_space<vmem_shared>>
      %dma_wait3A_59 = arith.constant 0 : i32
      %dma_wait3A_60 = arith.constant 0 : i32
      %dma_wait3A_61 = tpu.memref_slice %arg12[%dma_wait3A_59, %dma_wait3A_60] : memref<128x128xf32, #tpu.memory_space<vmem>> -> memref<88x128xf32, #tpu.memory_space<vmem>>
      tpu.wait_dma2 semaphore(%run_scoped3A : memref<!tpu.dma_semaphore, #tpu.memory_space<semaphore_mem>>) src(%dma_wait3A_61 : memref<88x128xf32, #tpu.memory_space<vmem>>) dst(%dma_wait3A_58 : memref<88x128xf32, #tpu.memory_space<vmem_shared>>)
      tpu.yield
    }) : () -> ()
    %scan3A_24 = arith.constant 0 : i32
    %scan3A_25 = arith.constant 3456 : i32
    %scan3A_26 = arith.addi %scan3A_24, %scan3A_25 : i32
    %scan3A_27 = arith.constant 1 : i32
    scf.for %scan3A_44 = %scan3A_24 to %scan3A_26 step %scan3A_27  : i32 {
      %mul3A_45 = arith.constant 16 : i32
      %mul3A_46 = arith.muli %scan3A_44, %mul3A_45 : i32
      %add3A_47 = arith.constant 0 : i32
      %add3A_48 = arith.addi %add3A_47, %mul3A_46 : i32
      %swap3A = arith.index_cast %add3A_48 : i32 to index
      %swap3A_49 = tpu.vector_load %arg15[%swap3A] {strides = array<i32>} : memref<55296xf32, #tpu.memory_space<vmem>>, vector<16xf32>,
      tpu.vector_store %arg15[%swap3A], %broadcast_in_dim3A_1 {strides = array<i32>} : memref<55296xf32, #tpu.memory_space<vmem>>, vector<16xf32>,
    }
    %scan3A_28 = arith.constant 3456 : i32
    %barrier3A = arith.constant 0 : index
    tpu.barrier barrier_id(%barrier3A)
    %scan3A_29 = arith.constant 0 : i32
    %scan3A_30 = arith.constant 2 : i32
    %scan3A_31 = arith.addi %scan3A_29, %scan3A_30 : i32
    %scan3A_32 = arith.constant 1 : i32
    scf.for %scan3A_44 = %scan3A_29 to %scan3A_31 step %scan3A_32  : i32 {
      %mul3A_45 = arith.constant 1 : i32
      %mul3A_46 = arith.muli %scan3A_44, %mul3A_45 : i32
      %add3A_47 = arith.constant 0 : i32
      %add3A_48 = arith.addi %add3A_47, %mul3A_46 : i32
      %mul3A_49 = arith.constant 2 : i32
      %mul3A_50 = arith.muli %mul3A_49, %arg1 : i32
      %add3A_51 = arith.addi %mul3A_50, %add3A_48 : i32
      %mul3A_52 = arith.constant 3 : i32
      %mul3A_53 = arith.muli %arg0, %mul3A_52 : i32
      %add3A_54 = arith.constant 1 : i32
      %add3A_55 = arith.addi %mul3A_53, %add3A_54 : i32
      %mul3A_56 = arith.constant 32 : i32
      %mul3A_57 = arith.muli %add3A_55, %mul3A_56 : i32
      %add3A_58 = arith.addi %mul3A_57, %add3A_51 : i32
      %mul3A_59 = arith.constant 10240 : i32
      %mul3A_60 = arith.muli %add3A_58, %mul3A_59 : i32
      %mul3A_61 = arith.constant 16 : i32
      %mul3A_62 = arith.muli %add3A_58, %mul3A_61 : i32
      "tpu.region"() ({
        %run_scoped3A = tpu.sem_alloc : memref<!tpu.dma_semaphore, #tpu.memory_space<semaphore_mem>>
        %dma_start3A = tpu.memref_slice %arg5[%mul3A_62] : memref<3072xi32, #tpu.memory_space<hbm>> -> memref<16xi32, #tpu.memory_space<hbm>>
        %dma_start3A_88 = tpu.memref_slice %arg5[%mul3A_62] : memref<3072xi32, #tpu.memory_space<hbm>> -> memref<16xi32, #tpu.memory_space<hbm>>
        tpu.enqueue_dma source(%dma_start3A_88 : memref<16xi32, #tpu.memory_space<hbm>>) target(%arg14 : memref<16xi32, #tpu.memory_space<vmem>>) target_semaphore(%run_scoped3A : memref<!tpu.dma_semaphore, #tpu.memory_space<semaphore_mem>>)
        %dma_wait3A = tpu.memref_slice %arg5[%mul3A_62] : memref<3072xi32, #tpu.memory_space<hbm>> -> memref<16xi32, #tpu.memory_space<hbm>>
        %dma_wait3A_89 = tpu.memref_slice %arg5[%mul3A_62] : memref<3072xi32, #tpu.memory_space<hbm>> -> memref<16xi32, #tpu.memory_space<hbm>>
        tpu.wait_dma2 semaphore(%run_scoped3A : memref<!tpu.dma_semaphore, #tpu.memory_space<semaphore_mem>>) src(%dma_wait3A_89 : memref<16xi32, #tpu.memory_space<hbm>>) dst(%arg14 : memref<16xi32, #tpu.memory_space<vmem>>)
        tpu.yield
      }) : () -> ()
      %get3A = arith.constant 0 : index
      %get3A_63 = tpu.vector_load %arg14[%get3A] {strides = array<i32>} : memref<16xi32, #tpu.memory_space<vmem>>, vector<16xi32>,
      %reduce_max3A = arith.constant true
      %reduce_max3A_64 = vector.broadcast %reduce_max3A : i1 to vector<16xi1>
      %reduce_max3A_65 = arith.constant -2147483648 : i32
      %reduce_max3A_66 = vector.broadcast %reduce_max3A_65 : i32 to vector<16xi32>
      %reduce_max3A_67 = arith.xori %get3A_63, %reduce_max3A_66 : vector<16xi32>
      %reduce_max3A_68 = tpu.scan <max>, %reduce_max3A_67 masked %reduce_max3A_64 : vector<16xi32>, vector<16xi1> -> vector<16xi32>
      %reduce_max3A_69 = arith.xori %reduce_max3A_68, %reduce_max3A_66 : vector<16xi32>
      %reduce_max3A_70 = vector.extract %reduce_max3A_69[15] : i32 from vector<16xi32>
      %sub3A_71 = arith.constant 0 : i32
      %sub3A_72 = arith.subi %reduce_max3A_70, %sub3A_71 : i32
      %sub3A_73 = arith.constant 1 : i32
      %sub3A_74 = arith.constant 1 : i32
      %sub3A_75 = arith.subi %sub3A_73, %sub3A_74 : i32
      %add3A_76 = arith.addi %sub3A_72, %sub3A_75 : i32
      %div3A = arith.constant 1 : i32
      %div3A_77 = arith.divsi %add3A_76, %div3A : i32
      %while3A = arith.constant 1 : i32
      %while3A_78 = arith.constant 0 : i32
      %while3A_79 = arith.constant 0 : i32
      %while3A_80 = arith.subi %div3A_77, %while3A_79 : i32
      %while3A_81 = arith.addi %while3A_79, %while3A_80 : i32
      %while3A_82 = arith.constant 1 : i32
      %while3A_83 = arith.divsi %while3A_80, %while3A_82 : i32
      %while3A_84 = arith.muli %while3A_83, %while3A_82 : i32
      %while3A_85 = arith.addi %while3A_79, %while3A_84 : i32
      %while3A_86 = arith.constant 1 : i32
      scf.for %while3A_88 = %while3A_79 to %while3A_85 step %while3A_86  : i32 {
        %mul3A_89 = arith.muli %while3A_88, %while3A : i32
        %add3A_90 = arith.addi %while3A_78, %mul3A_89 : i32
        %mul3A_91 = arith.constant 128 : i32
        %mul3A_92 = arith.muli %add3A_90, %mul3A_91 : i32
        %add3A_93 = arith.addi %mul3A_60, %mul3A_92 : i32
        "tpu.region"() ({
          %run_scoped3A = tpu.sem_alloc : memref<!tpu.dma_semaphore, #tpu.memory_space<semaphore_mem>>
          %dma_start3A_106 = tpu.memref_slice %arg3[%add3A_93] : memref<1966080xi32, #tpu.memory_space<hbm>> -> memref<128xi32, #tpu.memory_space<hbm>>
          %dma_start3A_107 = tpu.memref_slice %arg3[%add3A_93] : memref<1966080xi32, #tpu.memory_space<hbm>> -> memref<128xi32, #tpu.memory_space<hbm>>
          tpu.enqueue_dma source(%dma_start3A_107 : memref<128xi32, #tpu.memory_space<hbm>>) target(%arg8 : memref<128xi32, #tpu.memory_space<vmem>>) target_semaphore(%run_scoped3A : memref<!tpu.dma_semaphore, #tpu.memory_space<semaphore_mem>>)
          %dma_wait3A_108 = tpu.memref_slice %arg3[%add3A_93] : memref<1966080xi32, #tpu.memory_space<hbm>> -> memref<128xi32, #tpu.memory_space<hbm>>
          %dma_wait3A_109 = tpu.memref_slice %arg3[%add3A_93] : memref<1966080xi32, #tpu.memory_space<hbm>> -> memref<128xi32, #tpu.memory_space<hbm>>
          tpu.wait_dma2 semaphore(%run_scoped3A : memref<!tpu.dma_semaphore, #tpu.memory_space<semaphore_mem>>) src(%dma_wait3A_109 : memref<128xi32, #tpu.memory_space<hbm>>) dst(%arg8 : memref<128xi32, #tpu.memory_space<vmem>>)
          tpu.yield
        }) : () -> ()
        %mul3A_94 = arith.constant 128 : i32
        %mul3A_95 = arith.muli %add3A_90, %mul3A_94 : i32
        %add3A_96 = arith.addi %mul3A_60, %mul3A_95 : i32
        "tpu.region"() ({
          %run_scoped3A = tpu.sem_alloc : memref<!tpu.dma_semaphore, #tpu.memory_space<semaphore_mem>>
          %dma_start3A_106 = tpu.memref_slice %arg4[%add3A_96] : memref<1966080xi32, #tpu.memory_space<hbm>> -> memref<128xi32, #tpu.memory_space<hbm>>
          %dma_start3A_107 = tpu.memref_slice %arg4[%add3A_96] : memref<1966080xi32, #tpu.memory_space<hbm>> -> memref<128xi32, #tpu.memory_space<hbm>>
          tpu.enqueue_dma source(%dma_start3A_107 : memref<128xi32, #tpu.memory_space<hbm>>) target(%arg10 : memref<128xi32, #tpu.memory_space<vmem>>) target_semaphore(%run_scoped3A : memref<!tpu.dma_semaphore, #tpu.memory_space<semaphore_mem>>)
          %dma_wait3A_108 = tpu.memref_slice %arg4[%add3A_96] : memref<1966080xi32, #tpu.memory_space<hbm>> -> memref<128xi32, #tpu.memory_space<hbm>>
          %dma_wait3A_109 = tpu.memref_slice %arg4[%add3A_96] : memref<1966080xi32, #tpu.memory_space<hbm>> -> memref<128xi32, #tpu.memory_space<hbm>>
          tpu.wait_dma2 semaphore(%run_scoped3A : memref<!tpu.dma_semaphore, #tpu.memory_space<semaphore_mem>>) src(%dma_wait3A_109 : memref<128xi32, #tpu.memory_space<hbm>>) dst(%arg10 : memref<128xi32, #tpu.memory_space<vmem>>)
          tpu.yield
        }) : () -> ()
        %dma_start3A = arith.constant 0 : i32
        %dma_start3A_97 = arith.constant 0 : i32
        %dma_start3A_98 = tpu.memref_slice %arg2[%dma_start3A, %dma_start3A_97] : memref<10000x128xf32, #tpu.memory_space<hbm>> -> memref<10000x128xf32, #tpu.memory_space<hbm>>
        tpu.enqueue_indirect_dma source(%dma_start3A_98 : memref<10000x128xf32, #tpu.memory_space<hbm>>) target(%arg12 : memref<128x128xf32, #tpu.memory_space<vmem>>) offsets(%arg8 : memref<128xi32, #tpu.memory_space<vmem>>) semaphore(%arg17 : memref<!tpu.dma_semaphore, #tpu.memory_space<semaphore_mem>>)
        %dma_wait3A = arith.constant 0 : i32
        %dma_wait3A_99 = arith.constant 0 : i32
        %dma_wait3A_100 = tpu.memref_slice %arg2[%dma_wait3A, %dma_wait3A_99] : memref<10000x128xf32, #tpu.memory_space<hbm>> -> memref<10000x128xf32, #tpu.memory_space<hbm>>
        tpu.wait_indirect_dma semaphore(%arg17 : memref<!tpu.dma_semaphore, #tpu.memory_space<semaphore_mem>>) src(%dma_wait3A_100 : memref<10000x128xf32, #tpu.memory_space<hbm>>) dst(%arg12 : memref<128x128xf32, #tpu.memory_space<vmem>>)
        "tpu.region"() ({
          %run_scoped3A = tpu.sem_alloc : memref<!tpu.dma_semaphore, #tpu.memory_space<semaphore_mem>>
          %dma_start3A_106 = arith.constant 0 : i32
          %dma_start3A_107 = arith.constant 0 : i32
          %dma_start3A_108 = tpu.memref_slice %arg16[%dma_start3A_106, %dma_start3A_107] : memref<3456x128xf32, #tpu.memory_space<vmem_shared>> -> memref<3456x128xf32, #tpu.memory_space<vmem_shared>>
          tpu.enqueue_indirect_dma source(%arg12 : memref<128x128xf32, #tpu.memory_space<vmem>>) target(%dma_start3A_108 : memref<3456x128xf32, #tpu.memory_space<vmem_shared>>) offsets(%arg10 : memref<128xi32, #tpu.memory_space<vmem>>) semaphore(%run_scoped3A : memref<!tpu.dma_semaphore, #tpu.memory_space<semaphore_mem>>) {add = true}
          %dma_wait3A_109 = arith.constant 0 : i32
          %dma_wait3A_110 = arith.constant 0 : i32
          %dma_wait3A_111 = tpu.memref_slice %arg16[%dma_wait3A_109, %dma_wait3A_110] : memref<3456x128xf32, #tpu.memory_space<vmem_shared>> -> memref<3456x128xf32, #tpu.memory_space<vmem_shared>>
          tpu.wait_indirect_dma semaphore(%run_scoped3A : memref<!tpu.dma_semaphore, #tpu.memory_space<semaphore_mem>>) src(%arg12 : memref<128x128xf32, #tpu.memory_space<vmem>>) dst(%dma_wait3A_111 : memref<3456x128xf32, #tpu.memory_space<vmem_shared>>)
          tpu.yield
        }) : () -> ()
        %scan3A_101 = arith.constant 0 : i32
        %scan3A_102 = arith.constant 8 : i32
        %scan3A_103 = arith.addi %scan3A_101, %scan3A_102 : i32
        %scan3A_104 = arith.constant 1 : i32
        scf.for %scan3A_106 = %scan3A_101 to %scan3A_103 step %scan3A_104  : i32 {
          %mul3A_107 = arith.constant 1 : i32
          %mul3A_108 = arith.muli %scan3A_106, %mul3A_107 : i32
          %add3A_109 = arith.constant 0 : i32
          %add3A_110 = arith.addi %add3A_109, %mul3A_108 : i32
          %mul3A_111 = arith.constant 16 : i32
          %mul3A_112 = arith.muli %add3A_110, %mul3A_111 : i32
          %get3A_113 = arith.index_cast %mul3A_112 : i32 to index
          %get3A_114 = tpu.vector_load %arg10[%get3A_113] {strides = array<i32>} : memref<128xi32, #tpu.memory_space<vmem>>, vector<16xi32>,
          %mul3A_115 = arith.constant 16 : i32
          %mul3A_116 = vector.broadcast %mul3A_115 : i32 to vector<16xi32>
          %mul3A_117 = arith.muli %get3A_114, %mul3A_116 : vector<16xi32>
          %add3A_118 = arith.addi %mul3A_117, %iota3A : vector<16xi32>
          tpu.vector_store_idx %arg15[%add3A_118], %broadcast_in_dim3A_3 {add = true} : memref<55296xf32, #tpu.memory_space<vmem>>[vector<16xi32>], vector<16xf32>,
        }
        %scan3A_105 = arith.constant 8 : i32
      }
      %while3A_87 = arith.constant 1 : i32
      scf.for %while3A_88 = %while3A_85 to %while3A_81 step %while3A_87  : i32 {
        %mul3A_89 = arith.muli %while3A_88, %while3A : i32
        %add3A_90 = arith.addi %while3A_78, %mul3A_89 : i32
        %mul3A_91 = arith.constant 128 : i32
        %mul3A_92 = arith.muli %add3A_90, %mul3A_91 : i32
        %add3A_93 = arith.addi %mul3A_60, %mul3A_92 : i32
        "tpu.region"() ({
          %run_scoped3A = tpu.sem_alloc : memref<!tpu.dma_semaphore, #tpu.memory_space<semaphore_mem>>
          %dma_start3A_106 = tpu.memref_slice %arg3[%add3A_93] : memref<1966080xi32, #tpu.memory_space<hbm>> -> memref<128xi32, #tpu.memory_space<hbm>>
          %dma_start3A_107 = tpu.memref_slice %arg3[%add3A_93] : memref<1966080xi32, #tpu.memory_space<hbm>> -> memref<128xi32, #tpu.memory_space<hbm>>
          tpu.enqueue_dma source(%dma_start3A_107 : memref<128xi32, #tpu.memory_space<hbm>>) target(%arg8 : memref<128xi32, #tpu.memory_space<vmem>>) target_semaphore(%run_scoped3A : memref<!tpu.dma_semaphore, #tpu.memory_space<semaphore_mem>>)
          %dma_wait3A_108 = tpu.memref_slice %arg3[%add3A_93] : memref<1966080xi32, #tpu.memory_space<hbm>> -> memref<128xi32, #tpu.memory_space<hbm>>
          %dma_wait3A_109 = tpu.memref_slice %arg3[%add3A_93] : memref<1966080xi32, #tpu.memory_space<hbm>> -> memref<128xi32, #tpu.memory_space<hbm>>
          tpu.wait_dma2 semaphore(%run_scoped3A : memref<!tpu.dma_semaphore, #tpu.memory_space<semaphore_mem>>) src(%dma_wait3A_109 : memref<128xi32, #tpu.memory_space<hbm>>) dst(%arg8 : memref<128xi32, #tpu.memory_space<vmem>>)
          tpu.yield
        }) : () -> ()
        %mul3A_94 = arith.constant 128 : i32
        %mul3A_95 = arith.muli %add3A_90, %mul3A_94 : i32
        %add3A_96 = arith.addi %mul3A_60, %mul3A_95 : i32
        "tpu.region"() ({
          %run_scoped3A = tpu.sem_alloc : memref<!tpu.dma_semaphore, #tpu.memory_space<semaphore_mem>>
          %dma_start3A_106 = tpu.memref_slice %arg4[%add3A_96] : memref<1966080xi32, #tpu.memory_space<hbm>> -> memref<128xi32, #tpu.memory_space<hbm>>
          %dma_start3A_107 = tpu.memref_slice %arg4[%add3A_96] : memref<1966080xi32, #tpu.memory_space<hbm>> -> memref<128xi32, #tpu.memory_space<hbm>>
          tpu.enqueue_dma source(%dma_start3A_107 : memref<128xi32, #tpu.memory_space<hbm>>) target(%arg10 : memref<128xi32, #tpu.memory_space<vmem>>) target_semaphore(%run_scoped3A : memref<!tpu.dma_semaphore, #tpu.memory_space<semaphore_mem>>)
          %dma_wait3A_108 = tpu.memref_slice %arg4[%add3A_96] : memref<1966080xi32, #tpu.memory_space<hbm>> -> memref<128xi32, #tpu.memory_space<hbm>>
          %dma_wait3A_109 = tpu.memref_slice %arg4[%add3A_96] : memref<1966080xi32, #tpu.memory_space<hbm>> -> memref<128xi32, #tpu.memory_space<hbm>>
          tpu.wait_dma2 semaphore(%run_scoped3A : memref<!tpu.dma_semaphore, #tpu.memory_space<semaphore_mem>>) src(%dma_wait3A_109 : memref<128xi32, #tpu.memory_space<hbm>>) dst(%arg10 : memref<128xi32, #tpu.memory_space<vmem>>)
          tpu.yield
        }) : () -> ()
        %dma_start3A = arith.constant 0 : i32
        %dma_start3A_97 = arith.constant 0 : i32
        %dma_start3A_98 = tpu.memref_slice %arg2[%dma_start3A, %dma_start3A_97] : memref<10000x128xf32, #tpu.memory_space<hbm>> -> memref<10000x128xf32, #tpu.memory_space<hbm>>
        tpu.enqueue_indirect_dma source(%dma_start3A_98 : memref<10000x128xf32, #tpu.memory_space<hbm>>) target(%arg12 : memref<128x128xf32, #tpu.memory_space<vmem>>) offsets(%arg8 : memref<128xi32, #tpu.memory_space<vmem>>) semaphore(%arg17 : memref<!tpu.dma_semaphore, #tpu.memory_space<semaphore_mem>>)
        %dma_wait3A = arith.constant 0 : i32
        %dma_wait3A_99 = arith.constant 0 : i32
        %dma_wait3A_100 = tpu.memref_slice %arg2[%dma_wait3A, %dma_wait3A_99] : memref<10000x128xf32, #tpu.memory_space<hbm>> -> memref<10000x128xf32, #tpu.memory_space<hbm>>
        tpu.wait_indirect_dma semaphore(%arg17 : memref<!tpu.dma_semaphore, #tpu.memory_space<semaphore_mem>>) src(%dma_wait3A_100 : memref<10000x128xf32, #tpu.memory_space<hbm>>) dst(%arg12 : memref<128x128xf32, #tpu.memory_space<vmem>>)
        "tpu.region"() ({
          %run_scoped3A = tpu.sem_alloc : memref<!tpu.dma_semaphore, #tpu.memory_space<semaphore_mem>>
          %dma_start3A_106 = arith.constant 0 : i32
          %dma_start3A_107 = arith.constant 0 : i32
          %dma_start3A_108 = tpu.memref_slice %arg16[%dma_start3A_106, %dma_start3A_107] : memref<3456x128xf32, #tpu.memory_space<vmem_shared>> -> memref<3456x128xf32, #tpu.memory_space<vmem_shared>>
          tpu.enqueue_indirect_dma source(%arg12 : memref<128x128xf32, #tpu.memory_space<vmem>>) target(%dma_start3A_108 : memref<3456x128xf32, #tpu.memory_space<vmem_shared>>) offsets(%arg10 : memref<128xi32, #tpu.memory_space<vmem>>) semaphore(%run_scoped3A : memref<!tpu.dma_semaphore, #tpu.memory_space<semaphore_mem>>) {add = true}
          %dma_wait3A_109 = arith.constant 0 : i32
          %dma_wait3A_110 = arith.constant 0 : i32
          %dma_wait3A_111 = tpu.memref_slice %arg16[%dma_wait3A_109, %dma_wait3A_110] : memref<3456x128xf32, #tpu.memory_space<vmem_shared>> -> memref<3456x128xf32, #tpu.memory_space<vmem_shared>>
          tpu.wait_indirect_dma semaphore(%run_scoped3A : memref<!tpu.dma_semaphore, #tpu.memory_space<semaphore_mem>>) src(%arg12 : memref<128x128xf32, #tpu.memory_space<vmem>>) dst(%dma_wait3A_111 : memref<3456x128xf32, #tpu.memory_space<vmem_shared>>)
          tpu.yield
        }) : () -> ()
        %scan3A_101 = arith.constant 0 : i32
        %scan3A_102 = arith.constant 8 : i32
        %scan3A_103 = arith.addi %scan3A_101, %scan3A_102 : i32
        %scan3A_104 = arith.constant 1 : i32
        scf.for %scan3A_106 = %scan3A_101 to %scan3A_103 step %scan3A_104  : i32 {
          %mul3A_107 = arith.constant 1 : i32
          %mul3A_108 = arith.muli %scan3A_106, %mul3A_107 : i32
          %add3A_109 = arith.constant 0 : i32
          %add3A_110 = arith.addi %add3A_109, %mul3A_108 : i32
          %mul3A_111 = arith.constant 16 : i32
          %mul3A_112 = arith.muli %add3A_110, %mul3A_111 : i32
          %get3A_113 = arith.index_cast %mul3A_112 : i32 to index
          %get3A_114 = tpu.vector_load %arg10[%get3A_113] {strides = array<i32>} : memref<128xi32, #tpu.memory_space<vmem>>, vector<16xi32>,
          %mul3A_115 = arith.constant 16 : i32
          %mul3A_116 = vector.broadcast %mul3A_115 : i32 to vector<16xi32>
          %mul3A_117 = arith.muli %get3A_114, %mul3A_116 : vector<16xi32>
          %add3A_118 = arith.addi %mul3A_117, %iota3A : vector<16xi32>
          tpu.vector_store_idx %arg15[%add3A_118], %broadcast_in_dim3A_3 {add = true} : memref<55296xf32, #tpu.memory_space<vmem>>[vector<16xi32>], vector<16xf32>,
        }
        %scan3A_105 = arith.constant 8 : i32
      }
    }
    %scan3A_33 = arith.constant 2 : i32
    %mul3A_34 = arith.constant 55296 : i32
    %mul3A_35 = arith.muli %add3A, %mul3A_34 : i32
    "tpu.region"() ({
      %run_scoped3A = tpu.sem_alloc : memref<!tpu.dma_semaphore, #tpu.memory_space<semaphore_mem>>
      %dma_start3A = tpu.memref_slice %arg7[%mul3A_35] : memref<1769472xf32, #tpu.memory_space<hbm>> -> memref<55296xf32, #tpu.memory_space<hbm>>
      %dma_start3A_44 = tpu.memref_slice %arg7[%mul3A_35] : memref<1769472xf32, #tpu.memory_space<hbm>> -> memref<55296xf32, #tpu.memory_space<hbm>>
      tpu.enqueue_dma source(%arg15 : memref<55296xf32, #tpu.memory_space<vmem>>) target(%dma_start3A_44 : memref<55296xf32, #tpu.memory_space<hbm>>) target_semaphore(%run_scoped3A : memref<!tpu.dma_semaphore, #tpu.memory_space<semaphore_mem>>)
      %dma_wait3A = tpu.memref_slice %arg7[%mul3A_35] : memref<1769472xf32, #tpu.memory_space<hbm>> -> memref<55296xf32, #tpu.memory_space<hbm>>
      %dma_wait3A_45 = tpu.memref_slice %arg7[%mul3A_35] : memref<1769472xf32, #tpu.memory_space<hbm>> -> memref<55296xf32, #tpu.memory_space<hbm>>
      tpu.wait_dma2 semaphore(%run_scoped3A : memref<!tpu.dma_semaphore, #tpu.memory_space<semaphore_mem>>) src(%arg15 : memref<55296xf32, #tpu.memory_space<vmem>>) dst(%dma_wait3A_45 : memref<55296xf32, #tpu.memory_space<hbm>>)
      tpu.yield
    }) : () -> ()
    %barrier3A_36 = arith.constant 0 : index
    tpu.barrier barrier_id(%barrier3A_36)
    %mul3A_37 = arith.constant 216 : i32
    %mul3A_38 = arith.muli %arg1, %mul3A_37 : i32
    %mul3A_39 = arith.constant 3456 : i32
    %mul3A_40 = arith.muli %arg0, %mul3A_39 : i32
    %mul3A_41 = arith.constant 216 : i32
    %mul3A_42 = arith.muli %arg1, %mul3A_41 : i32
    %add3A_43 = arith.addi %mul3A_40, %mul3A_42 : i32
    "tpu.region"() ({
      %run_scoped3A = tpu.sem_alloc : memref<!tpu.dma_semaphore, #tpu.memory_space<semaphore_mem>>
      %dma_start3A = arith.constant 0 : i32
      %dma_start3A_44 = tpu.memref_slice %arg6[%add3A_43, %dma_start3A] : memref<6912x128xf32, #tpu.memory_space<hbm>> -> memref<216x128xf32, #tpu.memory_space<hbm>>
      %dma_start3A_45 = arith.constant 0 : i32
      %dma_start3A_46 = tpu.memref_slice %arg16[%mul3A_38, %dma_start3A_45] : memref<3456x128xf32, #tpu.memory_space<vmem_shared>> -> memref<216x128xf32, #tpu.memory_space<vmem_shared>>
      tpu.enqueue_dma source(%dma_start3A_46 : memref<216x128xf32, #tpu.memory_space<vmem_shared>>) target(%dma_start3A_44 : memref<216x128xf32, #tpu.memory_space<hbm>>) target_semaphore(%run_scoped3A : memref<!tpu.dma_semaphore, #tpu.memory_space<semaphore_mem>>)
      %dma_wait3A = arith.constant 0 : i32
      %dma_wait3A_47 = tpu.memref_slice %arg6[%add3A_43, %dma_wait3A] : memref<6912x128xf32, #tpu.memory_space<hbm>> -> memref<216x128xf32, #tpu.memory_space<hbm>>
      %dma_wait3A_48 = arith.constant 0 : i32
      %dma_wait3A_49 = tpu.memref_slice %arg16[%mul3A_38, %dma_wait3A_48] : memref<3456x128xf32, #tpu.memory_space<vmem_shared>> -> memref<216x128xf32, #tpu.memory_space<vmem_shared>>
      tpu.wait_dma2 semaphore(%run_scoped3A : memref<!tpu.dma_semaphore, #tpu.memory_space<semaphore_mem>>) src(%dma_wait3A_49 : memref<216x128xf32, #tpu.memory_space<vmem_shared>>) dst(%dma_wait3A_47 : memref<216x128xf32, #tpu.memory_space<hbm>>)
      tpu.yield
    }) : () -> ()
    return
  }
}

#map = affine_map<(d0, d1) -> (0, 0)>
#map1 = affine_map<(d0, d1) -> (0)>
module attributes {stable_mosaic.version = 14 : i64} {
  func.func @sc_accumulate_h2(%arg0: i32, %arg1: i32, %arg2: memref<10000x128xf32, #tpu.memory_space<hbm>>, %arg3: memref<1966080xi32, #tpu.memory_space<hbm>>, %arg4: memref<1966080xi32, #tpu.memory_space<hbm>>, %arg5: memref<3072xi32, #tpu.memory_space<hbm>>, %arg6: memref<6912x128xf32, #tpu.memory_space<hbm>>, %arg7: memref<1769472xf32, #tpu.memory_space<hbm>>, %arg8: memref<128xi32, #tpu.memory_space<vmem>>, %arg9: memref<128xi32, #tpu.memory_space<vmem>>, %arg10: memref<128xi32, #tpu.memory_space<vmem>>, %arg11: memref<128xi32, #tpu.memory_space<vmem>>, %arg12: memref<128x128xf32, #tpu.memory_space<vmem>>, %arg13: memref<128x128xf32, #tpu.memory_space<vmem>>, %arg14: memref<16xi32, #tpu.memory_space<vmem>>, %arg15: memref<55296xf32, #tpu.memory_space<vmem>>, %arg16: memref<3456x128xf32, #tpu.memory_space<vmem_shared>>, %arg17: memref<!tpu.dma_semaphore, #tpu.memory_space<semaphore_mem>>, %arg18: memref<!tpu.dma_semaphore, #tpu.memory_space<semaphore_mem>>, %arg19: memref<!tpu.dma_semaphore, #tpu.memory_space<semaphore_mem>>, %arg20: memref<!tpu.dma_semaphore, #tpu.memory_space<semaphore_mem>>, %arg21: memref<!tpu.dma_semaphore, #tpu.memory_space<semaphore_mem>>, %arg22: memref<!tpu.dma_semaphore, #tpu.memory_space<semaphore_mem>>, %arg23: memref<!tpu.dma_semaphore, #tpu.memory_space<semaphore_mem>>, %arg24: memref<!tpu.dma_semaphore, #tpu.memory_space<semaphore_mem>>) attributes {dimension_semantics = [#tpu.dimension_semantics<core_parallel>, #tpu.dimension_semantics<subcore_parallel>], iteration_bounds = array<i64: 2, 16>, scalar_prefetch = 0 : i64, scratch_operands = 17 : i64, tpu.core_type = #tpu.core_type<sc_vector_subcore>, window_params = [{transform_indices = #map}, {transform_indices = #map1}, {transform_indices = #map1}, {transform_indices = #map1}, {transform_indices = #map}, {transform_indices = #map1}]} {
    %mul3A = arith.constant 16 : i32
    %mul3A_0 = arith.muli %arg0, %mul3A : i32
    %add3A = arith.addi %mul3A_0, %arg1 : i32
    %iota3A = tpu.iota {dimensions = array<i32: 0>} : vector<16xi32>
    %broadcast_in_dim3A = arith.constant 0.000000e+00 : f32
    %broadcast_in_dim3A_1 = vector.broadcast %broadcast_in_dim3A : f32 to vector<16xf32>
    %broadcast_in_dim3A_2 = arith.constant 1.000000e+00 : f32
    %broadcast_in_dim3A_3 = vector.broadcast %broadcast_in_dim3A_2 : f32 to vector<16xf32>
    %scan3A = arith.constant 0 : i32
    %scan3A_4 = arith.constant 128 : i32
    %scan3A_5 = arith.addi %scan3A, %scan3A_4 : i32
    %scan3A_6 = arith.constant 1 : i32
    scf.for %scan3A_44 = %scan3A to %scan3A_5 step %scan3A_6  : i32 {
      %mul3A_45 = arith.constant 1 : i32
      %mul3A_46 = arith.muli %scan3A_44, %mul3A_45 : i32
      %add3A_47 = arith.constant 0 : i32
      %add3A_48 = arith.addi %add3A_47, %mul3A_46 : i32
      %scan3A_49 = arith.constant 0 : i32
      %scan3A_50 = arith.constant 8 : i32
      %scan3A_51 = arith.addi %scan3A_49, %scan3A_50 : i32
      %scan3A_52 = arith.constant 1 : i32
      scf.for %scan3A_54 = %scan3A_49 to %scan3A_51 step %scan3A_52  : i32 {
        %mul3A_55 = arith.constant 16 : i32
        %mul3A_56 = arith.muli %scan3A_54, %mul3A_55 : i32
        %add3A_57 = arith.constant 0 : i32
        %add3A_58 = arith.addi %add3A_57, %mul3A_56 : i32
        %swap3A = arith.index_cast %add3A_48 : i32 to index
        %swap3A_59 = arith.index_cast %add3A_58 : i32 to index
        %swap3A_60 = tpu.vector_load %arg12[%swap3A, %swap3A_59] {strides = array<i32>} : memref<128x128xf32, #tpu.memory_space<vmem>>, vector<16xf32>,
        tpu.vector_store %arg12[%swap3A, %swap3A_59], %broadcast_in_dim3A_1 {strides = array<i32>} : memref<128x128xf32, #tpu.memory_space<vmem>>, vector<16xf32>,
      }
      %scan3A_53 = arith.constant 8 : i32
    }
    %scan3A_7 = arith.constant 128 : i32
    %scan3A_8 = arith.constant 0 : i32
    %mul3A_9 = arith.constant 1 : i32
    %mul3A_10 = arith.muli %scan3A_8, %mul3A_9 : i32
    %add3A_11 = arith.constant 0 : i32
    %add3A_12 = arith.addi %add3A_11, %mul3A_10 : i32
    %mul3A_13 = arith.constant 216 : i32
    %mul3A_14 = arith.muli %arg1, %mul3A_13 : i32
    %mul3A_15 = arith.constant 128 : i32
    %mul3A_16 = arith.muli %add3A_12, %mul3A_15 : i32
    %add3A_17 = arith.addi %mul3A_14, %mul3A_16 : i32
    "tpu.region"() ({
      %run_scoped3A = tpu.sem_alloc : memref<!tpu.dma_semaphore, #tpu.memory_space<semaphore_mem>>
      %dma_start3A = arith.constant 0 : i32
      %dma_start3A_44 = tpu.memref_slice %arg16[%add3A_17, %dma_start3A] : memref<3456x128xf32, #tpu.memory_space<vmem_shared>> -> memref<128x128xf32, #tpu.memory_space<vmem_shared>>
      %dma_start3A_45 = arith.constant 0 : i32
      %dma_start3A_46 = tpu.memref_slice %arg16[%add3A_17, %dma_start3A_45] : memref<3456x128xf32, #tpu.memory_space<vmem_shared>> -> memref<128x128xf32, #tpu.memory_space<vmem_shared>>
      tpu.enqueue_dma source(%arg12 : memref<128x128xf32, #tpu.memory_space<vmem>>) target(%dma_start3A_46 : memref<128x128xf32, #tpu.memory_space<vmem_shared>>) target_semaphore(%run_scoped3A : memref<!tpu.dma_semaphore, #tpu.memory_space<semaphore_mem>>)
      %dma_wait3A = arith.constant 0 : i32
      %dma_wait3A_47 = tpu.memref_slice %arg16[%add3A_17, %dma_wait3A] : memref<3456x128xf32, #tpu.memory_space<vmem_shared>> -> memref<128x128xf32, #tpu.memory_space<vmem_shared>>
      %dma_wait3A_48 = arith.constant 0 : i32
      %dma_wait3A_49 = tpu.memref_slice %arg16[%add3A_17, %dma_wait3A_48] : memref<3456x128xf32, #tpu.memory_space<vmem_shared>> -> memref<128x128xf32, #tpu.memory_space<vmem_shared>>
      tpu.wait_dma2 semaphore(%run_scoped3A : memref<!tpu.dma_semaphore, #tpu.memory_space<semaphore_mem>>) src(%arg12 : memref<128x128xf32, #tpu.memory_space<vmem>>) dst(%dma_wait3A_49 : memref<128x128xf32, #tpu.memory_space<vmem_shared>>)
      tpu.yield
    }) : () -> ()
    %scan3A_18 = arith.constant 1 : i32
    %mul3A_19 = arith.constant 216 : i32
    %mul3A_20 = arith.muli %arg1, %mul3A_19 : i32
    %add3A_21 = arith.constant 216 : i32
    %add3A_22 = arith.addi %mul3A_20, %add3A_21 : i32
    %sub3A = arith.constant 88 : i32
    %sub3A_23 = arith.subi %add3A_22, %sub3A : i32
    "tpu.region"() ({
      %run_scoped3A = tpu.sem_alloc : memref<!tpu.dma_semaphore, #tpu.memory_space<semaphore_mem>>
      %dma_start3A = arith.constant 0 : i32
      %dma_start3A_44 = arith.constant 0 : i32
      %dma_start3A_45 = tpu.memref_slice %arg12[%dma_start3A, %dma_start3A_44] : memref<128x128xf32, #tpu.memory_space<vmem>> -> memref<88x128xf32, #tpu.memory_space<vmem>>
      %dma_start3A_46 = arith.constant 0 : i32
      %dma_start3A_47 = tpu.memref_slice %arg16[%sub3A_23, %dma_start3A_46] : memref<3456x128xf32, #tpu.memory_space<vmem_shared>> -> memref<88x128xf32, #tpu.memory_space<vmem_shared>>
      %dma_start3A_48 = arith.constant 0 : i32
      %dma_start3A_49 = tpu.memref_slice %arg16[%sub3A_23, %dma_start3A_48] : memref<3456x128xf32, #tpu.memory_space<vmem_shared>> -> memref<88x128xf32, #tpu.memory_space<vmem_shared>>
      %dma_start3A_50 = arith.constant 0 : i32
      %dma_start3A_51 = arith.constant 0 : i32
      %dma_start3A_52 = tpu.memref_slice %arg12[%dma_start3A_50, %dma_start3A_51] : memref<128x128xf32, #tpu.memory_space<vmem>> -> memref<88x128xf32, #tpu.memory_space<vmem>>
      tpu.enqueue_dma source(%dma_start3A_52 : memref<88x128xf32, #tpu.memory_space<vmem>>) target(%dma_start3A_49 : memref<88x128xf32, #tpu.memory_space<vmem_shared>>) target_semaphore(%run_scoped3A : memref<!tpu.dma_semaphore, #tpu.memory_space<semaphore_mem>>)
      %dma_wait3A = arith.constant 0 : i32
      %dma_wait3A_53 = arith.constant 0 : i32
      %dma_wait3A_54 = tpu.memref_slice %arg12[%dma_wait3A, %dma_wait3A_53] : memref<128x128xf32, #tpu.memory_space<vmem>> -> memref<88x128xf32, #tpu.memory_space<vmem>>
      %dma_wait3A_55 = arith.constant 0 : i32
      %dma_wait3A_56 = tpu.memref_slice %arg16[%sub3A_23, %dma_wait3A_55] : memref<3456x128xf32, #tpu.memory_space<vmem_shared>> -> memref<88x128xf32, #tpu.memory_space<vmem_shared>>
      %dma_wait3A_57 = arith.constant 0 : i32
      %dma_wait3A_58 = tpu.memref_slice %arg16[%sub3A_23, %dma_wait3A_57] : memref<3456x128xf32, #tpu.memory_space<vmem_shared>> -> memref<88x128xf32, #tpu.memory_space<vmem_shared>>
      %dma_wait3A_59 = arith.constant 0 : i32
      %dma_wait3A_60 = arith.constant 0 : i32
      %dma_wait3A_61 = tpu.memref_slice %arg12[%dma_wait3A_59, %dma_wait3A_60] : memref<128x128xf32, #tpu.memory_space<vmem>> -> memref<88x128xf32, #tpu.memory_space<vmem>>
      tpu.wait_dma2 semaphore(%run_scoped3A : memref<!tpu.dma_semaphore, #tpu.memory_space<semaphore_mem>>) src(%dma_wait3A_61 : memref<88x128xf32, #tpu.memory_space<vmem>>) dst(%dma_wait3A_58 : memref<88x128xf32, #tpu.memory_space<vmem_shared>>)
      tpu.yield
    }) : () -> ()
    %scan3A_24 = arith.constant 0 : i32
    %scan3A_25 = arith.constant 3456 : i32
    %scan3A_26 = arith.addi %scan3A_24, %scan3A_25 : i32
    %scan3A_27 = arith.constant 1 : i32
    scf.for %scan3A_44 = %scan3A_24 to %scan3A_26 step %scan3A_27  : i32 {
      %mul3A_45 = arith.constant 16 : i32
      %mul3A_46 = arith.muli %scan3A_44, %mul3A_45 : i32
      %add3A_47 = arith.constant 0 : i32
      %add3A_48 = arith.addi %add3A_47, %mul3A_46 : i32
      %swap3A = arith.index_cast %add3A_48 : i32 to index
      %swap3A_49 = tpu.vector_load %arg15[%swap3A] {strides = array<i32>} : memref<55296xf32, #tpu.memory_space<vmem>>, vector<16xf32>,
      tpu.vector_store %arg15[%swap3A], %broadcast_in_dim3A_1 {strides = array<i32>} : memref<55296xf32, #tpu.memory_space<vmem>>, vector<16xf32>,
    }
    %scan3A_28 = arith.constant 3456 : i32
    %barrier3A = arith.constant 0 : index
    tpu.barrier barrier_id(%barrier3A)
    %scan3A_29 = arith.constant 0 : i32
    %scan3A_30 = arith.constant 2 : i32
    %scan3A_31 = arith.addi %scan3A_29, %scan3A_30 : i32
    %scan3A_32 = arith.constant 1 : i32
    scf.for %scan3A_44 = %scan3A_29 to %scan3A_31 step %scan3A_32  : i32 {
      %mul3A_45 = arith.constant 1 : i32
      %mul3A_46 = arith.muli %scan3A_44, %mul3A_45 : i32
      %add3A_47 = arith.constant 0 : i32
      %add3A_48 = arith.addi %add3A_47, %mul3A_46 : i32
      %mul3A_49 = arith.constant 2 : i32
      %mul3A_50 = arith.muli %mul3A_49, %arg1 : i32
      %add3A_51 = arith.addi %mul3A_50, %add3A_48 : i32
      %mul3A_52 = arith.constant 3 : i32
      %mul3A_53 = arith.muli %arg0, %mul3A_52 : i32
      %add3A_54 = arith.constant 2 : i32
      %add3A_55 = arith.addi %mul3A_53, %add3A_54 : i32
      %mul3A_56 = arith.constant 32 : i32
      %mul3A_57 = arith.muli %add3A_55, %mul3A_56 : i32
      %add3A_58 = arith.addi %mul3A_57, %add3A_51 : i32
      %mul3A_59 = arith.constant 10240 : i32
      %mul3A_60 = arith.muli %add3A_58, %mul3A_59 : i32
      %mul3A_61 = arith.constant 16 : i32
      %mul3A_62 = arith.muli %add3A_58, %mul3A_61 : i32
      "tpu.region"() ({
        %run_scoped3A = tpu.sem_alloc : memref<!tpu.dma_semaphore, #tpu.memory_space<semaphore_mem>>
        %dma_start3A = tpu.memref_slice %arg5[%mul3A_62] : memref<3072xi32, #tpu.memory_space<hbm>> -> memref<16xi32, #tpu.memory_space<hbm>>
        %dma_start3A_88 = tpu.memref_slice %arg5[%mul3A_62] : memref<3072xi32, #tpu.memory_space<hbm>> -> memref<16xi32, #tpu.memory_space<hbm>>
        tpu.enqueue_dma source(%dma_start3A_88 : memref<16xi32, #tpu.memory_space<hbm>>) target(%arg14 : memref<16xi32, #tpu.memory_space<vmem>>) target_semaphore(%run_scoped3A : memref<!tpu.dma_semaphore, #tpu.memory_space<semaphore_mem>>)
        %dma_wait3A = tpu.memref_slice %arg5[%mul3A_62] : memref<3072xi32, #tpu.memory_space<hbm>> -> memref<16xi32, #tpu.memory_space<hbm>>
        %dma_wait3A_89 = tpu.memref_slice %arg5[%mul3A_62] : memref<3072xi32, #tpu.memory_space<hbm>> -> memref<16xi32, #tpu.memory_space<hbm>>
        tpu.wait_dma2 semaphore(%run_scoped3A : memref<!tpu.dma_semaphore, #tpu.memory_space<semaphore_mem>>) src(%dma_wait3A_89 : memref<16xi32, #tpu.memory_space<hbm>>) dst(%arg14 : memref<16xi32, #tpu.memory_space<vmem>>)
        tpu.yield
      }) : () -> ()
      %get3A = arith.constant 0 : index
      %get3A_63 = tpu.vector_load %arg14[%get3A] {strides = array<i32>} : memref<16xi32, #tpu.memory_space<vmem>>, vector<16xi32>,
      %reduce_max3A = arith.constant true
      %reduce_max3A_64 = vector.broadcast %reduce_max3A : i1 to vector<16xi1>
      %reduce_max3A_65 = arith.constant -2147483648 : i32
      %reduce_max3A_66 = vector.broadcast %reduce_max3A_65 : i32 to vector<16xi32>
      %reduce_max3A_67 = arith.xori %get3A_63, %reduce_max3A_66 : vector<16xi32>
      %reduce_max3A_68 = tpu.scan <max>, %reduce_max3A_67 masked %reduce_max3A_64 : vector<16xi32>, vector<16xi1> -> vector<16xi32>
      %reduce_max3A_69 = arith.xori %reduce_max3A_68, %reduce_max3A_66 : vector<16xi32>
      %reduce_max3A_70 = vector.extract %reduce_max3A_69[15] : i32 from vector<16xi32>
      %sub3A_71 = arith.constant 0 : i32
      %sub3A_72 = arith.subi %reduce_max3A_70, %sub3A_71 : i32
      %sub3A_73 = arith.constant 1 : i32
      %sub3A_74 = arith.constant 1 : i32
      %sub3A_75 = arith.subi %sub3A_73, %sub3A_74 : i32
      %add3A_76 = arith.addi %sub3A_72, %sub3A_75 : i32
      %div3A = arith.constant 1 : i32
      %div3A_77 = arith.divsi %add3A_76, %div3A : i32
      %while3A = arith.constant 1 : i32
      %while3A_78 = arith.constant 0 : i32
      %while3A_79 = arith.constant 0 : i32
      %while3A_80 = arith.subi %div3A_77, %while3A_79 : i32
      %while3A_81 = arith.addi %while3A_79, %while3A_80 : i32
      %while3A_82 = arith.constant 1 : i32
      %while3A_83 = arith.divsi %while3A_80, %while3A_82 : i32
      %while3A_84 = arith.muli %while3A_83, %while3A_82 : i32
      %while3A_85 = arith.addi %while3A_79, %while3A_84 : i32
      %while3A_86 = arith.constant 1 : i32
      scf.for %while3A_88 = %while3A_79 to %while3A_85 step %while3A_86  : i32 {
        %mul3A_89 = arith.muli %while3A_88, %while3A : i32
        %add3A_90 = arith.addi %while3A_78, %mul3A_89 : i32
        %mul3A_91 = arith.constant 128 : i32
        %mul3A_92 = arith.muli %add3A_90, %mul3A_91 : i32
        %add3A_93 = arith.addi %mul3A_60, %mul3A_92 : i32
        "tpu.region"() ({
          %run_scoped3A = tpu.sem_alloc : memref<!tpu.dma_semaphore, #tpu.memory_space<semaphore_mem>>
          %dma_start3A_106 = tpu.memref_slice %arg3[%add3A_93] : memref<1966080xi32, #tpu.memory_space<hbm>> -> memref<128xi32, #tpu.memory_space<hbm>>
          %dma_start3A_107 = tpu.memref_slice %arg3[%add3A_93] : memref<1966080xi32, #tpu.memory_space<hbm>> -> memref<128xi32, #tpu.memory_space<hbm>>
          tpu.enqueue_dma source(%dma_start3A_107 : memref<128xi32, #tpu.memory_space<hbm>>) target(%arg8 : memref<128xi32, #tpu.memory_space<vmem>>) target_semaphore(%run_scoped3A : memref<!tpu.dma_semaphore, #tpu.memory_space<semaphore_mem>>)
          %dma_wait3A_108 = tpu.memref_slice %arg3[%add3A_93] : memref<1966080xi32, #tpu.memory_space<hbm>> -> memref<128xi32, #tpu.memory_space<hbm>>
          %dma_wait3A_109 = tpu.memref_slice %arg3[%add3A_93] : memref<1966080xi32, #tpu.memory_space<hbm>> -> memref<128xi32, #tpu.memory_space<hbm>>
          tpu.wait_dma2 semaphore(%run_scoped3A : memref<!tpu.dma_semaphore, #tpu.memory_space<semaphore_mem>>) src(%dma_wait3A_109 : memref<128xi32, #tpu.memory_space<hbm>>) dst(%arg8 : memref<128xi32, #tpu.memory_space<vmem>>)
          tpu.yield
        }) : () -> ()
        %mul3A_94 = arith.constant 128 : i32
        %mul3A_95 = arith.muli %add3A_90, %mul3A_94 : i32
        %add3A_96 = arith.addi %mul3A_60, %mul3A_95 : i32
        "tpu.region"() ({
          %run_scoped3A = tpu.sem_alloc : memref<!tpu.dma_semaphore, #tpu.memory_space<semaphore_mem>>
          %dma_start3A_106 = tpu.memref_slice %arg4[%add3A_96] : memref<1966080xi32, #tpu.memory_space<hbm>> -> memref<128xi32, #tpu.memory_space<hbm>>
          %dma_start3A_107 = tpu.memref_slice %arg4[%add3A_96] : memref<1966080xi32, #tpu.memory_space<hbm>> -> memref<128xi32, #tpu.memory_space<hbm>>
          tpu.enqueue_dma source(%dma_start3A_107 : memref<128xi32, #tpu.memory_space<hbm>>) target(%arg10 : memref<128xi32, #tpu.memory_space<vmem>>) target_semaphore(%run_scoped3A : memref<!tpu.dma_semaphore, #tpu.memory_space<semaphore_mem>>)
          %dma_wait3A_108 = tpu.memref_slice %arg4[%add3A_96] : memref<1966080xi32, #tpu.memory_space<hbm>> -> memref<128xi32, #tpu.memory_space<hbm>>
          %dma_wait3A_109 = tpu.memref_slice %arg4[%add3A_96] : memref<1966080xi32, #tpu.memory_space<hbm>> -> memref<128xi32, #tpu.memory_space<hbm>>
          tpu.wait_dma2 semaphore(%run_scoped3A : memref<!tpu.dma_semaphore, #tpu.memory_space<semaphore_mem>>) src(%dma_wait3A_109 : memref<128xi32, #tpu.memory_space<hbm>>) dst(%arg10 : memref<128xi32, #tpu.memory_space<vmem>>)
          tpu.yield
        }) : () -> ()
        %dma_start3A = arith.constant 0 : i32
        %dma_start3A_97 = arith.constant 0 : i32
        %dma_start3A_98 = tpu.memref_slice %arg2[%dma_start3A, %dma_start3A_97] : memref<10000x128xf32, #tpu.memory_space<hbm>> -> memref<10000x128xf32, #tpu.memory_space<hbm>>
        tpu.enqueue_indirect_dma source(%dma_start3A_98 : memref<10000x128xf32, #tpu.memory_space<hbm>>) target(%arg12 : memref<128x128xf32, #tpu.memory_space<vmem>>) offsets(%arg8 : memref<128xi32, #tpu.memory_space<vmem>>) semaphore(%arg17 : memref<!tpu.dma_semaphore, #tpu.memory_space<semaphore_mem>>)
        %dma_wait3A = arith.constant 0 : i32
        %dma_wait3A_99 = arith.constant 0 : i32
        %dma_wait3A_100 = tpu.memref_slice %arg2[%dma_wait3A, %dma_wait3A_99] : memref<10000x128xf32, #tpu.memory_space<hbm>> -> memref<10000x128xf32, #tpu.memory_space<hbm>>
        tpu.wait_indirect_dma semaphore(%arg17 : memref<!tpu.dma_semaphore, #tpu.memory_space<semaphore_mem>>) src(%dma_wait3A_100 : memref<10000x128xf32, #tpu.memory_space<hbm>>) dst(%arg12 : memref<128x128xf32, #tpu.memory_space<vmem>>)
        "tpu.region"() ({
          %run_scoped3A = tpu.sem_alloc : memref<!tpu.dma_semaphore, #tpu.memory_space<semaphore_mem>>
          %dma_start3A_106 = arith.constant 0 : i32
          %dma_start3A_107 = arith.constant 0 : i32
          %dma_start3A_108 = tpu.memref_slice %arg16[%dma_start3A_106, %dma_start3A_107] : memref<3456x128xf32, #tpu.memory_space<vmem_shared>> -> memref<3456x128xf32, #tpu.memory_space<vmem_shared>>
          tpu.enqueue_indirect_dma source(%arg12 : memref<128x128xf32, #tpu.memory_space<vmem>>) target(%dma_start3A_108 : memref<3456x128xf32, #tpu.memory_space<vmem_shared>>) offsets(%arg10 : memref<128xi32, #tpu.memory_space<vmem>>) semaphore(%run_scoped3A : memref<!tpu.dma_semaphore, #tpu.memory_space<semaphore_mem>>) {add = true}
          %dma_wait3A_109 = arith.constant 0 : i32
          %dma_wait3A_110 = arith.constant 0 : i32
          %dma_wait3A_111 = tpu.memref_slice %arg16[%dma_wait3A_109, %dma_wait3A_110] : memref<3456x128xf32, #tpu.memory_space<vmem_shared>> -> memref<3456x128xf32, #tpu.memory_space<vmem_shared>>
          tpu.wait_indirect_dma semaphore(%run_scoped3A : memref<!tpu.dma_semaphore, #tpu.memory_space<semaphore_mem>>) src(%arg12 : memref<128x128xf32, #tpu.memory_space<vmem>>) dst(%dma_wait3A_111 : memref<3456x128xf32, #tpu.memory_space<vmem_shared>>)
          tpu.yield
        }) : () -> ()
        %scan3A_101 = arith.constant 0 : i32
        %scan3A_102 = arith.constant 8 : i32
        %scan3A_103 = arith.addi %scan3A_101, %scan3A_102 : i32
        %scan3A_104 = arith.constant 1 : i32
        scf.for %scan3A_106 = %scan3A_101 to %scan3A_103 step %scan3A_104  : i32 {
          %mul3A_107 = arith.constant 1 : i32
          %mul3A_108 = arith.muli %scan3A_106, %mul3A_107 : i32
          %add3A_109 = arith.constant 0 : i32
          %add3A_110 = arith.addi %add3A_109, %mul3A_108 : i32
          %mul3A_111 = arith.constant 16 : i32
          %mul3A_112 = arith.muli %add3A_110, %mul3A_111 : i32
          %get3A_113 = arith.index_cast %mul3A_112 : i32 to index
          %get3A_114 = tpu.vector_load %arg10[%get3A_113] {strides = array<i32>} : memref<128xi32, #tpu.memory_space<vmem>>, vector<16xi32>,
          %mul3A_115 = arith.constant 16 : i32
          %mul3A_116 = vector.broadcast %mul3A_115 : i32 to vector<16xi32>
          %mul3A_117 = arith.muli %get3A_114, %mul3A_116 : vector<16xi32>
          %add3A_118 = arith.addi %mul3A_117, %iota3A : vector<16xi32>
          tpu.vector_store_idx %arg15[%add3A_118], %broadcast_in_dim3A_3 {add = true} : memref<55296xf32, #tpu.memory_space<vmem>>[vector<16xi32>], vector<16xf32>,
        }
        %scan3A_105 = arith.constant 8 : i32
      }
      %while3A_87 = arith.constant 1 : i32
      scf.for %while3A_88 = %while3A_85 to %while3A_81 step %while3A_87  : i32 {
        %mul3A_89 = arith.muli %while3A_88, %while3A : i32
        %add3A_90 = arith.addi %while3A_78, %mul3A_89 : i32
        %mul3A_91 = arith.constant 128 : i32
        %mul3A_92 = arith.muli %add3A_90, %mul3A_91 : i32
        %add3A_93 = arith.addi %mul3A_60, %mul3A_92 : i32
        "tpu.region"() ({
          %run_scoped3A = tpu.sem_alloc : memref<!tpu.dma_semaphore, #tpu.memory_space<semaphore_mem>>
          %dma_start3A_106 = tpu.memref_slice %arg3[%add3A_93] : memref<1966080xi32, #tpu.memory_space<hbm>> -> memref<128xi32, #tpu.memory_space<hbm>>
          %dma_start3A_107 = tpu.memref_slice %arg3[%add3A_93] : memref<1966080xi32, #tpu.memory_space<hbm>> -> memref<128xi32, #tpu.memory_space<hbm>>
          tpu.enqueue_dma source(%dma_start3A_107 : memref<128xi32, #tpu.memory_space<hbm>>) target(%arg8 : memref<128xi32, #tpu.memory_space<vmem>>) target_semaphore(%run_scoped3A : memref<!tpu.dma_semaphore, #tpu.memory_space<semaphore_mem>>)
          %dma_wait3A_108 = tpu.memref_slice %arg3[%add3A_93] : memref<1966080xi32, #tpu.memory_space<hbm>> -> memref<128xi32, #tpu.memory_space<hbm>>
          %dma_wait3A_109 = tpu.memref_slice %arg3[%add3A_93] : memref<1966080xi32, #tpu.memory_space<hbm>> -> memref<128xi32, #tpu.memory_space<hbm>>
          tpu.wait_dma2 semaphore(%run_scoped3A : memref<!tpu.dma_semaphore, #tpu.memory_space<semaphore_mem>>) src(%dma_wait3A_109 : memref<128xi32, #tpu.memory_space<hbm>>) dst(%arg8 : memref<128xi32, #tpu.memory_space<vmem>>)
          tpu.yield
        }) : () -> ()
        %mul3A_94 = arith.constant 128 : i32
        %mul3A_95 = arith.muli %add3A_90, %mul3A_94 : i32
        %add3A_96 = arith.addi %mul3A_60, %mul3A_95 : i32
        "tpu.region"() ({
          %run_scoped3A = tpu.sem_alloc : memref<!tpu.dma_semaphore, #tpu.memory_space<semaphore_mem>>
          %dma_start3A_106 = tpu.memref_slice %arg4[%add3A_96] : memref<1966080xi32, #tpu.memory_space<hbm>> -> memref<128xi32, #tpu.memory_space<hbm>>
          %dma_start3A_107 = tpu.memref_slice %arg4[%add3A_96] : memref<1966080xi32, #tpu.memory_space<hbm>> -> memref<128xi32, #tpu.memory_space<hbm>>
          tpu.enqueue_dma source(%dma_start3A_107 : memref<128xi32, #tpu.memory_space<hbm>>) target(%arg10 : memref<128xi32, #tpu.memory_space<vmem>>) target_semaphore(%run_scoped3A : memref<!tpu.dma_semaphore, #tpu.memory_space<semaphore_mem>>)
          %dma_wait3A_108 = tpu.memref_slice %arg4[%add3A_96] : memref<1966080xi32, #tpu.memory_space<hbm>> -> memref<128xi32, #tpu.memory_space<hbm>>
          %dma_wait3A_109 = tpu.memref_slice %arg4[%add3A_96] : memref<1966080xi32, #tpu.memory_space<hbm>> -> memref<128xi32, #tpu.memory_space<hbm>>
          tpu.wait_dma2 semaphore(%run_scoped3A : memref<!tpu.dma_semaphore, #tpu.memory_space<semaphore_mem>>) src(%dma_wait3A_109 : memref<128xi32, #tpu.memory_space<hbm>>) dst(%arg10 : memref<128xi32, #tpu.memory_space<vmem>>)
          tpu.yield
        }) : () -> ()
        %dma_start3A = arith.constant 0 : i32
        %dma_start3A_97 = arith.constant 0 : i32
        %dma_start3A_98 = tpu.memref_slice %arg2[%dma_start3A, %dma_start3A_97] : memref<10000x128xf32, #tpu.memory_space<hbm>> -> memref<10000x128xf32, #tpu.memory_space<hbm>>
        tpu.enqueue_indirect_dma source(%dma_start3A_98 : memref<10000x128xf32, #tpu.memory_space<hbm>>) target(%arg12 : memref<128x128xf32, #tpu.memory_space<vmem>>) offsets(%arg8 : memref<128xi32, #tpu.memory_space<vmem>>) semaphore(%arg17 : memref<!tpu.dma_semaphore, #tpu.memory_space<semaphore_mem>>)
        %dma_wait3A = arith.constant 0 : i32
        %dma_wait3A_99 = arith.constant 0 : i32
        %dma_wait3A_100 = tpu.memref_slice %arg2[%dma_wait3A, %dma_wait3A_99] : memref<10000x128xf32, #tpu.memory_space<hbm>> -> memref<10000x128xf32, #tpu.memory_space<hbm>>
        tpu.wait_indirect_dma semaphore(%arg17 : memref<!tpu.dma_semaphore, #tpu.memory_space<semaphore_mem>>) src(%dma_wait3A_100 : memref<10000x128xf32, #tpu.memory_space<hbm>>) dst(%arg12 : memref<128x128xf32, #tpu.memory_space<vmem>>)
        "tpu.region"() ({
          %run_scoped3A = tpu.sem_alloc : memref<!tpu.dma_semaphore, #tpu.memory_space<semaphore_mem>>
          %dma_start3A_106 = arith.constant 0 : i32
          %dma_start3A_107 = arith.constant 0 : i32
          %dma_start3A_108 = tpu.memref_slice %arg16[%dma_start3A_106, %dma_start3A_107] : memref<3456x128xf32, #tpu.memory_space<vmem_shared>> -> memref<3456x128xf32, #tpu.memory_space<vmem_shared>>
          tpu.enqueue_indirect_dma source(%arg12 : memref<128x128xf32, #tpu.memory_space<vmem>>) target(%dma_start3A_108 : memref<3456x128xf32, #tpu.memory_space<vmem_shared>>) offsets(%arg10 : memref<128xi32, #tpu.memory_space<vmem>>) semaphore(%run_scoped3A : memref<!tpu.dma_semaphore, #tpu.memory_space<semaphore_mem>>) {add = true}
          %dma_wait3A_109 = arith.constant 0 : i32
          %dma_wait3A_110 = arith.constant 0 : i32
          %dma_wait3A_111 = tpu.memref_slice %arg16[%dma_wait3A_109, %dma_wait3A_110] : memref<3456x128xf32, #tpu.memory_space<vmem_shared>> -> memref<3456x128xf32, #tpu.memory_space<vmem_shared>>
          tpu.wait_indirect_dma semaphore(%run_scoped3A : memref<!tpu.dma_semaphore, #tpu.memory_space<semaphore_mem>>) src(%arg12 : memref<128x128xf32, #tpu.memory_space<vmem>>) dst(%dma_wait3A_111 : memref<3456x128xf32, #tpu.memory_space<vmem_shared>>)
          tpu.yield
        }) : () -> ()
        %scan3A_101 = arith.constant 0 : i32
        %scan3A_102 = arith.constant 8 : i32
        %scan3A_103 = arith.addi %scan3A_101, %scan3A_102 : i32
        %scan3A_104 = arith.constant 1 : i32
        scf.for %scan3A_106 = %scan3A_101 to %scan3A_103 step %scan3A_104  : i32 {
          %mul3A_107 = arith.constant 1 : i32
          %mul3A_108 = arith.muli %scan3A_106, %mul3A_107 : i32
          %add3A_109 = arith.constant 0 : i32
          %add3A_110 = arith.addi %add3A_109, %mul3A_108 : i32
          %mul3A_111 = arith.constant 16 : i32
          %mul3A_112 = arith.muli %add3A_110, %mul3A_111 : i32
          %get3A_113 = arith.index_cast %mul3A_112 : i32 to index
          %get3A_114 = tpu.vector_load %arg10[%get3A_113] {strides = array<i32>} : memref<128xi32, #tpu.memory_space<vmem>>, vector<16xi32>,
          %mul3A_115 = arith.constant 16 : i32
          %mul3A_116 = vector.broadcast %mul3A_115 : i32 to vector<16xi32>
          %mul3A_117 = arith.muli %get3A_114, %mul3A_116 : vector<16xi32>
          %add3A_118 = arith.addi %mul3A_117, %iota3A : vector<16xi32>
          tpu.vector_store_idx %arg15[%add3A_118], %broadcast_in_dim3A_3 {add = true} : memref<55296xf32, #tpu.memory_space<vmem>>[vector<16xi32>], vector<16xf32>,
        }
        %scan3A_105 = arith.constant 8 : i32
      }
    }
    %scan3A_33 = arith.constant 2 : i32
    %mul3A_34 = arith.constant 55296 : i32
    %mul3A_35 = arith.muli %add3A, %mul3A_34 : i32
    "tpu.region"() ({
      %run_scoped3A = tpu.sem_alloc : memref<!tpu.dma_semaphore, #tpu.memory_space<semaphore_mem>>
      %dma_start3A = tpu.memref_slice %arg7[%mul3A_35] : memref<1769472xf32, #tpu.memory_space<hbm>> -> memref<55296xf32, #tpu.memory_space<hbm>>
      %dma_start3A_44 = tpu.memref_slice %arg7[%mul3A_35] : memref<1769472xf32, #tpu.memory_space<hbm>> -> memref<55296xf32, #tpu.memory_space<hbm>>
      tpu.enqueue_dma source(%arg15 : memref<55296xf32, #tpu.memory_space<vmem>>) target(%dma_start3A_44 : memref<55296xf32, #tpu.memory_space<hbm>>) target_semaphore(%run_scoped3A : memref<!tpu.dma_semaphore, #tpu.memory_space<semaphore_mem>>)
      %dma_wait3A = tpu.memref_slice %arg7[%mul3A_35] : memref<1769472xf32, #tpu.memory_space<hbm>> -> memref<55296xf32, #tpu.memory_space<hbm>>
      %dma_wait3A_45 = tpu.memref_slice %arg7[%mul3A_35] : memref<1769472xf32, #tpu.memory_space<hbm>> -> memref<55296xf32, #tpu.memory_space<hbm>>
      tpu.wait_dma2 semaphore(%run_scoped3A : memref<!tpu.dma_semaphore, #tpu.memory_space<semaphore_mem>>) src(%arg15 : memref<55296xf32, #tpu.memory_space<vmem>>) dst(%dma_wait3A_45 : memref<55296xf32, #tpu.memory_space<hbm>>)
      tpu.yield
    }) : () -> ()
    %barrier3A_36 = arith.constant 0 : index
    tpu.barrier barrier_id(%barrier3A_36)
    %mul3A_37 = arith.constant 216 : i32
    %mul3A_38 = arith.muli %arg1, %mul3A_37 : i32
    %mul3A_39 = arith.constant 3456 : i32
    %mul3A_40 = arith.muli %arg0, %mul3A_39 : i32
    %mul3A_41 = arith.constant 216 : i32
    %mul3A_42 = arith.muli %arg1, %mul3A_41 : i32
    %add3A_43 = arith.addi %mul3A_40, %mul3A_42 : i32
    "tpu.region"() ({
      %run_scoped3A = tpu.sem_alloc : memref<!tpu.dma_semaphore, #tpu.memory_space<semaphore_mem>>
      %dma_start3A = arith.constant 0 : i32
      %dma_start3A_44 = tpu.memref_slice %arg6[%add3A_43, %dma_start3A] : memref<6912x128xf32, #tpu.memory_space<hbm>> -> memref<216x128xf32, #tpu.memory_space<hbm>>
      %dma_start3A_45 = arith.constant 0 : i32
      %dma_start3A_46 = tpu.memref_slice %arg16[%mul3A_38, %dma_start3A_45] : memref<3456x128xf32, #tpu.memory_space<vmem_shared>> -> memref<216x128xf32, #tpu.memory_space<vmem_shared>>
      tpu.enqueue_dma source(%dma_start3A_46 : memref<216x128xf32, #tpu.memory_space<vmem_shared>>) target(%dma_start3A_44 : memref<216x128xf32, #tpu.memory_space<hbm>>) target_semaphore(%run_scoped3A : memref<!tpu.dma_semaphore, #tpu.memory_space<semaphore_mem>>)
      %dma_wait3A = arith.constant 0 : i32
      %dma_wait3A_47 = tpu.memref_slice %arg6[%add3A_43, %dma_wait3A] : memref<6912x128xf32, #tpu.memory_space<hbm>> -> memref<216x128xf32, #tpu.memory_space<hbm>>
      %dma_wait3A_48 = arith.constant 0 : i32
      %dma_wait3A_49 = tpu.memref_slice %arg16[%mul3A_38, %dma_wait3A_48] : memref<3456x128xf32, #tpu.memory_space<vmem_shared>> -> memref<216x128xf32, #tpu.memory_space<vmem_shared>>
      tpu.wait_dma2 semaphore(%run_scoped3A : memref<!tpu.dma_semaphore, #tpu.memory_space<semaphore_mem>>) src(%dma_wait3A_49 : memref<216x128xf32, #tpu.memory_space<vmem_shared>>) dst(%dma_wait3A_47 : memref<216x128xf32, #tpu.memory_space<hbm>>)
      tpu.yield
    }) : () -> ()
    return
  }
}

#map = affine_map<(d0, d1) -> (0, 0)>
#map1 = affine_map<(d0, d1) -> (0)>
module attributes {stable_mosaic.version = 14 : i64} {
  func.func @sc_accumulate_h0(%arg0: i32, %arg1: i32, %arg2: memref<10000x128xf32, #tpu.memory_space<hbm>>, %arg3: memref<1966080xi32, #tpu.memory_space<hbm>>, %arg4: memref<1966080xi32, #tpu.memory_space<hbm>>, %arg5: memref<3072xi32, #tpu.memory_space<hbm>>, %arg6: memref<6912x128xf32, #tpu.memory_space<hbm>>, %arg7: memref<1769472xf32, #tpu.memory_space<hbm>>, %arg8: memref<128xi32, #tpu.memory_space<vmem>>, %arg9: memref<128xi32, #tpu.memory_space<vmem>>, %arg10: memref<128xi32, #tpu.memory_space<vmem>>, %arg11: memref<128xi32, #tpu.memory_space<vmem>>, %arg12: memref<128x128xf32, #tpu.memory_space<vmem>>, %arg13: memref<128x128xf32, #tpu.memory_space<vmem>>, %arg14: memref<16xi32, #tpu.memory_space<vmem>>, %arg15: memref<55296xf32, #tpu.memory_space<vmem>>, %arg16: memref<3456x128xf32, #tpu.memory_space<vmem_shared>>, %arg17: memref<!tpu.dma_semaphore, #tpu.memory_space<semaphore_mem>>, %arg18: memref<!tpu.dma_semaphore, #tpu.memory_space<semaphore_mem>>, %arg19: memref<!tpu.dma_semaphore, #tpu.memory_space<semaphore_mem>>, %arg20: memref<!tpu.dma_semaphore, #tpu.memory_space<semaphore_mem>>, %arg21: memref<!tpu.dma_semaphore, #tpu.memory_space<semaphore_mem>>, %arg22: memref<!tpu.dma_semaphore, #tpu.memory_space<semaphore_mem>>, %arg23: memref<!tpu.dma_semaphore, #tpu.memory_space<semaphore_mem>>, %arg24: memref<!tpu.dma_semaphore, #tpu.memory_space<semaphore_mem>>) attributes {dimension_semantics = [#tpu.dimension_semantics<core_parallel>, #tpu.dimension_semantics<subcore_parallel>], iteration_bounds = array<i64: 2, 16>, scalar_prefetch = 0 : i64, scratch_operands = 17 : i64, tpu.core_type = #tpu.core_type<sc_vector_subcore>, window_params = [{transform_indices = #map}, {transform_indices = #map1}, {transform_indices = #map1}, {transform_indices = #map1}, {transform_indices = #map}, {transform_indices = #map1}]} {
    %mul3A = arith.constant 16 : i32
    %mul3A_0 = arith.muli %arg0, %mul3A : i32
    %add3A = arith.addi %mul3A_0, %arg1 : i32
    %iota3A = tpu.iota {dimensions = array<i32: 0>} : vector<16xi32>
    %broadcast_in_dim3A = arith.constant 0.000000e+00 : f32
    %broadcast_in_dim3A_1 = vector.broadcast %broadcast_in_dim3A : f32 to vector<16xf32>
    %broadcast_in_dim3A_2 = arith.constant 1.000000e+00 : f32
    %broadcast_in_dim3A_3 = vector.broadcast %broadcast_in_dim3A_2 : f32 to vector<16xf32>
    %scan3A = arith.constant 0 : i32
    %scan3A_4 = arith.constant 128 : i32
    %scan3A_5 = arith.addi %scan3A, %scan3A_4 : i32
    %scan3A_6 = arith.constant 1 : i32
    scf.for %scan3A_44 = %scan3A to %scan3A_5 step %scan3A_6  : i32 {
      %mul3A_45 = arith.constant 1 : i32
      %mul3A_46 = arith.muli %scan3A_44, %mul3A_45 : i32
      %add3A_47 = arith.constant 0 : i32
      %add3A_48 = arith.addi %add3A_47, %mul3A_46 : i32
      %scan3A_49 = arith.constant 0 : i32
      %scan3A_50 = arith.constant 8 : i32
      %scan3A_51 = arith.addi %scan3A_49, %scan3A_50 : i32
      %scan3A_52 = arith.constant 1 : i32
      scf.for %scan3A_54 = %scan3A_49 to %scan3A_51 step %scan3A_52  : i32 {
        %mul3A_55 = arith.constant 16 : i32
        %mul3A_56 = arith.muli %scan3A_54, %mul3A_55 : i32
        %add3A_57 = arith.constant 0 : i32
        %add3A_58 = arith.addi %add3A_57, %mul3A_56 : i32
        %swap3A = arith.index_cast %add3A_48 : i32 to index
        %swap3A_59 = arith.index_cast %add3A_58 : i32 to index
        %swap3A_60 = tpu.vector_load %arg12[%swap3A, %swap3A_59] {strides = array<i32>} : memref<128x128xf32, #tpu.memory_space<vmem>>, vector<16xf32>,
        tpu.vector_store %arg12[%swap3A, %swap3A_59], %broadcast_in_dim3A_1 {strides = array<i32>} : memref<128x128xf32, #tpu.memory_space<vmem>>, vector<16xf32>,
      }
      %scan3A_53 = arith.constant 8 : i32
    }
    %scan3A_7 = arith.constant 128 : i32
    %scan3A_8 = arith.constant 0 : i32
    %mul3A_9 = arith.constant 1 : i32
    %mul3A_10 = arith.muli %scan3A_8, %mul3A_9 : i32
    %add3A_11 = arith.constant 0 : i32
    %add3A_12 = arith.addi %add3A_11, %mul3A_10 : i32
    %mul3A_13 = arith.constant 216 : i32
    %mul3A_14 = arith.muli %arg1, %mul3A_13 : i32
    %mul3A_15 = arith.constant 128 : i32
    %mul3A_16 = arith.muli %add3A_12, %mul3A_15 : i32
    %add3A_17 = arith.addi %mul3A_14, %mul3A_16 : i32
    "tpu.region"() ({
      %run_scoped3A = tpu.sem_alloc : memref<!tpu.dma_semaphore, #tpu.memory_space<semaphore_mem>>
      %dma_start3A = arith.constant 0 : i32
      %dma_start3A_44 = tpu.memref_slice %arg16[%add3A_17, %dma_start3A] : memref<3456x128xf32, #tpu.memory_space<vmem_shared>> -> memref<128x128xf32, #tpu.memory_space<vmem_shared>>
      %dma_start3A_45 = arith.constant 0 : i32
      %dma_start3A_46 = tpu.memref_slice %arg16[%add3A_17, %dma_start3A_45] : memref<3456x128xf32, #tpu.memory_space<vmem_shared>> -> memref<128x128xf32, #tpu.memory_space<vmem_shared>>
      tpu.enqueue_dma source(%arg12 : memref<128x128xf32, #tpu.memory_space<vmem>>) target(%dma_start3A_46 : memref<128x128xf32, #tpu.memory_space<vmem_shared>>) target_semaphore(%run_scoped3A : memref<!tpu.dma_semaphore, #tpu.memory_space<semaphore_mem>>)
      %dma_wait3A = arith.constant 0 : i32
      %dma_wait3A_47 = tpu.memref_slice %arg16[%add3A_17, %dma_wait3A] : memref<3456x128xf32, #tpu.memory_space<vmem_shared>> -> memref<128x128xf32, #tpu.memory_space<vmem_shared>>
      %dma_wait3A_48 = arith.constant 0 : i32
      %dma_wait3A_49 = tpu.memref_slice %arg16[%add3A_17, %dma_wait3A_48] : memref<3456x128xf32, #tpu.memory_space<vmem_shared>> -> memref<128x128xf32, #tpu.memory_space<vmem_shared>>
      tpu.wait_dma2 semaphore(%run_scoped3A : memref<!tpu.dma_semaphore, #tpu.memory_space<semaphore_mem>>) src(%arg12 : memref<128x128xf32, #tpu.memory_space<vmem>>) dst(%dma_wait3A_49 : memref<128x128xf32, #tpu.memory_space<vmem_shared>>)
      tpu.yield
    }) : () -> ()
    %scan3A_18 = arith.constant 1 : i32
    %mul3A_19 = arith.constant 216 : i32
    %mul3A_20 = arith.muli %arg1, %mul3A_19 : i32
    %add3A_21 = arith.constant 216 : i32
    %add3A_22 = arith.addi %mul3A_20, %add3A_21 : i32
    %sub3A = arith.constant 88 : i32
    %sub3A_23 = arith.subi %add3A_22, %sub3A : i32
    "tpu.region"() ({
      %run_scoped3A = tpu.sem_alloc : memref<!tpu.dma_semaphore, #tpu.memory_space<semaphore_mem>>
      %dma_start3A = arith.constant 0 : i32
      %dma_start3A_44 = arith.constant 0 : i32
      %dma_start3A_45 = tpu.memref_slice %arg12[%dma_start3A, %dma_start3A_44] : memref<128x128xf32, #tpu.memory_space<vmem>> -> memref<88x128xf32, #tpu.memory_space<vmem>>
      %dma_start3A_46 = arith.constant 0 : i32
      %dma_start3A_47 = tpu.memref_slice %arg16[%sub3A_23, %dma_start3A_46] : memref<3456x128xf32, #tpu.memory_space<vmem_shared>> -> memref<88x128xf32, #tpu.memory_space<vmem_shared>>
      %dma_start3A_48 = arith.constant 0 : i32
      %dma_start3A_49 = tpu.memref_slice %arg16[%sub3A_23, %dma_start3A_48] : memref<3456x128xf32, #tpu.memory_space<vmem_shared>> -> memref<88x128xf32, #tpu.memory_space<vmem_shared>>
      %dma_start3A_50 = arith.constant 0 : i32
      %dma_start3A_51 = arith.constant 0 : i32
      %dma_start3A_52 = tpu.memref_slice %arg12[%dma_start3A_50, %dma_start3A_51] : memref<128x128xf32, #tpu.memory_space<vmem>> -> memref<88x128xf32, #tpu.memory_space<vmem>>
      tpu.enqueue_dma source(%dma_start3A_52 : memref<88x128xf32, #tpu.memory_space<vmem>>) target(%dma_start3A_49 : memref<88x128xf32, #tpu.memory_space<vmem_shared>>) target_semaphore(%run_scoped3A : memref<!tpu.dma_semaphore, #tpu.memory_space<semaphore_mem>>)
      %dma_wait3A = arith.constant 0 : i32
      %dma_wait3A_53 = arith.constant 0 : i32
      %dma_wait3A_54 = tpu.memref_slice %arg12[%dma_wait3A, %dma_wait3A_53] : memref<128x128xf32, #tpu.memory_space<vmem>> -> memref<88x128xf32, #tpu.memory_space<vmem>>
      %dma_wait3A_55 = arith.constant 0 : i32
      %dma_wait3A_56 = tpu.memref_slice %arg16[%sub3A_23, %dma_wait3A_55] : memref<3456x128xf32, #tpu.memory_space<vmem_shared>> -> memref<88x128xf32, #tpu.memory_space<vmem_shared>>
      %dma_wait3A_57 = arith.constant 0 : i32
      %dma_wait3A_58 = tpu.memref_slice %arg16[%sub3A_23, %dma_wait3A_57] : memref<3456x128xf32, #tpu.memory_space<vmem_shared>> -> memref<88x128xf32, #tpu.memory_space<vmem_shared>>
      %dma_wait3A_59 = arith.constant 0 : i32
      %dma_wait3A_60 = arith.constant 0 : i32
      %dma_wait3A_61 = tpu.memref_slice %arg12[%dma_wait3A_59, %dma_wait3A_60] : memref<128x128xf32, #tpu.memory_space<vmem>> -> memref<88x128xf32, #tpu.memory_space<vmem>>
      tpu.wait_dma2 semaphore(%run_scoped3A : memref<!tpu.dma_semaphore, #tpu.memory_space<semaphore_mem>>) src(%dma_wait3A_61 : memref<88x128xf32, #tpu.memory_space<vmem>>) dst(%dma_wait3A_58 : memref<88x128xf32, #tpu.memory_space<vmem_shared>>)
      tpu.yield
    }) : () -> ()
    %scan3A_24 = arith.constant 0 : i32
    %scan3A_25 = arith.constant 3456 : i32
    %scan3A_26 = arith.addi %scan3A_24, %scan3A_25 : i32
    %scan3A_27 = arith.constant 1 : i32
    scf.for %scan3A_44 = %scan3A_24 to %scan3A_26 step %scan3A_27  : i32 {
      %mul3A_45 = arith.constant 16 : i32
      %mul3A_46 = arith.muli %scan3A_44, %mul3A_45 : i32
      %add3A_47 = arith.constant 0 : i32
      %add3A_48 = arith.addi %add3A_47, %mul3A_46 : i32
      %swap3A = arith.index_cast %add3A_48 : i32 to index
      %swap3A_49 = tpu.vector_load %arg15[%swap3A] {strides = array<i32>} : memref<55296xf32, #tpu.memory_space<vmem>>, vector<16xf32>,
      tpu.vector_store %arg15[%swap3A], %broadcast_in_dim3A_1 {strides = array<i32>} : memref<55296xf32, #tpu.memory_space<vmem>>, vector<16xf32>,
    }
    %scan3A_28 = arith.constant 3456 : i32
    %barrier3A = arith.constant 0 : index
    tpu.barrier barrier_id(%barrier3A)
    %scan3A_29 = arith.constant 0 : i32
    %scan3A_30 = arith.constant 2 : i32
    %scan3A_31 = arith.addi %scan3A_29, %scan3A_30 : i32
    %scan3A_32 = arith.constant 1 : i32
    scf.for %scan3A_44 = %scan3A_29 to %scan3A_31 step %scan3A_32  : i32 {
      %mul3A_45 = arith.constant 1 : i32
      %mul3A_46 = arith.muli %scan3A_44, %mul3A_45 : i32
      %add3A_47 = arith.constant 0 : i32
      %add3A_48 = arith.addi %add3A_47, %mul3A_46 : i32
      %mul3A_49 = arith.constant 2 : i32
      %mul3A_50 = arith.muli %mul3A_49, %arg1 : i32
      %add3A_51 = arith.addi %mul3A_50, %add3A_48 : i32
      %mul3A_52 = arith.constant 3 : i32
      %mul3A_53 = arith.muli %arg0, %mul3A_52 : i32
      %add3A_54 = arith.constant 0 : i32
      %add3A_55 = arith.addi %mul3A_53, %add3A_54 : i32
      %mul3A_56 = arith.constant 32 : i32
      %mul3A_57 = arith.muli %add3A_55, %mul3A_56 : i32
      %add3A_58 = arith.addi %mul3A_57, %add3A_51 : i32
      %mul3A_59 = arith.constant 10240 : i32
      %mul3A_60 = arith.muli %add3A_58, %mul3A_59 : i32
      %mul3A_61 = arith.constant 16 : i32
      %mul3A_62 = arith.muli %add3A_58, %mul3A_61 : i32
      "tpu.region"() ({
        %run_scoped3A = tpu.sem_alloc : memref<!tpu.dma_semaphore, #tpu.memory_space<semaphore_mem>>
        %dma_start3A = tpu.memref_slice %arg5[%mul3A_62] : memref<3072xi32, #tpu.memory_space<hbm>> -> memref<16xi32, #tpu.memory_space<hbm>>
        %dma_start3A_88 = tpu.memref_slice %arg5[%mul3A_62] : memref<3072xi32, #tpu.memory_space<hbm>> -> memref<16xi32, #tpu.memory_space<hbm>>
        tpu.enqueue_dma source(%dma_start3A_88 : memref<16xi32, #tpu.memory_space<hbm>>) target(%arg14 : memref<16xi32, #tpu.memory_space<vmem>>) target_semaphore(%run_scoped3A : memref<!tpu.dma_semaphore, #tpu.memory_space<semaphore_mem>>)
        %dma_wait3A = tpu.memref_slice %arg5[%mul3A_62] : memref<3072xi32, #tpu.memory_space<hbm>> -> memref<16xi32, #tpu.memory_space<hbm>>
        %dma_wait3A_89 = tpu.memref_slice %arg5[%mul3A_62] : memref<3072xi32, #tpu.memory_space<hbm>> -> memref<16xi32, #tpu.memory_space<hbm>>
        tpu.wait_dma2 semaphore(%run_scoped3A : memref<!tpu.dma_semaphore, #tpu.memory_space<semaphore_mem>>) src(%dma_wait3A_89 : memref<16xi32, #tpu.memory_space<hbm>>) dst(%arg14 : memref<16xi32, #tpu.memory_space<vmem>>)
        tpu.yield
      }) : () -> ()
      %get3A = arith.constant 0 : index
      %get3A_63 = tpu.vector_load %arg14[%get3A] {strides = array<i32>} : memref<16xi32, #tpu.memory_space<vmem>>, vector<16xi32>,
      %reduce_max3A = arith.constant true
      %reduce_max3A_64 = vector.broadcast %reduce_max3A : i1 to vector<16xi1>
      %reduce_max3A_65 = arith.constant -2147483648 : i32
      %reduce_max3A_66 = vector.broadcast %reduce_max3A_65 : i32 to vector<16xi32>
      %reduce_max3A_67 = arith.xori %get3A_63, %reduce_max3A_66 : vector<16xi32>
      %reduce_max3A_68 = tpu.scan <max>, %reduce_max3A_67 masked %reduce_max3A_64 : vector<16xi32>, vector<16xi1> -> vector<16xi32>
      %reduce_max3A_69 = arith.xori %reduce_max3A_68, %reduce_max3A_66 : vector<16xi32>
      %reduce_max3A_70 = vector.extract %reduce_max3A_69[15] : i32 from vector<16xi32>
      %sub3A_71 = arith.constant 0 : i32
      %sub3A_72 = arith.subi %reduce_max3A_70, %sub3A_71 : i32
      %sub3A_73 = arith.constant 1 : i32
      %sub3A_74 = arith.constant 1 : i32
      %sub3A_75 = arith.subi %sub3A_73, %sub3A_74 : i32
      %add3A_76 = arith.addi %sub3A_72, %sub3A_75 : i32
      %div3A = arith.constant 1 : i32
      %div3A_77 = arith.divsi %add3A_76, %div3A : i32
      %while3A = arith.constant 1 : i32
      %while3A_78 = arith.constant 0 : i32
      %while3A_79 = arith.constant 0 : i32
      %while3A_80 = arith.subi %div3A_77, %while3A_79 : i32
      %while3A_81 = arith.addi %while3A_79, %while3A_80 : i32
      %while3A_82 = arith.constant 1 : i32
      %while3A_83 = arith.divsi %while3A_80, %while3A_82 : i32
      %while3A_84 = arith.muli %while3A_83, %while3A_82 : i32
      %while3A_85 = arith.addi %while3A_79, %while3A_84 : i32
      %while3A_86 = arith.constant 1 : i32
      scf.for %while3A_88 = %while3A_79 to %while3A_85 step %while3A_86  : i32 {
        %mul3A_89 = arith.muli %while3A_88, %while3A : i32
        %add3A_90 = arith.addi %while3A_78, %mul3A_89 : i32
        %mul3A_91 = arith.constant 128 : i32
        %mul3A_92 = arith.muli %add3A_90, %mul3A_91 : i32
        %add3A_93 = arith.addi %mul3A_60, %mul3A_92 : i32
        "tpu.region"() ({
          %run_scoped3A = tpu.sem_alloc : memref<!tpu.dma_semaphore, #tpu.memory_space<semaphore_mem>>
          %dma_start3A_106 = tpu.memref_slice %arg3[%add3A_93] : memref<1966080xi32, #tpu.memory_space<hbm>> -> memref<128xi32, #tpu.memory_space<hbm>>
          %dma_start3A_107 = tpu.memref_slice %arg3[%add3A_93] : memref<1966080xi32, #tpu.memory_space<hbm>> -> memref<128xi32, #tpu.memory_space<hbm>>
          tpu.enqueue_dma source(%dma_start3A_107 : memref<128xi32, #tpu.memory_space<hbm>>) target(%arg8 : memref<128xi32, #tpu.memory_space<vmem>>) target_semaphore(%run_scoped3A : memref<!tpu.dma_semaphore, #tpu.memory_space<semaphore_mem>>)
          %dma_wait3A_108 = tpu.memref_slice %arg3[%add3A_93] : memref<1966080xi32, #tpu.memory_space<hbm>> -> memref<128xi32, #tpu.memory_space<hbm>>
          %dma_wait3A_109 = tpu.memref_slice %arg3[%add3A_93] : memref<1966080xi32, #tpu.memory_space<hbm>> -> memref<128xi32, #tpu.memory_space<hbm>>
          tpu.wait_dma2 semaphore(%run_scoped3A : memref<!tpu.dma_semaphore, #tpu.memory_space<semaphore_mem>>) src(%dma_wait3A_109 : memref<128xi32, #tpu.memory_space<hbm>>) dst(%arg8 : memref<128xi32, #tpu.memory_space<vmem>>)
          tpu.yield
        }) : () -> ()
        %mul3A_94 = arith.constant 128 : i32
        %mul3A_95 = arith.muli %add3A_90, %mul3A_94 : i32
        %add3A_96 = arith.addi %mul3A_60, %mul3A_95 : i32
        "tpu.region"() ({
          %run_scoped3A = tpu.sem_alloc : memref<!tpu.dma_semaphore, #tpu.memory_space<semaphore_mem>>
          %dma_start3A_106 = tpu.memref_slice %arg4[%add3A_96] : memref<1966080xi32, #tpu.memory_space<hbm>> -> memref<128xi32, #tpu.memory_space<hbm>>
          %dma_start3A_107 = tpu.memref_slice %arg4[%add3A_96] : memref<1966080xi32, #tpu.memory_space<hbm>> -> memref<128xi32, #tpu.memory_space<hbm>>
          tpu.enqueue_dma source(%dma_start3A_107 : memref<128xi32, #tpu.memory_space<hbm>>) target(%arg10 : memref<128xi32, #tpu.memory_space<vmem>>) target_semaphore(%run_scoped3A : memref<!tpu.dma_semaphore, #tpu.memory_space<semaphore_mem>>)
          %dma_wait3A_108 = tpu.memref_slice %arg4[%add3A_96] : memref<1966080xi32, #tpu.memory_space<hbm>> -> memref<128xi32, #tpu.memory_space<hbm>>
          %dma_wait3A_109 = tpu.memref_slice %arg4[%add3A_96] : memref<1966080xi32, #tpu.memory_space<hbm>> -> memref<128xi32, #tpu.memory_space<hbm>>
          tpu.wait_dma2 semaphore(%run_scoped3A : memref<!tpu.dma_semaphore, #tpu.memory_space<semaphore_mem>>) src(%dma_wait3A_109 : memref<128xi32, #tpu.memory_space<hbm>>) dst(%arg10 : memref<128xi32, #tpu.memory_space<vmem>>)
          tpu.yield
        }) : () -> ()
        %dma_start3A = arith.constant 0 : i32
        %dma_start3A_97 = arith.constant 0 : i32
        %dma_start3A_98 = tpu.memref_slice %arg2[%dma_start3A, %dma_start3A_97] : memref<10000x128xf32, #tpu.memory_space<hbm>> -> memref<10000x128xf32, #tpu.memory_space<hbm>>
        tpu.enqueue_indirect_dma source(%dma_start3A_98 : memref<10000x128xf32, #tpu.memory_space<hbm>>) target(%arg12 : memref<128x128xf32, #tpu.memory_space<vmem>>) offsets(%arg8 : memref<128xi32, #tpu.memory_space<vmem>>) semaphore(%arg17 : memref<!tpu.dma_semaphore, #tpu.memory_space<semaphore_mem>>)
        %dma_wait3A = arith.constant 0 : i32
        %dma_wait3A_99 = arith.constant 0 : i32
        %dma_wait3A_100 = tpu.memref_slice %arg2[%dma_wait3A, %dma_wait3A_99] : memref<10000x128xf32, #tpu.memory_space<hbm>> -> memref<10000x128xf32, #tpu.memory_space<hbm>>
        tpu.wait_indirect_dma semaphore(%arg17 : memref<!tpu.dma_semaphore, #tpu.memory_space<semaphore_mem>>) src(%dma_wait3A_100 : memref<10000x128xf32, #tpu.memory_space<hbm>>) dst(%arg12 : memref<128x128xf32, #tpu.memory_space<vmem>>)
        "tpu.region"() ({
          %run_scoped3A = tpu.sem_alloc : memref<!tpu.dma_semaphore, #tpu.memory_space<semaphore_mem>>
          %dma_start3A_106 = arith.constant 0 : i32
          %dma_start3A_107 = arith.constant 0 : i32
          %dma_start3A_108 = tpu.memref_slice %arg16[%dma_start3A_106, %dma_start3A_107] : memref<3456x128xf32, #tpu.memory_space<vmem_shared>> -> memref<3456x128xf32, #tpu.memory_space<vmem_shared>>
          tpu.enqueue_indirect_dma source(%arg12 : memref<128x128xf32, #tpu.memory_space<vmem>>) target(%dma_start3A_108 : memref<3456x128xf32, #tpu.memory_space<vmem_shared>>) offsets(%arg10 : memref<128xi32, #tpu.memory_space<vmem>>) semaphore(%run_scoped3A : memref<!tpu.dma_semaphore, #tpu.memory_space<semaphore_mem>>) {add = true}
          %dma_wait3A_109 = arith.constant 0 : i32
          %dma_wait3A_110 = arith.constant 0 : i32
          %dma_wait3A_111 = tpu.memref_slice %arg16[%dma_wait3A_109, %dma_wait3A_110] : memref<3456x128xf32, #tpu.memory_space<vmem_shared>> -> memref<3456x128xf32, #tpu.memory_space<vmem_shared>>
          tpu.wait_indirect_dma semaphore(%run_scoped3A : memref<!tpu.dma_semaphore, #tpu.memory_space<semaphore_mem>>) src(%arg12 : memref<128x128xf32, #tpu.memory_space<vmem>>) dst(%dma_wait3A_111 : memref<3456x128xf32, #tpu.memory_space<vmem_shared>>)
          tpu.yield
        }) : () -> ()
        %scan3A_101 = arith.constant 0 : i32
        %scan3A_102 = arith.constant 8 : i32
        %scan3A_103 = arith.addi %scan3A_101, %scan3A_102 : i32
        %scan3A_104 = arith.constant 1 : i32
        scf.for %scan3A_106 = %scan3A_101 to %scan3A_103 step %scan3A_104  : i32 {
          %mul3A_107 = arith.constant 1 : i32
          %mul3A_108 = arith.muli %scan3A_106, %mul3A_107 : i32
          %add3A_109 = arith.constant 0 : i32
          %add3A_110 = arith.addi %add3A_109, %mul3A_108 : i32
          %mul3A_111 = arith.constant 16 : i32
          %mul3A_112 = arith.muli %add3A_110, %mul3A_111 : i32
          %get3A_113 = arith.index_cast %mul3A_112 : i32 to index
          %get3A_114 = tpu.vector_load %arg10[%get3A_113] {strides = array<i32>} : memref<128xi32, #tpu.memory_space<vmem>>, vector<16xi32>,
          %mul3A_115 = arith.constant 16 : i32
          %mul3A_116 = vector.broadcast %mul3A_115 : i32 to vector<16xi32>
          %mul3A_117 = arith.muli %get3A_114, %mul3A_116 : vector<16xi32>
          %add3A_118 = arith.addi %mul3A_117, %iota3A : vector<16xi32>
          tpu.vector_store_idx %arg15[%add3A_118], %broadcast_in_dim3A_3 {add = true} : memref<55296xf32, #tpu.memory_space<vmem>>[vector<16xi32>], vector<16xf32>,
        }
        %scan3A_105 = arith.constant 8 : i32
      }
      %while3A_87 = arith.constant 1 : i32
      scf.for %while3A_88 = %while3A_85 to %while3A_81 step %while3A_87  : i32 {
        %mul3A_89 = arith.muli %while3A_88, %while3A : i32
        %add3A_90 = arith.addi %while3A_78, %mul3A_89 : i32
        %mul3A_91 = arith.constant 128 : i32
        %mul3A_92 = arith.muli %add3A_90, %mul3A_91 : i32
        %add3A_93 = arith.addi %mul3A_60, %mul3A_92 : i32
        "tpu.region"() ({
          %run_scoped3A = tpu.sem_alloc : memref<!tpu.dma_semaphore, #tpu.memory_space<semaphore_mem>>
          %dma_start3A_106 = tpu.memref_slice %arg3[%add3A_93] : memref<1966080xi32, #tpu.memory_space<hbm>> -> memref<128xi32, #tpu.memory_space<hbm>>
          %dma_start3A_107 = tpu.memref_slice %arg3[%add3A_93] : memref<1966080xi32, #tpu.memory_space<hbm>> -> memref<128xi32, #tpu.memory_space<hbm>>
          tpu.enqueue_dma source(%dma_start3A_107 : memref<128xi32, #tpu.memory_space<hbm>>) target(%arg8 : memref<128xi32, #tpu.memory_space<vmem>>) target_semaphore(%run_scoped3A : memref<!tpu.dma_semaphore, #tpu.memory_space<semaphore_mem>>)
          %dma_wait3A_108 = tpu.memref_slice %arg3[%add3A_93] : memref<1966080xi32, #tpu.memory_space<hbm>> -> memref<128xi32, #tpu.memory_space<hbm>>
          %dma_wait3A_109 = tpu.memref_slice %arg3[%add3A_93] : memref<1966080xi32, #tpu.memory_space<hbm>> -> memref<128xi32, #tpu.memory_space<hbm>>
          tpu.wait_dma2 semaphore(%run_scoped3A : memref<!tpu.dma_semaphore, #tpu.memory_space<semaphore_mem>>) src(%dma_wait3A_109 : memref<128xi32, #tpu.memory_space<hbm>>) dst(%arg8 : memref<128xi32, #tpu.memory_space<vmem>>)
          tpu.yield
        }) : () -> ()
        %mul3A_94 = arith.constant 128 : i32
        %mul3A_95 = arith.muli %add3A_90, %mul3A_94 : i32
        %add3A_96 = arith.addi %mul3A_60, %mul3A_95 : i32
        "tpu.region"() ({
          %run_scoped3A = tpu.sem_alloc : memref<!tpu.dma_semaphore, #tpu.memory_space<semaphore_mem>>
          %dma_start3A_106 = tpu.memref_slice %arg4[%add3A_96] : memref<1966080xi32, #tpu.memory_space<hbm>> -> memref<128xi32, #tpu.memory_space<hbm>>
          %dma_start3A_107 = tpu.memref_slice %arg4[%add3A_96] : memref<1966080xi32, #tpu.memory_space<hbm>> -> memref<128xi32, #tpu.memory_space<hbm>>
          tpu.enqueue_dma source(%dma_start3A_107 : memref<128xi32, #tpu.memory_space<hbm>>) target(%arg10 : memref<128xi32, #tpu.memory_space<vmem>>) target_semaphore(%run_scoped3A : memref<!tpu.dma_semaphore, #tpu.memory_space<semaphore_mem>>)
          %dma_wait3A_108 = tpu.memref_slice %arg4[%add3A_96] : memref<1966080xi32, #tpu.memory_space<hbm>> -> memref<128xi32, #tpu.memory_space<hbm>>
          %dma_wait3A_109 = tpu.memref_slice %arg4[%add3A_96] : memref<1966080xi32, #tpu.memory_space<hbm>> -> memref<128xi32, #tpu.memory_space<hbm>>
          tpu.wait_dma2 semaphore(%run_scoped3A : memref<!tpu.dma_semaphore, #tpu.memory_space<semaphore_mem>>) src(%dma_wait3A_109 : memref<128xi32, #tpu.memory_space<hbm>>) dst(%arg10 : memref<128xi32, #tpu.memory_space<vmem>>)
          tpu.yield
        }) : () -> ()
        %dma_start3A = arith.constant 0 : i32
        %dma_start3A_97 = arith.constant 0 : i32
        %dma_start3A_98 = tpu.memref_slice %arg2[%dma_start3A, %dma_start3A_97] : memref<10000x128xf32, #tpu.memory_space<hbm>> -> memref<10000x128xf32, #tpu.memory_space<hbm>>
        tpu.enqueue_indirect_dma source(%dma_start3A_98 : memref<10000x128xf32, #tpu.memory_space<hbm>>) target(%arg12 : memref<128x128xf32, #tpu.memory_space<vmem>>) offsets(%arg8 : memref<128xi32, #tpu.memory_space<vmem>>) semaphore(%arg17 : memref<!tpu.dma_semaphore, #tpu.memory_space<semaphore_mem>>)
        %dma_wait3A = arith.constant 0 : i32
        %dma_wait3A_99 = arith.constant 0 : i32
        %dma_wait3A_100 = tpu.memref_slice %arg2[%dma_wait3A, %dma_wait3A_99] : memref<10000x128xf32, #tpu.memory_space<hbm>> -> memref<10000x128xf32, #tpu.memory_space<hbm>>
        tpu.wait_indirect_dma semaphore(%arg17 : memref<!tpu.dma_semaphore, #tpu.memory_space<semaphore_mem>>) src(%dma_wait3A_100 : memref<10000x128xf32, #tpu.memory_space<hbm>>) dst(%arg12 : memref<128x128xf32, #tpu.memory_space<vmem>>)
        "tpu.region"() ({
          %run_scoped3A = tpu.sem_alloc : memref<!tpu.dma_semaphore, #tpu.memory_space<semaphore_mem>>
          %dma_start3A_106 = arith.constant 0 : i32
          %dma_start3A_107 = arith.constant 0 : i32
          %dma_start3A_108 = tpu.memref_slice %arg16[%dma_start3A_106, %dma_start3A_107] : memref<3456x128xf32, #tpu.memory_space<vmem_shared>> -> memref<3456x128xf32, #tpu.memory_space<vmem_shared>>
          tpu.enqueue_indirect_dma source(%arg12 : memref<128x128xf32, #tpu.memory_space<vmem>>) target(%dma_start3A_108 : memref<3456x128xf32, #tpu.memory_space<vmem_shared>>) offsets(%arg10 : memref<128xi32, #tpu.memory_space<vmem>>) semaphore(%run_scoped3A : memref<!tpu.dma_semaphore, #tpu.memory_space<semaphore_mem>>) {add = true}
          %dma_wait3A_109 = arith.constant 0 : i32
          %dma_wait3A_110 = arith.constant 0 : i32
          %dma_wait3A_111 = tpu.memref_slice %arg16[%dma_wait3A_109, %dma_wait3A_110] : memref<3456x128xf32, #tpu.memory_space<vmem_shared>> -> memref<3456x128xf32, #tpu.memory_space<vmem_shared>>
          tpu.wait_indirect_dma semaphore(%run_scoped3A : memref<!tpu.dma_semaphore, #tpu.memory_space<semaphore_mem>>) src(%arg12 : memref<128x128xf32, #tpu.memory_space<vmem>>) dst(%dma_wait3A_111 : memref<3456x128xf32, #tpu.memory_space<vmem_shared>>)
          tpu.yield
        }) : () -> ()
        %scan3A_101 = arith.constant 0 : i32
        %scan3A_102 = arith.constant 8 : i32
        %scan3A_103 = arith.addi %scan3A_101, %scan3A_102 : i32
        %scan3A_104 = arith.constant 1 : i32
        scf.for %scan3A_106 = %scan3A_101 to %scan3A_103 step %scan3A_104  : i32 {
          %mul3A_107 = arith.constant 1 : i32
          %mul3A_108 = arith.muli %scan3A_106, %mul3A_107 : i32
          %add3A_109 = arith.constant 0 : i32
          %add3A_110 = arith.addi %add3A_109, %mul3A_108 : i32
          %mul3A_111 = arith.constant 16 : i32
          %mul3A_112 = arith.muli %add3A_110, %mul3A_111 : i32
          %get3A_113 = arith.index_cast %mul3A_112 : i32 to index
          %get3A_114 = tpu.vector_load %arg10[%get3A_113] {strides = array<i32>} : memref<128xi32, #tpu.memory_space<vmem>>, vector<16xi32>,
          %mul3A_115 = arith.constant 16 : i32
          %mul3A_116 = vector.broadcast %mul3A_115 : i32 to vector<16xi32>
          %mul3A_117 = arith.muli %get3A_114, %mul3A_116 : vector<16xi32>
          %add3A_118 = arith.addi %mul3A_117, %iota3A : vector<16xi32>
          tpu.vector_store_idx %arg15[%add3A_118], %broadcast_in_dim3A_3 {add = true} : memref<55296xf32, #tpu.memory_space<vmem>>[vector<16xi32>], vector<16xf32>,
        }
        %scan3A_105 = arith.constant 8 : i32
      }
    }
    %scan3A_33 = arith.constant 2 : i32
    %mul3A_34 = arith.constant 55296 : i32
    %mul3A_35 = arith.muli %add3A, %mul3A_34 : i32
    "tpu.region"() ({
      %run_scoped3A = tpu.sem_alloc : memref<!tpu.dma_semaphore, #tpu.memory_space<semaphore_mem>>
      %dma_start3A = tpu.memref_slice %arg7[%mul3A_35] : memref<1769472xf32, #tpu.memory_space<hbm>> -> memref<55296xf32, #tpu.memory_space<hbm>>
      %dma_start3A_44 = tpu.memref_slice %arg7[%mul3A_35] : memref<1769472xf32, #tpu.memory_space<hbm>> -> memref<55296xf32, #tpu.memory_space<hbm>>
      tpu.enqueue_dma source(%arg15 : memref<55296xf32, #tpu.memory_space<vmem>>) target(%dma_start3A_44 : memref<55296xf32, #tpu.memory_space<hbm>>) target_semaphore(%run_scoped3A : memref<!tpu.dma_semaphore, #tpu.memory_space<semaphore_mem>>)
      %dma_wait3A = tpu.memref_slice %arg7[%mul3A_35] : memref<1769472xf32, #tpu.memory_space<hbm>> -> memref<55296xf32, #tpu.memory_space<hbm>>
      %dma_wait3A_45 = tpu.memref_slice %arg7[%mul3A_35] : memref<1769472xf32, #tpu.memory_space<hbm>> -> memref<55296xf32, #tpu.memory_space<hbm>>
      tpu.wait_dma2 semaphore(%run_scoped3A : memref<!tpu.dma_semaphore, #tpu.memory_space<semaphore_mem>>) src(%arg15 : memref<55296xf32, #tpu.memory_space<vmem>>) dst(%dma_wait3A_45 : memref<55296xf32, #tpu.memory_space<hbm>>)
      tpu.yield
    }) : () -> ()
    %barrier3A_36 = arith.constant 0 : index
    tpu.barrier barrier_id(%barrier3A_36)
    %mul3A_37 = arith.constant 216 : i32
    %mul3A_38 = arith.muli %arg1, %mul3A_37 : i32
    %mul3A_39 = arith.constant 3456 : i32
    %mul3A_40 = arith.muli %arg0, %mul3A_39 : i32
    %mul3A_41 = arith.constant 216 : i32
    %mul3A_42 = arith.muli %arg1, %mul3A_41 : i32
    %add3A_43 = arith.addi %mul3A_40, %mul3A_42 : i32
    "tpu.region"() ({
      %run_scoped3A = tpu.sem_alloc : memref<!tpu.dma_semaphore, #tpu.memory_space<semaphore_mem>>
      %dma_start3A = arith.constant 0 : i32
      %dma_start3A_44 = tpu.memref_slice %arg6[%add3A_43, %dma_start3A] : memref<6912x128xf32, #tpu.memory_space<hbm>> -> memref<216x128xf32, #tpu.memory_space<hbm>>
      %dma_start3A_45 = arith.constant 0 : i32
      %dma_start3A_46 = tpu.memref_slice %arg16[%mul3A_38, %dma_start3A_45] : memref<3456x128xf32, #tpu.memory_space<vmem_shared>> -> memref<216x128xf32, #tpu.memory_space<vmem_shared>>
      tpu.enqueue_dma source(%dma_start3A_46 : memref<216x128xf32, #tpu.memory_space<vmem_shared>>) target(%dma_start3A_44 : memref<216x128xf32, #tpu.memory_space<hbm>>) target_semaphore(%run_scoped3A : memref<!tpu.dma_semaphore, #tpu.memory_space<semaphore_mem>>)
      %dma_wait3A = arith.constant 0 : i32
      %dma_wait3A_47 = tpu.memref_slice %arg6[%add3A_43, %dma_wait3A] : memref<6912x128xf32, #tpu.memory_space<hbm>> -> memref<216x128xf32, #tpu.memory_space<hbm>>
      %dma_wait3A_48 = arith.constant 0 : i32
      %dma_wait3A_49 = tpu.memref_slice %arg16[%mul3A_38, %dma_wait3A_48] : memref<3456x128xf32, #tpu.memory_space<vmem_shared>> -> memref<216x128xf32, #tpu.memory_space<vmem_shared>>
      tpu.wait_dma2 semaphore(%run_scoped3A : memref<!tpu.dma_semaphore, #tpu.memory_space<semaphore_mem>>) src(%dma_wait3A_49 : memref<216x128xf32, #tpu.memory_space<vmem_shared>>) dst(%dma_wait3A_47 : memref<216x128xf32, #tpu.memory_space<hbm>>)
      tpu.yield
    }) : () -> ()
    return
  }
}

module attributes {stable_mosaic.version = 14 : i64} {
  func.func @_tc_body(%arg0: i32, %arg1: memref<1x848x128xf32, #tpu.memory_space<vmem>>, %arg2: memref<1x848x128xf32, #tpu.memory_space<vmem>>, %arg3: memref<32x848x16xf32, #tpu.memory_space<vmem>>, %arg4: memref<848x128xf32, #tpu.memory_space<vmem>>, %arg5: memref<384x128xf32, #tpu.memory_space<vmem>>, %arg6: memref<1x128xf32, #tpu.memory_space<vmem>>, %arg7: memref<848x128xf32, #tpu.memory_space<vmem>>) attributes {dimension_semantics = [#tpu.dimension_semantics<arbitrary>], iteration_bounds = array<i64: 4>, scalar_prefetch = 0 : i64, scratch_operands = 0 : i64, tpu.core_type = #tpu.core_type<tc>, window_params = [{transform_indices = @transform_0, window_bounds = array<i64: 1, 848, 128>}, {transform_indices = @transform_1, window_bounds = array<i64: 1, 848, 128>}, {transform_indices = @transform_2, window_bounds = array<i64: 32, 848, 16>}, {transform_indices = @transform_3, window_bounds = array<i64: 848, 128>}, {pipeline_mode = #tpu.pipeline_mode<synchronous>, transform_indices = @transform_4, window_bounds = array<i64: 384, 128>}, {pipeline_mode = #tpu.pipeline_mode<synchronous>, transform_indices = @transform_5, window_bounds = array<i64: 1, 128>}, {transform_indices = @transform_6, window_bounds = array<i64: 848, 128>}]} {
    %get3A = arith.constant 0 : index
    %get3A_0 = arith.constant 0 : index
    %get3A_1 = arith.constant 0 : index
    %get3A_2 = vector.load %arg3[%get3A, %get3A_0, %get3A_1] : memref<32x848x16xf32, #tpu.memory_space<vmem>>, vector<32x848x16xf32>
    %reduce_sum3A = arith.constant dense<0.000000e+00> : vector<848xf32>
    %reduce_sum3A_3 = vector.multi_reduction <add>, %get3A_2, %reduce_sum3A [0, 2] : vector<32x848x16xf32> to vector<848xf32>
    %broadcast_in_dim3A = vector.shape_cast %reduce_sum3A_3 : vector<848xf32> to vector<848x1xf32>
    %max3A = arith.constant 1.000000e+00 : f32
    %max3A_4 = vector.broadcast %max3A : f32 to vector<848x1xf32>
    %max3A_5 = arith.maximumf %broadcast_in_dim3A, %max3A_4 : vector<848x1xf32>
    %get3A_6 = arith.constant 0 : index
    %get3A_7 = arith.constant 0 : index
    %get3A_8 = vector.load %arg5[%get3A_6, %get3A_7] : memref<384x128xf32, #tpu.memory_space<vmem>>, vector<384x128xf32>
    %get3A_9 = arith.constant 0 : index
    %get3A_10 = arith.constant 0 : index
    %get3A_11 = arith.constant 0 : index
    %get3A_12 = vector.load %arg1[%get3A_9, %get3A_10, %get3A_11] : memref<1x848x128xf32, #tpu.memory_space<vmem>>, vector<1x848x128xf32>
    %get3A_13 = vector.shape_cast %get3A_12 : vector<1x848x128xf32> to vector<848x128xf32>
    %slice3A = vector.extract_strided_slice %get3A_8 {offsets = [0, 0], sizes = [128, 128], strides = [1, 1]} : vector<384x128xf32> to vector<128x128xf32>
    %dot_general3A = arith.constant dense<0.000000e+00> : vector<848x128xf32>
    %dot_general3A_14 = tpu.matmul %get3A_13, %slice3A, %dot_general3A {dimension_numbers = #tpu.dot_dimension_numbers<[1], [0], [0], [1], [0, 0, 1, 1], [], []>, precision = #tpu.contract_precision<fp32>, transpose_lhs_hint = false} : vector<848x128xf32>, vector<128x128xf32>, vector<848x128xf32> -> vector<848x128xf32>
    %get3A_15 = arith.constant 0 : index
    %get3A_16 = arith.constant 0 : index
    %get3A_17 = arith.constant 0 : index
    %get3A_18 = vector.load %arg2[%get3A_15, %get3A_16, %get3A_17] : memref<1x848x128xf32, #tpu.memory_space<vmem>>, vector<1x848x128xf32>
    %get3A_19 = vector.shape_cast %get3A_18 : vector<1x848x128xf32> to vector<848x128xf32>
    %slice3A_20 = vector.extract_strided_slice %get3A_8 {offsets = [128, 0], sizes = [128, 128], strides = [1, 1]} : vector<384x128xf32> to vector<128x128xf32>
    %dot_general3A_21 = arith.constant dense<0.000000e+00> : vector<848x128xf32>
    %dot_general3A_22 = tpu.matmul %get3A_19, %slice3A_20, %dot_general3A_21 {dimension_numbers = #tpu.dot_dimension_numbers<[1], [0], [0], [1], [0, 0, 1, 1], [], []>, precision = #tpu.contract_precision<fp32>, transpose_lhs_hint = false} : vector<848x128xf32>, vector<128x128xf32>, vector<848x128xf32> -> vector<848x128xf32>
    %add3A = arith.addf %dot_general3A_14, %dot_general3A_22 : vector<848x128xf32>
    %div3A = vector.broadcast %max3A_5 : vector<848x1xf32> to vector<848x128xf32>
    %div3A_23 = arith.divf %add3A, %div3A : vector<848x128xf32>
    %get3A_24 = arith.constant 0 : index
    %get3A_25 = arith.constant 0 : index
    %get3A_26 = vector.load %arg4[%get3A_24, %get3A_25] : memref<848x128xf32, #tpu.memory_space<vmem>>, vector<848x128xf32>
    %slice3A_27 = vector.extract_strided_slice %get3A_8 {offsets = [256, 0], sizes = [128, 128], strides = [1, 1]} : vector<384x128xf32> to vector<128x128xf32>
    %dot_general3A_28 = arith.constant dense<0.000000e+00> : vector<848x128xf32>
    %dot_general3A_29 = tpu.matmul %get3A_26, %slice3A_27, %dot_general3A_28 {dimension_numbers = #tpu.dot_dimension_numbers<[1], [0], [0], [1], [0, 0, 1, 1], [], []>, precision = #tpu.contract_precision<fp32>, transpose_lhs_hint = false} : vector<848x128xf32>, vector<128x128xf32>, vector<848x128xf32> -> vector<848x128xf32>
    %add3A_30 = arith.addf %div3A_23, %dot_general3A_29 : vector<848x128xf32>
    %get3A_31 = arith.constant 0 : index
    %get3A_32 = arith.constant 0 : index
    %get3A_33 = vector.load %arg6[%get3A_31, %get3A_32] : memref<1x128xf32, #tpu.memory_space<vmem>>, vector<1x128xf32>
    %add3A_34 = vector.broadcast %get3A_33 : vector<1x128xf32> to vector<848x128xf32>
    %add3A_35 = arith.addf %add3A_30, %add3A_34 : vector<848x128xf32>
    %mul3A = arith.mulf %add3A_35, %add3A_35 : vector<848x128xf32>
    %reduce_sum3A_36 = arith.constant dense<0.000000e+00> : vector<848xf32>
    %reduce_sum3A_37 = vector.multi_reduction <add>, %mul3A, %reduce_sum3A_36 [1] : vector<848x128xf32> to vector<848xf32>
    %broadcast_in_dim3A_38 = vector.shape_cast %reduce_sum3A_37 : vector<848xf32> to vector<848x1xf32>
    %max3A_39 = arith.constant 1.000000e-24 : f32
    %max3A_40 = vector.broadcast %max3A_39 : f32 to vector<848x1xf32>
    %max3A_41 = arith.maximumf %broadcast_in_dim3A_38, %max3A_40 : vector<848x1xf32>
    %rsqrt3A = math.rsqrt %max3A_41 : vector<848x1xf32>
    %mul3A_42 = vector.broadcast %rsqrt3A : vector<848x1xf32> to vector<848x128xf32>
    %mul3A_43 = arith.mulf %add3A_35, %mul3A_42 : vector<848x128xf32>
    %swap3A = arith.constant 0 : index
    %swap3A_44 = arith.constant 0 : index
    %swap3A_45 = vector.load %arg7[%swap3A, %swap3A_44] : memref<848x128xf32, #tpu.memory_space<vmem>>, vector<848x128xf32>
    tpu.vector_store %arg7[%swap3A, %swap3A_44], %mul3A_43 {strides = array<i32>} : memref<848x128xf32, #tpu.memory_space<vmem>>, vector<848x128xf32>,
    return
  }
  func.func @transform_0(%arg0: i32) -> (i32, i32, i32) {
    %c0_i32 = arith.constant 0 : i32
    %c0_i32_0 = arith.constant 0 : i32
    %c0_i32_1 = arith.constant 0 : i32
    return %c0_i32, %arg0, %c0_i32_0 : i32, i32, i32
  }
  func.func @transform_1(%arg0: i32) -> (i32, i32, i32) {
    %c1_i32 = arith.constant 1 : i32
    %c0_i32 = arith.constant 0 : i32
    %c0_i32_0 = arith.constant 0 : i32
    return %c1_i32, %arg0, %c0_i32 : i32, i32, i32
  }
  func.func @transform_2(%arg0: i32) -> (i32, i32, i32) {
    %c0_i32 = arith.constant 0 : i32
    %c0_i32_0 = arith.constant 0 : i32
    %c0_i32_1 = arith.constant 0 : i32
    return %c0_i32, %arg0, %c0_i32_0 : i32, i32, i32
  }
  func.func @transform_3(%arg0: i32) -> (i32, i32) {
    %add3A = arith.constant 8 : i32
    %add3A_0 = arith.addi %arg0, %add3A : i32
    %c0_i32 = arith.constant 0 : i32
    %c0_i32_1 = arith.constant 0 : i32
    return %add3A_0, %c0_i32 : i32, i32
  }
  func.func @transform_4(%arg0: i32) -> (i32, i32) {
    %c0_i32 = arith.constant 0 : i32
    %c0_i32_0 = arith.constant 0 : i32
    %c0_i32_1 = arith.constant 0 : i32
    return %c0_i32, %c0_i32_0 : i32, i32
  }
  func.func @transform_5(%arg0: i32) -> (i32, i32) {
    %c0_i32 = arith.constant 0 : i32
    %c0_i32_0 = arith.constant 0 : i32
    %c0_i32_1 = arith.constant 0 : i32
    return %c0_i32, %c0_i32_0 : i32, i32
  }
  func.func @transform_6(%arg0: i32) -> (i32, i32) {
    %c0_i32 = arith.constant 0 : i32
    %c0_i32_0 = arith.constant 0 : i32
    return %arg0, %c0_i32 : i32, i32
  }
}

module attributes {stable_mosaic.version = 14 : i64} {
  func.func @_tc_body(%arg0: i32, %arg1: memref<1x848x128xf32, #tpu.memory_space<vmem>>, %arg2: memref<1x848x128xf32, #tpu.memory_space<vmem>>, %arg3: memref<32x848x16xf32, #tpu.memory_space<vmem>>, %arg4: memref<848x128xf32, #tpu.memory_space<vmem>>, %arg5: memref<384x128xf32, #tpu.memory_space<vmem>>, %arg6: memref<1x128xf32, #tpu.memory_space<vmem>>, %arg7: memref<848x128xf32, #tpu.memory_space<vmem>>) attributes {dimension_semantics = [#tpu.dimension_semantics<arbitrary>], iteration_bounds = array<i64: 4>, scalar_prefetch = 0 : i64, scratch_operands = 0 : i64, tpu.core_type = #tpu.core_type<tc>, window_params = [{transform_indices = @transform_0, window_bounds = array<i64: 1, 848, 128>}, {transform_indices = @transform_1, window_bounds = array<i64: 1, 848, 128>}, {transform_indices = @transform_2, window_bounds = array<i64: 32, 848, 16>}, {transform_indices = @transform_3, window_bounds = array<i64: 848, 128>}, {pipeline_mode = #tpu.pipeline_mode<synchronous>, transform_indices = @transform_4, window_bounds = array<i64: 384, 128>}, {pipeline_mode = #tpu.pipeline_mode<synchronous>, transform_indices = @transform_5, window_bounds = array<i64: 1, 128>}, {transform_indices = @transform_6, window_bounds = array<i64: 848, 128>}]} {
    %get3A = arith.constant 0 : index
    %get3A_0 = arith.constant 0 : index
    %get3A_1 = arith.constant 0 : index
    %get3A_2 = vector.load %arg3[%get3A, %get3A_0, %get3A_1] : memref<32x848x16xf32, #tpu.memory_space<vmem>>, vector<32x848x16xf32>
    %reduce_sum3A = arith.constant dense<0.000000e+00> : vector<848xf32>
    %reduce_sum3A_3 = vector.multi_reduction <add>, %get3A_2, %reduce_sum3A [0, 2] : vector<32x848x16xf32> to vector<848xf32>
    %broadcast_in_dim3A = vector.shape_cast %reduce_sum3A_3 : vector<848xf32> to vector<848x1xf32>
    %max3A = arith.constant 1.000000e+00 : f32
    %max3A_4 = vector.broadcast %max3A : f32 to vector<848x1xf32>
    %max3A_5 = arith.maximumf %broadcast_in_dim3A, %max3A_4 : vector<848x1xf32>
    %get3A_6 = arith.constant 0 : index
    %get3A_7 = arith.constant 0 : index
    %get3A_8 = vector.load %arg5[%get3A_6, %get3A_7] : memref<384x128xf32, #tpu.memory_space<vmem>>, vector<384x128xf32>
    %get3A_9 = arith.constant 0 : index
    %get3A_10 = arith.constant 0 : index
    %get3A_11 = arith.constant 0 : index
    %get3A_12 = vector.load %arg1[%get3A_9, %get3A_10, %get3A_11] : memref<1x848x128xf32, #tpu.memory_space<vmem>>, vector<1x848x128xf32>
    %get3A_13 = vector.shape_cast %get3A_12 : vector<1x848x128xf32> to vector<848x128xf32>
    %slice3A = vector.extract_strided_slice %get3A_8 {offsets = [0, 0], sizes = [128, 128], strides = [1, 1]} : vector<384x128xf32> to vector<128x128xf32>
    %dot_general3A = arith.constant dense<0.000000e+00> : vector<848x128xf32>
    %dot_general3A_14 = tpu.matmul %get3A_13, %slice3A, %dot_general3A {dimension_numbers = #tpu.dot_dimension_numbers<[1], [0], [0], [1], [0, 0, 1, 1], [], []>, precision = #tpu.contract_precision<fp32>, transpose_lhs_hint = false} : vector<848x128xf32>, vector<128x128xf32>, vector<848x128xf32> -> vector<848x128xf32>
    %get3A_15 = arith.constant 0 : index
    %get3A_16 = arith.constant 0 : index
    %get3A_17 = arith.constant 0 : index
    %get3A_18 = vector.load %arg2[%get3A_15, %get3A_16, %get3A_17] : memref<1x848x128xf32, #tpu.memory_space<vmem>>, vector<1x848x128xf32>
    %get3A_19 = vector.shape_cast %get3A_18 : vector<1x848x128xf32> to vector<848x128xf32>
    %slice3A_20 = vector.extract_strided_slice %get3A_8 {offsets = [128, 0], sizes = [128, 128], strides = [1, 1]} : vector<384x128xf32> to vector<128x128xf32>
    %dot_general3A_21 = arith.constant dense<0.000000e+00> : vector<848x128xf32>
    %dot_general3A_22 = tpu.matmul %get3A_19, %slice3A_20, %dot_general3A_21 {dimension_numbers = #tpu.dot_dimension_numbers<[1], [0], [0], [1], [0, 0, 1, 1], [], []>, precision = #tpu.contract_precision<fp32>, transpose_lhs_hint = false} : vector<848x128xf32>, vector<128x128xf32>, vector<848x128xf32> -> vector<848x128xf32>
    %add3A = arith.addf %dot_general3A_14, %dot_general3A_22 : vector<848x128xf32>
    %div3A = vector.broadcast %max3A_5 : vector<848x1xf32> to vector<848x128xf32>
    %div3A_23 = arith.divf %add3A, %div3A : vector<848x128xf32>
    %get3A_24 = arith.constant 0 : index
    %get3A_25 = arith.constant 0 : index
    %get3A_26 = vector.load %arg4[%get3A_24, %get3A_25] : memref<848x128xf32, #tpu.memory_space<vmem>>, vector<848x128xf32>
    %slice3A_27 = vector.extract_strided_slice %get3A_8 {offsets = [256, 0], sizes = [128, 128], strides = [1, 1]} : vector<384x128xf32> to vector<128x128xf32>
    %dot_general3A_28 = arith.constant dense<0.000000e+00> : vector<848x128xf32>
    %dot_general3A_29 = tpu.matmul %get3A_26, %slice3A_27, %dot_general3A_28 {dimension_numbers = #tpu.dot_dimension_numbers<[1], [0], [0], [1], [0, 0, 1, 1], [], []>, precision = #tpu.contract_precision<fp32>, transpose_lhs_hint = false} : vector<848x128xf32>, vector<128x128xf32>, vector<848x128xf32> -> vector<848x128xf32>
    %add3A_30 = arith.addf %div3A_23, %dot_general3A_29 : vector<848x128xf32>
    %get3A_31 = arith.constant 0 : index
    %get3A_32 = arith.constant 0 : index
    %get3A_33 = vector.load %arg6[%get3A_31, %get3A_32] : memref<1x128xf32, #tpu.memory_space<vmem>>, vector<1x128xf32>
    %add3A_34 = vector.broadcast %get3A_33 : vector<1x128xf32> to vector<848x128xf32>
    %add3A_35 = arith.addf %add3A_30, %add3A_34 : vector<848x128xf32>
    %mul3A = arith.mulf %add3A_35, %add3A_35 : vector<848x128xf32>
    %reduce_sum3A_36 = arith.constant dense<0.000000e+00> : vector<848xf32>
    %reduce_sum3A_37 = vector.multi_reduction <add>, %mul3A, %reduce_sum3A_36 [1] : vector<848x128xf32> to vector<848xf32>
    %broadcast_in_dim3A_38 = vector.shape_cast %reduce_sum3A_37 : vector<848xf32> to vector<848x1xf32>
    %max3A_39 = arith.constant 1.000000e-24 : f32
    %max3A_40 = vector.broadcast %max3A_39 : f32 to vector<848x1xf32>
    %max3A_41 = arith.maximumf %broadcast_in_dim3A_38, %max3A_40 : vector<848x1xf32>
    %rsqrt3A = math.rsqrt %max3A_41 : vector<848x1xf32>
    %mul3A_42 = vector.broadcast %rsqrt3A : vector<848x1xf32> to vector<848x128xf32>
    %mul3A_43 = arith.mulf %add3A_35, %mul3A_42 : vector<848x128xf32>
    %swap3A = arith.constant 0 : index
    %swap3A_44 = arith.constant 0 : index
    %swap3A_45 = vector.load %arg7[%swap3A, %swap3A_44] : memref<848x128xf32, #tpu.memory_space<vmem>>, vector<848x128xf32>
    tpu.vector_store %arg7[%swap3A, %swap3A_44], %mul3A_43 {strides = array<i32>} : memref<848x128xf32, #tpu.memory_space<vmem>>, vector<848x128xf32>,
    return
  }
  func.func @transform_0(%arg0: i32) -> (i32, i32, i32) {
    %c0_i32 = arith.constant 0 : i32
    %c0_i32_0 = arith.constant 0 : i32
    %c0_i32_1 = arith.constant 0 : i32
    return %c0_i32, %arg0, %c0_i32_0 : i32, i32, i32
  }
  func.func @transform_1(%arg0: i32) -> (i32, i32, i32) {
    %c1_i32 = arith.constant 1 : i32
    %c0_i32 = arith.constant 0 : i32
    %c0_i32_0 = arith.constant 0 : i32
    return %c1_i32, %arg0, %c0_i32 : i32, i32, i32
  }
  func.func @transform_2(%arg0: i32) -> (i32, i32, i32) {
    %c0_i32 = arith.constant 0 : i32
    %c0_i32_0 = arith.constant 0 : i32
    %c0_i32_1 = arith.constant 0 : i32
    return %c0_i32, %arg0, %c0_i32_0 : i32, i32, i32
  }
  func.func @transform_3(%arg0: i32) -> (i32, i32) {
    %add3A = arith.constant 4 : i32
    %add3A_0 = arith.addi %arg0, %add3A : i32
    %c0_i32 = arith.constant 0 : i32
    %c0_i32_1 = arith.constant 0 : i32
    return %add3A_0, %c0_i32 : i32, i32
  }
  func.func @transform_4(%arg0: i32) -> (i32, i32) {
    %c0_i32 = arith.constant 0 : i32
    %c0_i32_0 = arith.constant 0 : i32
    %c0_i32_1 = arith.constant 0 : i32
    return %c0_i32, %c0_i32_0 : i32, i32
  }
  func.func @transform_5(%arg0: i32) -> (i32, i32) {
    %c0_i32 = arith.constant 0 : i32
    %c0_i32_0 = arith.constant 0 : i32
    %c0_i32_1 = arith.constant 0 : i32
    return %c0_i32, %c0_i32_0 : i32, i32
  }
  func.func @transform_6(%arg0: i32) -> (i32, i32) {
    %c0_i32 = arith.constant 0 : i32
    %c0_i32_0 = arith.constant 0 : i32
    return %arg0, %c0_i32 : i32, i32
  }
}

module attributes {stable_mosaic.version = 14 : i64} {
  func.func @_tc_body(%arg0: i32, %arg1: memref<1x848x128xf32, #tpu.memory_space<vmem>>, %arg2: memref<1x848x128xf32, #tpu.memory_space<vmem>>, %arg3: memref<32x848x16xf32, #tpu.memory_space<vmem>>, %arg4: memref<848x128xf32, #tpu.memory_space<vmem>>, %arg5: memref<384x128xf32, #tpu.memory_space<vmem>>, %arg6: memref<1x128xf32, #tpu.memory_space<vmem>>, %arg7: memref<848x128xf32, #tpu.memory_space<vmem>>) attributes {dimension_semantics = [#tpu.dimension_semantics<arbitrary>], iteration_bounds = array<i64: 4>, scalar_prefetch = 0 : i64, scratch_operands = 0 : i64, tpu.core_type = #tpu.core_type<tc>, window_params = [{transform_indices = @transform_0, window_bounds = array<i64: 1, 848, 128>}, {transform_indices = @transform_1, window_bounds = array<i64: 1, 848, 128>}, {transform_indices = @transform_2, window_bounds = array<i64: 32, 848, 16>}, {transform_indices = @transform_3, window_bounds = array<i64: 848, 128>}, {pipeline_mode = #tpu.pipeline_mode<synchronous>, transform_indices = @transform_4, window_bounds = array<i64: 384, 128>}, {pipeline_mode = #tpu.pipeline_mode<synchronous>, transform_indices = @transform_5, window_bounds = array<i64: 1, 128>}, {transform_indices = @transform_6, window_bounds = array<i64: 848, 128>}]} {
    %get3A = arith.constant 0 : index
    %get3A_0 = arith.constant 0 : index
    %get3A_1 = arith.constant 0 : index
    %get3A_2 = vector.load %arg3[%get3A, %get3A_0, %get3A_1] : memref<32x848x16xf32, #tpu.memory_space<vmem>>, vector<32x848x16xf32>
    %reduce_sum3A = arith.constant dense<0.000000e+00> : vector<848xf32>
    %reduce_sum3A_3 = vector.multi_reduction <add>, %get3A_2, %reduce_sum3A [0, 2] : vector<32x848x16xf32> to vector<848xf32>
    %broadcast_in_dim3A = vector.shape_cast %reduce_sum3A_3 : vector<848xf32> to vector<848x1xf32>
    %max3A = arith.constant 1.000000e+00 : f32
    %max3A_4 = vector.broadcast %max3A : f32 to vector<848x1xf32>
    %max3A_5 = arith.maximumf %broadcast_in_dim3A, %max3A_4 : vector<848x1xf32>
    %get3A_6 = arith.constant 0 : index
    %get3A_7 = arith.constant 0 : index
    %get3A_8 = vector.load %arg5[%get3A_6, %get3A_7] : memref<384x128xf32, #tpu.memory_space<vmem>>, vector<384x128xf32>
    %get3A_9 = arith.constant 0 : index
    %get3A_10 = arith.constant 0 : index
    %get3A_11 = arith.constant 0 : index
    %get3A_12 = vector.load %arg1[%get3A_9, %get3A_10, %get3A_11] : memref<1x848x128xf32, #tpu.memory_space<vmem>>, vector<1x848x128xf32>
    %get3A_13 = vector.shape_cast %get3A_12 : vector<1x848x128xf32> to vector<848x128xf32>
    %slice3A = vector.extract_strided_slice %get3A_8 {offsets = [0, 0], sizes = [128, 128], strides = [1, 1]} : vector<384x128xf32> to vector<128x128xf32>
    %dot_general3A = arith.constant dense<0.000000e+00> : vector<848x128xf32>
    %dot_general3A_14 = tpu.matmul %get3A_13, %slice3A, %dot_general3A {dimension_numbers = #tpu.dot_dimension_numbers<[1], [0], [0], [1], [0, 0, 1, 1], [], []>, precision = #tpu.contract_precision<fp32>, transpose_lhs_hint = false} : vector<848x128xf32>, vector<128x128xf32>, vector<848x128xf32> -> vector<848x128xf32>
    %get3A_15 = arith.constant 0 : index
    %get3A_16 = arith.constant 0 : index
    %get3A_17 = arith.constant 0 : index
    %get3A_18 = vector.load %arg2[%get3A_15, %get3A_16, %get3A_17] : memref<1x848x128xf32, #tpu.memory_space<vmem>>, vector<1x848x128xf32>
    %get3A_19 = vector.shape_cast %get3A_18 : vector<1x848x128xf32> to vector<848x128xf32>
    %slice3A_20 = vector.extract_strided_slice %get3A_8 {offsets = [128, 0], sizes = [128, 128], strides = [1, 1]} : vector<384x128xf32> to vector<128x128xf32>
    %dot_general3A_21 = arith.constant dense<0.000000e+00> : vector<848x128xf32>
    %dot_general3A_22 = tpu.matmul %get3A_19, %slice3A_20, %dot_general3A_21 {dimension_numbers = #tpu.dot_dimension_numbers<[1], [0], [0], [1], [0, 0, 1, 1], [], []>, precision = #tpu.contract_precision<fp32>, transpose_lhs_hint = false} : vector<848x128xf32>, vector<128x128xf32>, vector<848x128xf32> -> vector<848x128xf32>
    %add3A = arith.addf %dot_general3A_14, %dot_general3A_22 : vector<848x128xf32>
    %div3A = vector.broadcast %max3A_5 : vector<848x1xf32> to vector<848x128xf32>
    %div3A_23 = arith.divf %add3A, %div3A : vector<848x128xf32>
    %get3A_24 = arith.constant 0 : index
    %get3A_25 = arith.constant 0 : index
    %get3A_26 = vector.load %arg4[%get3A_24, %get3A_25] : memref<848x128xf32, #tpu.memory_space<vmem>>, vector<848x128xf32>
    %slice3A_27 = vector.extract_strided_slice %get3A_8 {offsets = [256, 0], sizes = [128, 128], strides = [1, 1]} : vector<384x128xf32> to vector<128x128xf32>
    %dot_general3A_28 = arith.constant dense<0.000000e+00> : vector<848x128xf32>
    %dot_general3A_29 = tpu.matmul %get3A_26, %slice3A_27, %dot_general3A_28 {dimension_numbers = #tpu.dot_dimension_numbers<[1], [0], [0], [1], [0, 0, 1, 1], [], []>, precision = #tpu.contract_precision<fp32>, transpose_lhs_hint = false} : vector<848x128xf32>, vector<128x128xf32>, vector<848x128xf32> -> vector<848x128xf32>
    %add3A_30 = arith.addf %div3A_23, %dot_general3A_29 : vector<848x128xf32>
    %get3A_31 = arith.constant 0 : index
    %get3A_32 = arith.constant 0 : index
    %get3A_33 = vector.load %arg6[%get3A_31, %get3A_32] : memref<1x128xf32, #tpu.memory_space<vmem>>, vector<1x128xf32>
    %add3A_34 = vector.broadcast %get3A_33 : vector<1x128xf32> to vector<848x128xf32>
    %add3A_35 = arith.addf %add3A_30, %add3A_34 : vector<848x128xf32>
    %mul3A = arith.mulf %add3A_35, %add3A_35 : vector<848x128xf32>
    %reduce_sum3A_36 = arith.constant dense<0.000000e+00> : vector<848xf32>
    %reduce_sum3A_37 = vector.multi_reduction <add>, %mul3A, %reduce_sum3A_36 [1] : vector<848x128xf32> to vector<848xf32>
    %broadcast_in_dim3A_38 = vector.shape_cast %reduce_sum3A_37 : vector<848xf32> to vector<848x1xf32>
    %max3A_39 = arith.constant 1.000000e-24 : f32
    %max3A_40 = vector.broadcast %max3A_39 : f32 to vector<848x1xf32>
    %max3A_41 = arith.maximumf %broadcast_in_dim3A_38, %max3A_40 : vector<848x1xf32>
    %rsqrt3A = math.rsqrt %max3A_41 : vector<848x1xf32>
    %mul3A_42 = vector.broadcast %rsqrt3A : vector<848x1xf32> to vector<848x128xf32>
    %mul3A_43 = arith.mulf %add3A_35, %mul3A_42 : vector<848x128xf32>
    %swap3A = arith.constant 0 : index
    %swap3A_44 = arith.constant 0 : index
    %swap3A_45 = vector.load %arg7[%swap3A, %swap3A_44] : memref<848x128xf32, #tpu.memory_space<vmem>>, vector<848x128xf32>
    tpu.vector_store %arg7[%swap3A, %swap3A_44], %mul3A_43 {strides = array<i32>} : memref<848x128xf32, #tpu.memory_space<vmem>>, vector<848x128xf32>,
    return
  }
  func.func @transform_0(%arg0: i32) -> (i32, i32, i32) {
    %c0_i32 = arith.constant 0 : i32
    %c0_i32_0 = arith.constant 0 : i32
    %c0_i32_1 = arith.constant 0 : i32
    return %c0_i32, %arg0, %c0_i32_0 : i32, i32, i32
  }
  func.func @transform_1(%arg0: i32) -> (i32, i32, i32) {
    %c1_i32 = arith.constant 1 : i32
    %c0_i32 = arith.constant 0 : i32
    %c0_i32_0 = arith.constant 0 : i32
    return %c1_i32, %arg0, %c0_i32 : i32, i32, i32
  }
  func.func @transform_2(%arg0: i32) -> (i32, i32, i32) {
    %c0_i32 = arith.constant 0 : i32
    %c0_i32_0 = arith.constant 0 : i32
    %c0_i32_1 = arith.constant 0 : i32
    return %c0_i32, %arg0, %c0_i32_0 : i32, i32, i32
  }
  func.func @transform_3(%arg0: i32) -> (i32, i32) {
    %add3A = arith.constant 0 : i32
    %add3A_0 = arith.addi %arg0, %add3A : i32
    %c0_i32 = arith.constant 0 : i32
    %c0_i32_1 = arith.constant 0 : i32
    return %add3A_0, %c0_i32 : i32, i32
  }
  func.func @transform_4(%arg0: i32) -> (i32, i32) {
    %c0_i32 = arith.constant 0 : i32
    %c0_i32_0 = arith.constant 0 : i32
    %c0_i32_1 = arith.constant 0 : i32
    return %c0_i32, %c0_i32_0 : i32, i32
  }
  func.func @transform_5(%arg0: i32) -> (i32, i32) {
    %c0_i32 = arith.constant 0 : i32
    %c0_i32_0 = arith.constant 0 : i32
    %c0_i32_1 = arith.constant 0 : i32
    return %c0_i32, %c0_i32_0 : i32, i32
  }
  func.func @transform_6(%arg0: i32) -> (i32, i32) {
    %c0_i32 = arith.constant 0 : i32
    %c0_i32_0 = arith.constant 0 : i32
    return %arg0, %c0_i32 : i32, i32
  }
}

</mosaic_0001>

<sc_bundles>
// kernel: kernel.6.cloned.1.call-start
scs
__scs_entry_jumppad:
0x0: {  	(pc) =	sbr.rel $0x88, $3  }
0x1: {  	(tag) =	ssettag $0x0;
	lr =	simm.s32 $0x1  }
0x2: {  	[smem:$0x3F9C] =	sst lr;
	_ =	strace $0xD0000000  }
0x3: {  	_ = 	snop  }
0x4: {  	_ = 	snop  }
0x5: {  	_ = 	snop  }
0x6: {  	_ = 	snop  }
0x7: {  	_ = 	snop  }
__scs_overlays_trampoline_lowered:
0x8: {  	[smem:$0x3FAB] =	sst s0  }
0x9: {  	[smem:$0x3FAC] =	sst s1  }
0xa: {  	[smem:$0x3FAD] =	sst s2  }
0xb: {  	[smem:$0x3FAE] =	sst s3  }
0xc: {  	[smem:$0x3FAF] =	sst s4  }
0xd: {  	[smem:$0x3FB0] =	sst s5  }
0xe: {  	[smem:$0x3FB1] =	sst s6  }
0xf: {  	[smem:$0x3FB2] =	sst s7  }
0x10: {  	[smem:$0x3FB3] =	sst s8  }
0x11: {  	[smem:$0x3FB4] =	sst s9;
	s0 =	simm.s32 @!p0 $0x0  }
0x12: {  	s1 =	sld [smem:$0x3F9A];
	s0 =	simm.s32 @p0 $0x1  }
0x13: {  	[smem:$0x3FB5] =	sst s0;
	s0 =	simm.s32 @!p1 $0x0  }
0x14: {  	s2 =	sld [smem:$0x3F99];
	s0 =	simm.s32 @p1 $0x1  }
0x15: {  	[smem:$0x3FB6] =	sst s0;
	s0 =	simm.s32 @!p2 $0x0  }
0x16: {  	s3 =	sld [smem:$0x3FDB];
	s0 =	simm.s32 @p2 $0x1  }
0x17: {  	s4 =	simm.s32 $0x1BF5;
	[smem:$0x3FB8] =	sst s0  }
0x18: {  	s0 =	sld [smem:$0x3F9B];
	_ =	swait.ge [sflag:s4], $0x0  }
0x19: {  	s7 =	sld [smem:$0x3F9C]  }
0x1a: {  	s8 =	sadd.s32 $0xFFFFE003, lr  }
0x1b: {  	s9 =	sadd.s32 $0xFFFFFEF7, lr;
	s5 =	simm.s32 $0xFFFFFFFF;
	p2 =	slt.u32 s8, $0xFFFFF086  }
0x1c: {  	p1 =	slt.u32 s9, $0xF7A;
	s5 =	simm.s32 @!p2 $0x0  }
0x1d: {  	s5 =	simm.s32 @p1 $0x1;
	p0 =	seq.s32 s7, s2  }
0x1e: {  	s7 =	smul.u32 @!p0 $0xF7A, s2;
	p2 =	seq.s32 @!p0 s5, $0x0  }
0x1f: {  	s9 =	smul.u32 $0xF7A, s1;
	s8 =	simm.s32 @!p0 $0x1BF5;
	p2 =	por !p2, p0  }
0x20: {  	[sflag:s8] =	ssyncset.s32 @!p0 $0xFFFFF086;
	s6 =	sadd.s32 @!p0 s3, s7;
	s7 =	simm.s32 @!p0 $0x108  }
0x21: {  	s3 =	sadd.s32 s3, s9;
	s6 =	sadd.s32 @!p0 $0x88, s6;
	s7 =	simm.s32 @p2 $0x1082  }
0x22: {  	[simem:s7], [sflag:s8] =	dma.local @!p0 [hbm:s6], $0xF7A  }
0x23: {  	s9 =	sor.u32 $0xD0000000, s2;
	s6 =	simm.s32 $0x108;
	_ =	swait.ge @!p0 [sflag:s8], $0x0  }
0x24: {  	s3 =	sadd.s32 $0x88, s3;
	s6 =	simm.s32 @!p1 $0x1082;
	[sflag:s4] =	ssyncset.s32 $0xFFFFF086  }
0x25: {  	[simem:s6], [sflag:s4] =	dma.local [hbm:s3], $0xF7A  }
0x26: {  	[smem:$0x3F9C] =	sst s1;
	(tag) =	ssettag s2;
	_ =	strace s9  }
0x27: {  	s1 =	sld [smem:$0x3FAC]  }
0x28: {  	s2 =	sld [smem:$0x3FAD]  }
0x29: {  	s4 =	sld [smem:$0x3FAF]  }
0x2a: {  	p0 =	seq.s32 s5, $0x0;
	s5 =	sld [smem:$0x3FB0]  }
0x2b: {  	s6 =	sld [smem:$0x3FB1]  }
0x2c: {  	s7 =	sld [smem:$0x3FB2]  }
0x2d: {  	s3 =	simm.s32 $0x108;
	s8 =	sld [smem:$0x3FB3]  }
0x2e: {  	s3 =	simm.s32 @!p0 $0x1082;
	s9 =	sld [smem:$0x3FB4]  }
0x2f: {  	lr =	sadd.s32 s0, s3;
	s0 =	sld [smem:$0x3FAB]  }
0x30: {  	s3 =	sld [smem:$0x3FAE]  }
0x31: {  	[smem:$0x3FB7] =	sst s10  }
0x32: {  	s10 =	sld [smem:$0x3FB5];
	_ =	sdelay $0x3  }
0x33: {  	p0 =	seq.s32 s10, $0x1;
	s10 =	sld [smem:$0x3FB7];
	_ =	sdelay $0x3  }
0x34: {  	[smem:$0x3FB7] =	sst s10  }
0x35: {  	s10 =	sld [smem:$0x3FB6];
	_ =	sdelay $0x3  }
0x36: {  	p1 =	seq.s32 s10, $0x1;
	s10 =	sld [smem:$0x3FB7];
	_ =	sdelay $0x3  }
0x37: {  	[smem:$0x3FB7] =	sst s10  }
0x38: {  	s10 =	sld [smem:$0x3FB8]  }
0x39: {  	_ = 	snop;
	(pc) =	sbr.ind lr, $3  }
0x3a: {  	_ = 	snop  }
0x3b: {  	_ = 	snop  }
0x3c: {  	p2 =	seq.s32 s10, $0x1;
	s10 =	sld [smem:$0x3FB7]  }
0x3d: {  	_ =	shalt  }
0x3e: {  	_ =	shalt  }
0x3f: {  	_ =	shalt  }
0x40: {  	_ =	shalt  }
0x41: {  	_ =	shalt  }
0x42: {  	_ =	shalt  }
0x43: {  	_ =	shalt  }
0x44: {  	_ =	shalt  }
0x45: {  	_ =	shalt  }
0x46: {  	_ =	shalt  }
0x47: {  	_ =	shalt  }
0x48: {  	_ =	shalt  }
0x49: {  	_ =	shalt  }
0x4a: {  	_ =	shalt  }
0x4b: {  	_ =	shalt  }
0x4c: {  	_ =	shalt  }
0x4d: {  	_ =	shalt  }
0x4e: {  	_ =	shalt  }
0x4f: {  	_ =	shalt  }
0x50: {  	_ =	shalt  }
0x51: {  	_ =	shalt  }
0x52: {  	_ =	shalt  }
0x53: {  	_ =	shalt  }
0x54: {  	_ =	shalt  }
0x55: {  	_ =	shalt  }
0x56: {  	_ =	shalt  }
0x57: {  	_ =	shalt  }
0x58: {  	_ =	shalt  }
0x59: {  	_ =	shalt  }
0x5a: {  	_ =	shalt  }
0x5b: {  	_ =	shalt  }
0x5c: {  	_ =	shalt  }
0x5d: {  	_ =	shalt  }
0x5e: {  	_ =	shalt  }
0x5f: {  	_ =	shalt  }
0x60: {  	_ =	shalt  }
0x61: {  	_ =	shalt  }
0x62: {  	_ =	shalt  }
0x63: {  	_ =	shalt  }
0x64: {  	_ =	shalt  }
0x65: {  	_ =	shalt  }
0x66: {  	_ =	shalt  }
0x67: {  	_ =	shalt  }
0x68: {  	_ =	shalt  }
0x69: {  	_ =	shalt  }
0x6a: {  	_ =	shalt  }
0x6b: {  	_ =	shalt  }
0x6c: {  	_ =	shalt  }
0x6d: {  	_ =	shalt  }
0x6e: {  	_ =	shalt  }
0x6f: {  	_ =	shalt  }
0x70: {  	_ =	shalt  }
0x71: {  	_ =	shalt  }
0x72: {  	_ =	shalt  }
0x73: {  	_ =	shalt  }
0x74: {  	_ =	shalt  }
0x75: {  	_ =	shalt  }
0x76: {  	_ =	shalt  }
0x77: {  	_ =	shalt  }
0x78: {  	_ =	shalt  }
0x79: {  	_ =	shalt  }
0x7a: {  	_ =	shalt  }
0x7b: {  	_ =	shalt  }
0x7c: {  	_ =	shalt  }
0x7d: {  	_ =	shalt  }
0x7e: {  	_ =	shalt  }
0x7f: {  	_ =	shalt  }
0x80: {  	_ =	shalt  }
0x81: {  	_ =	shalt  }
0x82: {  	_ =	shalt  }
0x83: {  	_ =	shalt  }
0x84: {  	_ =	shalt  }
0x85: {  	_ =	shalt  }
0x86: {  	_ =	shalt  }
0x87: {  	_ =	shalt  }
.Lfunc_end0:
.L_simem_size_0:
called_computation_lowered:
.L_overlay_start_0:
0x88: {  	s2 =	sld [smem:$0x3FD9]  }
0x89: {  	s3 =	sld [smem:$0x3FFE];
	_ =	sdelay $0x1  }
0x8a: {  	s1 =	srdreg.scid  }
0x8b: {  	s0 =	sand.u32 $0x1, s1  }
0x8c: {  	s17 =	sshll.u32 s0, $0xA;
	s2 =	sadd.s32 s3, s2  }
0x8d: {  	s2 =	sadd.s32 s2, s17  }
0x8e: {  	[smem:$0x3FC3] =	sst s2  }
0x8f: {  	_ = 	snop  }
0x90: {  	s2 =	sld [smem:$0x3FC7]  }
0x91: {  	s18 =	sld [smem:$0x3FD0];
	(tm) =	ssettm $0x1  }
0x92: {  	s4 =	sld [smem:$0x3FFB];
	_ =	sdelay $0x3  }
0x93: {  	_ =	strace s4  }
0x94: {  	s4 =	sld [smem:$0x3FFC];
	_ =	sdelay $0x3  }
0x95: {  	_ =	strace s4  }
0x96: {  	s4 =	sld [smem:$0x3FFD];
	_ =	sdelay $0x3  }
0x97: {  	_ =	strace s4  }
0x98: {  	_ =	strace $0x8FFFFFFF  }
0x99: {  	s19 =	sld [smem:$0x3FDB];
	_ =	sdelay $0x1  }
0x9a: {  	s5 =	simm.s32 $_scs_section_size  }
0x9b: {  	s6 =	simm.s32 $_size__tile_overlayer_lowered;
	s7 =	simm.s32 $_tile_overlayer_lowered  }
0x9c: {  	s22 =	simm.s32 $0x1BFF;
	s21 =	sshll.u32 s7, $0x1;
	s4 =	sadd.s32 s5, s19  }
0x9d: {  	s8 =	simm.s32 $0x0;
	s20 =	sshll.u32 s6, $0x1;
	s6 =	sadd.s32 s21, s4  }
0x9e: {  	[timem:s8], [sflag:s22] =	dma.local [hbm:s6], s20  }
0x9f: {  	_ =	swait.ge [sflag:s22], s20  }
0xa0: {  	s5 =	ssub.s32 $0x0, s20;
	[sflag:s22] =	ssyncset.done $0x0  }
0xa1: {  	[sflag:s22] =	ssyncadd.s32 s5;
	_ =	sdelay $0x1  }
0xa2: {  	s23 =	simm.s32 $0x1B8B  }
0xa3: {  	_ =	swait.ge [sflag:s23], $0x1  }
0xa4: {  	[sflag:s23] =	ssyncset.done $0x0  }
0xa5: {  	s25 =	simm.s32 $0x1B8E;
	s24 =	sld [smem:$0x3FFE];
	[sflag:s23] =	ssyncadd.s32 $0xFFFFFFFF  }
0xa6: {  	s26 =	simm.s32 $execute0_lowered;
	[smem:$0x3FD2] =	sst s25  }
0xa7: {  	s6 =	sshll.u32 s26, $0x1;
	_ =	strace $0x80000046;
	[dreg:$0x1] =	wrdreg $0xFFFFFFFF  }
0xa8: {  	s28 =	simm.s32 $_size_execute0_lowered;
	s4 =	sadd.s32 s4, s6;
	[dreg:$0x0] =	wrdreg $0x0  }
0xa9: {  	s6 =	sshll.u32 s28, $0x1;
	[dreg:$0x2] =	wrdreg s4  }
0xaa: {  	[dreg:$0x3] =	wrdreg s6  }
0xab: {  	[dreg:$0x4] =	wrdreg $0xC0  }
0xac: {  	_ =	task [dreg:s8], $0x5FFFF  }
0xad: {  	[dreg:$0x1] =	wrdreg $0xFFFFFFFF  }
0xae: {  	[dreg:$0x0] =	wrdreg $0x60  }
0xaf: {  	[dreg:$0x2] =	wrdreg s24  }
0xb0: {  	[dreg:$0x3] =	wrdreg s18  }
0xb1: {  	[dreg:$0x4] =	wrdreg s2  }
0xb2: {  	[dreg:$0x5] =	wrdreg $0x9  }
0xb3: {  	_ =	task.clear_ibuf [dreg:s8], $0x6FFFF;
	_ =	strace $0x90000046  }
0xb4: {  	s29 =	simm.s32 $0x9;
	_ =	strace $0x80000048  }
0xb5: {  	_ =	swait.ge [sflag:s29], $0x1  }
0xb6: {  	[sflag:s29] =	ssyncadd.s32 $0xFFFFFFFF  }
0xb7: {  	_ =	strace $0x90000048  }
0xb8: {  	_ =	sfence  }
0xb9: {  	s30 =	sld [smem:$0x0];
	_ =	sdelay $0x2  }
0xba: {  	s31 =	sshll.u32 s1, $0xD;
	s1 =	sshrl.u32 s1, $0x2  }
0xbb: {  	s3 =	sand.u32 $0x4000, s31;
	s1 =	sadd.s32 s1, s30  }
0xbc: {  	s0 =	sor.u32 s3, s0;
	s1 =	sshll.u32 s1, $0x11  }
0xbd: {  	s0 =	sor.u32 s1, s0  }
0xbe: {  	s0 =	sadd.s32 $0x8F2B, s0  }
0xbf: {  	[sflag:s0] =	ssyncadd.remote.s32 $0x1  }
0xc0: {  	_ =	sfence.sel $0xFFFF  }
0xc1: {  	[dreg:$0x0] =	wrdreg $0xFFFFFFFF;
	(pc) =	sbr.abs _section_cstart, $3  }
0xc2: {  	[dreg:$0x1] =	wrdreg $0xFFFFFFFF  }
0xc3: {  	_ =	task.clear_ibuf [dreg:s8], $0x2FFFF;
	_ =	strace $0x9FFFFFFF  }
0xc4: {  	(tm) =	ssettm $0x7FFFFFFF  }
0xc5: {  	_ =	shalt  }
tec
execute0_lowered:
.L_overlay_start_1:
0x0: {  	(tag) =	ssettag $0x1  }
0x1: {  	s0 =	rddreg [dreg:$0x0];
	s2 =	srdreg.scid  }
0x2: {  	s1 =	stileid.u32;
	s28 =	simm.s32 $0x800;
	s29 =	simm.s32 $0x1000  }
0x3: {  	s30 =	simm.s32 $0x1800;
	s31 =	simm.s32 $0x10B00;
	s3 =	sand.u32 $0x1, s2  }
0x4: {  	s2 =	rddreg [dreg:$0x2];
	s5 =	sadd.s32 $0xC800, s0;
	s4 =	sshll.u32 s3, $0x4  }
0x5: {  	s6 =	sadd.s32 $0x48800, s0;
	s3 =	ssub.s32 $0x2, s3;
	s4 =	sor.u32 s1, s4  }
0x6: {  	s9 =	sadd.s32 $0x84800, s0;
	s7 =	sshrl.u32 s3, $0x1;
	s8 =	smul.u32 $0x500, s4  }
0x7: {  	s3 =	ssub.s32 s3, s7;
	s7 =	sor.u32 $0x20, s4;
	s13 =	sshll.u32 s4, $0x1  }
0x8: {  	s11 =	sor.u32 $0x40, s4;
	s12 =	sor.u32 $0x60, s4;
	s13 =	sadd.s32 s9, s13  }
0x9: {  	s10 =	smul.u32 $0x500, s7;
	s24 =	sadd.s32 s5, s8;
	[dreg:$0x10] =	wrdreg s13  }
0xa: {  	s15 =	sor.u32 $0x80, s4;
	s25 =	sadd.s32 s6, s8;
	[dreg:$0x4] =	wrdreg s24  }
0xb: {  	s26 =	smul.u32 $0x500, s11;
	[dreg:$0x5] =	wrdreg s25;
	s18 =	sadd.s32 s5, s10  }
0xc: {  	s17 =	sor.u32 $0xA0, s4;
	s19 =	sadd.s32 s6, s10;
	[dreg:$0x6] =	wrdreg s18  }
0xd: {  	s14 =	smul.u32 $0x500, s12;
	s20 =	sadd.s32 s5, s26;
	[dreg:$0x7] =	wrdreg s19  }
0xe: {  	s16 =	smul.u32 $0x500, s15;
	s22 =	sadd.s32 s6, s26;
	[dreg:$0x8] =	wrdreg s20  }
0xf: {  	s21 =	smul.u32 $0x500, s17;
	s23 =	sadd.s32 s5, s14;
	[dreg:$0x9] =	wrdreg s22  }
0x10: {  	s24 =	sadd.s32 s6, s14;
	s25 =	sadd.s32 s5, s16;
	[dreg:$0xa] =	wrdreg s23  }
0x11: {  	s26 =	sadd.s32 s6, s16;
	s8 =	sadd.s32 s5, s21;
	[dreg:$0xb] =	wrdreg s24  }
0x12: {  	s10 =	sadd.s32 s6, s21;
	s14 =	sshll.u32 s7, $0x1;
	[dreg:$0xc] =	wrdreg s25  }
0x13: {  	s16 =	sshll.u32 s11, $0x1;
	s6 =	simm.s32 $0x18480;
	[dreg:$0xd] =	wrdreg s26  }
0x14: {  	s7 =	simm.s32 $0xBA00;
	s11 =	simm.s32 $0x1D580;
	[dreg:$0xe] =	wrdreg s8  }
0x15: {  	[dreg:$0xf] =	wrdreg s10;
	s18 =	sshll.u32 s12, $0x1;
	s19 =	sadd.s32 s9, s14  }
0x16: {  	s20 =	sadd.s32 s9, s16;
	s22 =	sshll.u32 s15, $0x1;
	s23 =	sshll.u32 s17, $0x1  }
0x17: {  	s24 =	simm.s32 $0x0;
	s26 =	smax.u32 s3, $0x1;
	s3 =	simm.s32 $0x6900  }
0x18: {  	s8 =	simm.s32 $0x1AD00;
	s10 =	simm.s32 $0xE280;
	[dreg:$0x11] =	wrdreg s19  }
0x19: {  	s12 =	simm.s32 $0x0;
	[dreg:$0x12] =	wrdreg s20;
	s21 =	sadd.s32 s9, s18  }
0x1a: {  	s5 =	sadd.s32 s9, s22;
	s25 =	sadd.s32 s9, s23;
	[smem:$0x7FF] =	sst s24  }
0x1b: {  	s23 =	sadd.s32 $0x2A00, s0;
	s24 =	smul.u32 $0x2710, s4;
	[dreg:$0x13] =	wrdreg s21  }
0x1c: {  	s9 =	simm.s32 $0x4080;
	s0 =	simm.s32 $0x13380;
	[dreg:$0x14] =	wrdreg s5  }
0x1d: {  	v2 =	vlaneseq.u32;
	s4 =	simm.s32 $0x15C00;
	[dreg:$0x15] =	wrdreg s25;
	s5 =	simm.s32 $0x9180  }
0x1e: {  	v0 =	vimm.s32 $0x0;
	v1 =	vimm.s32 $0xD50;
	v2 =	vor.u32 $0x2800, v2;
	_ =	strace $0x80000047;
	[dreg:$0x16] =	wrdreg s26;
	s26 =	simm.s32 $0x1  }
.LBB2_1:
0x1f: {  	[dreg:$0x17] =	wrdreg s12;
	s12 =	simm.s32 $0x0;
	s13 =	simm.s32 $0x40  }
.LBB2_2:
0x20: {  	p0 =	sne.s32 s13, $0x9FC0;
	[tilespmem:s12+$0x1D580] =	vst v1  }
0x21: {  	[tilespmem:s12+$0x1800] =	vst v0  }
0x22: {  	[tilespmem:s12+$0x10B00] =	vst v1  }
0x23: {  	[tilespmem:s12+$0x4080] =	vst v0  }
0x24: {  	[tilespmem:s12+$0x13380] =	vst v1  }
0x25: {  	[tilespmem:s12+$0x6900] =	vst v0  }
0x26: {  	[tilespmem:s12+$0x15C00] =	vst v1  }
.Ltmp0:
0x27: {  	[tilespmem:s12+$0x9180] =	vst v0;
	(pc) =	sbr.rel @p0 .LBB2_2-.Ltmp0, $4  }
0x28: {  	[tilespmem:s12+$0x18480] =	vst v1  }
0x29: {  	[tilespmem:s12+$0xBA00] =	vst v0  }
0x2a: {  	[tilespmem:s12+$0x1AD00] =	vst v1  }
0x2b: {  	[tilespmem:s12+$0xE280] =	vst v0;
	s12 =	sshra.s32 s13, $0x2;
	s13 =	sadd.s32 $0x40, s13  }
0x2c: {  	[tilespmem:s12+$0x1D580] =	vst v1  }
0x2d: {  	[tilespmem:s12+$0x1800] =	vst v0  }
0x2e: {  	[tilespmem:s12+$0x10B00] =	vst v1  }
0x2f: {  	[tilespmem:s12+$0x4080] =	vst v0  }
0x30: {  	[tilespmem:s12+$0x13380] =	vst v1  }
0x31: {  	[tilespmem:s12+$0x6900] =	vst v0  }
0x32: {  	[tilespmem:s12+$0x15C00] =	vst v1  }
0x33: {  	[tilespmem:s12+$0x9180] =	vst v0  }
0x34: {  	[tilespmem:s12+$0x18480] =	vst v1  }
0x35: {  	s17 =	simm.s32 $0x0;
	[tilespmem:s12+$0xBA00] =	vst v0;
	s14 =	simm.s32 $0x0  }
0x36: {  	[tilespmem:s12+$0x1AD00] =	vst v1;
	s15 =	simm.s32 $0x0;
	s16 =	simm.s32 $0x0;
	s19 =	simm.s32 $0x0  }
0x37: {  	[tilespmem:s12+$0xE280] =	vst v0;
	s21 =	simm.s32 $0x0;
	s12 =	simm.s32 $0x0;
	s18 =	simm.s32 $0x0  }
.LBB2_4:
0x38: {  	s13 =	smul.u32 $0x7D0, s18;
	_ =	sdelay $0x1  }
0x39: {  	s13 =	sadd.s32 s24, s13  }
0x3a: {  	s13 =	sshrl.u32 s13, $0x3  }
0x3b: {  	s20 =	sadd.s32 s23, s13  }
0x3c: {  	[tilespmem:s17], [sflag:$0x1] =	stream.linear.gather [hbm4b:s20+s17], $0x7D0, $0x38;
	[tilespmem:$0x1FE80] =	vst v63  }
0x3d: {  	_ =	swait.ge [sflag:s26], $0x7D0  }
0x3e: {  	[sflag:s26] =	ssyncset.done $0x0  }
0x3f: {  	[sflag:s26] =	ssyncadd.s32 $0xFFFFF830  }
0x40: {  	s1 =	rddreg [dreg:$0x1]  }
0x41: {  	s25 =	sadd.s32 s1, s13  }
0x42: {  	[tilespmem:s28], [sflag:$0x1] =	stream.linear.gather [hbm4b:s25+s17], $0x7D0, $0x38;
	[tilespmem:$0x1FE80] =	vst v63  }
0x43: {  	_ =	swait.ge [sflag:s26], $0x7D0  }
0x44: {  	[sflag:s26] =	ssyncset.done $0x0  }
0x45: {  	s13 =	sadd.s32 s2, s13;
	[sflag:s26] =	ssyncadd.s32 $0xFFFFF830  }
0x46: {  	[tilespmem:s29], [sflag:$0x1] =	stream.linear.gather [hbm4b:s13+s17], $0x7D0, $0x38;
	[tilespmem:$0x1FE80] =	vst v63  }
0x47: {  	_ =	swait.ge [sflag:s26], $0x7D0  }
0x48: {  	[sflag:s26] =	ssyncset.done $0x0  }
0x49: {  	s1 =	simm.s32 $0x0;
	[sflag:s26] =	ssyncadd.s32 $0xFFFFF830  }
0x4a: {  	v3 =	vld [tilespmem:s1+$0x800]  }
0x4b: {  	v4 =	vld [tilespmem:s1+$0x1000];
	_ =	sdelay $0x4  }
0x4c: {  	vm0 =	vge.f32 v4, $0.0e+00;
	vm1 =	vle.s32 v3, $0xD3F  }
0x4d: {  	vm7 =	vmand vm0, vm1  }
0x4e: {  	v4 =	vsel vm7, $0x1, v0  }
0x4f: {  	vm4 =	vgt.s32 v3, $0xD3F;
	vm2 =	vgt.s32 v3, $0x1A7F;
	(xrf0) =	vadd.scan.msk.s32 $0xffff, v4  }
0x50: {  	vm8 =	vmxor vm4, vm2;
	vm3 =	vmand vm2, vm0;
	vm9 =	vmneg vm0  }
0x51: {  	vm6 =	vmand vm0, vm8;
	v5 =	vsel vm3, $0x1, v0;
	vm5 =	vmand vm1, vm9  }
0x52: {  	vm0 =	vmand vm2, vm9;
	v4 =	vsel vm6, $0x1, v0;
	(xrf0) =	vadd.scan.msk.s32 $0xffff, v5;
	v5 =	vsel vm5, $0x1, v0  }
0x53: {  	(xrf0) =	vadd.scan.msk.s32 $0xffff, v4;
	v4 =	vsel vm0, $0x1, v0  }
0x54: {  	(xrf0) =	vadd.scan.msk.s32 $0xffff, v4;
	v4 =	vsel vm7, $0xFFFFFFFF, v0  }
0x55: {  	(xrf0) =	vadd.scan.msk.s32 $0xffff, v5;
	v4 =	vadd.s32 s12, v4;
	v5, _, _ =	vpop (xrf0)  }
0x56: {  	vm1 =	vmand vm8, vm9;
	v4 =	vadd.s32 v5, v4;
	v5 =	vxor.u32 $0x80000000, v5  }
0x57: {  	v6 =	vsel vm1, $0x1, v0  }
0x58: {  	v7 =	vsel vm6, $0xFFFFFFFF, v0;
	(xrf0) =	vadd.scan.msk.s32 $0xffff, v6;
	v52, _, _ =	vpop (xrf0)  }
0x59: {  	v8 =	vld [tilespmem:s1+$0x0];
	v7 =	vadd.s32 s21, v7;
	v4 =	vsel vm7, v4, v2;
	(xrf0) =	vmax.scan.msk.u32 $0xffff, v5;
	v5, _, _ =	vpop (xrf0)  }
0x5a: {  	v10 =	vsel vm3, $0xFFFFFFFF, v0;
	v7 =	vadd.s32 v5, v7  }
0x5b: {  	v54 =	vsel vm4, $0xFFFFF2C0, v0;
	v53 =	vadd.s32 s19, v10;
	v7 =	vsel vm6, v7, v2  }
0x5c: {  	v55 =	vsel vm5, $0xFFFFFFFF, v0;
	v9 =	vxor.u32 $0x80000000, v52;
	v6 =	vadd.s32 v52, v53;
	v11, _, _ =	vpop (xrf0)  }
0x5d: {  	v10 =	vsel vm2, $0xFFFFE580, v54;
	v6 =	vsel vm3, v6, v2;
	(xrf0) =	vmax.scan.msk.u32 $0xffff, v9;
	v9 =	vadd.s32 s16, v55;
	v12, _, _ =	vpop (xrf0)  }
0x5e: {  	v3 =	vadd.s32 v3, v10;
	v9 =	vadd.s32 v12, v9;
	[tilespmem:v4+s30+$0x0] =	vst.idx.msk $0xffff, v8  }
0x5f: {  	[tilespmem:v4+s31+$0x0] =	vst.idx.msk $0xffff, v3;
	v4 =	vsel vm5, v9, v2  }
0x60: {  	[tilespmem:v7+s9+$0x0] =	vst.idx.msk $0xffff, v8  }
0x61: {  	[tilespmem:v7+s0+$0x0] =	vst.idx.msk $0xffff, v3  }
0x62: {  	[tilespmem:v6+s3+$0x0] =	vst.idx.msk $0xffff, v8  }
0x63: {  	v5 =	vxor.u32 $0x80000000, v5;
	[tilespmem:v6+s4+$0x0] =	vst.idx.msk $0xffff, v3  }
0x64: {  	v62 =	vxor.u32 $0x80000000, v11;
	v13, _, _ =	vpop (xrf0);
	(xrf0) =	vmax.scan.msk.u32 $0xffff, v5;
	[tilespmem:v4+s5+$0x0] =	vst.idx.msk $0xffff, v8  }
0x65: {  	v58, _, _ =	vpop (xrf0);
	(xrf0) =	vmax.scan.msk.u32 $0xffff, v62;
	[tilespmem:v4+s6+$0x0] =	vst.idx.msk $0xffff, v3;
	v4 =	vxor.u32 $0x80000000, v12  }
0x66: {  	v56 =	vsel vm1, $0xFFFFFFFF, v0;
	v5 =	vxor.u32 $0x80000000, v13;
	v59, _, _ =	vpop (xrf0);
	(xrf0) =	vmax.scan.msk.u32 $0xffff, v4  }
0x67: {  	v57 =	vadd.s32 s15, v56;
	(xrf0) =	vmax.scan.msk.u32 $0xffff, v5  }
0x68: {  	v14 =	vsel vm0, $0xFFFFFFFF, v0;
	v9 =	vadd.s32 v13, v57;
	(v2sf) =	vpush v58, $0xF  }
0x69: {  	v60 =	vadd.s32 s14, v14;
	v9 =	vsel vm1, v9, v2;
	(v2sf) =	vpush v59, $0xF  }
0x6a: {  	v7 =	vadd.s32 v11, v60;
	v4, _, _ =	vpop (xrf0)  }
0x6b: {  	v61 =	vsel vm0, v7, v2;
	(v2sf) =	vpush v4, $0xF;
	v4, _, _ =	vpop (xrf0)  }
0x6c: {  	(v2sf) =	vpush v4, $0xF;
	v63, _, _ =	vpop (xrf0)  }
0x6d: {  	(v2sf) =	vpush v63, $0xF;
	v4, _, _ =	vpop (xrf0)  }
0x6e: {  	[tilespmem:v9+s7+$0x0] =	vst.idx.msk $0xffff, v8;
	(v2sf) =	vpush v4, $0xF  }
0x6f: {  	[tilespmem:v9+s8+$0x0] =	vst.idx.msk $0xffff, v3  }
0x70: {  	[tilespmem:v61+s10+$0x0] =	vst.idx.msk $0xffff, v8  }
0x71: {  	s22 =	simm.s32 $0x10;
	[tilespmem:v61+s11+$0x0] =	vst.idx.msk $0xffff, v3  }
0x72: {  	v3 =	vld [tilespmem:s22+$0x800]  }
0x73: {  	v5 =	vld [tilespmem:s22+$0x1000];
	_ =	sdelay $0x3  }
0x74: {  	s20 =	spop (v2sf);
	vm1 =	vgt.s32 v3, $0xD3F;
	vm0 =	vgt.s32 v3, $0x1A7F  }
0x75: {  	s25 =	simm.s32 $0x80;
	s20 =	sadd.s32 s20, s12;
	vm2 =	vge.f32 v5, $0.0e+00;
	vm8 =	vle.s32 v3, $0xD3F;
	s12 =	spop (v2sf);
	vm3 =	vmxor vm1, vm0  }
.LBB2_5:
0x76: {  	p0 =	sne.s32 s25, $0x1F00  }
0x77: {  	vm9 =	vmneg vm2;
	vm7 =	vmand vm2, vm8;
	vm6 =	vmand vm2, vm3;
	s1 =	spop (v2sf);
	s13 =	smov.u32 s25;
	s25 =	sadd.s32 $0x40, s25  }
0x78: {  	vm5 =	vmand vm0, vm2;
	s19 =	sadd.s32 s12, s19;
	v4 =	vsel vm7, $0x1, v0;
	v5 =	vsel vm6, $0x1, v0;
	s1 =	sadd.s32 s1, s21;
	s21 =	spop (v2sf)  }
0x79: {  	s12 =	sadd.s32 $0x80000000, s20;
	v6 =	vsel vm5, $0x1, v0;
	vm4 =	vmand vm8, vm9;
	vm3 =	vmand vm3, vm9;
	(xrf0) =	vadd.scan.msk.s32 $0xffff, v4;
	s14 =	sadd.s32 s21, s14;
	s20 =	spop (v2sf)  }
0x7a: {  	vm2 =	vmand vm0, vm9;
	v4 =	vsel vm4, $0x1, v0;
	v7 =	vsel vm3, $0x1, v0;
	(xrf0) =	vadd.scan.msk.s32 $0xffff, v6;
	s16 =	sadd.s32 s20, s16;
	s14 =	sadd.s32 $0x80000000, s14;
	s20 =	spop (v2sf)  }
0x7b: {  	v8 =	vsel vm2, $0xFFFFFFFF, v0;
	v9 =	vsel vm2, $0x1, v0;
	s21 =	sadd.s32 $0x80000000, s1;
	v6 =	vsel vm1, $0xFFFFF2C0, v0;
	(xrf0) =	vadd.scan.msk.s32 $0xffff, v5;
	s16 =	sadd.s32 $0x80000000, s16;
	s1 =	sadd.s32 s20, s15  }
0x7c: {  	s19 =	sadd.s32 $0x80000000, s19;
	v5 =	vsel vm0, $0xFFFFE580, v6;
	(xrf0) =	vadd.scan.msk.s32 $0xffff, v9;
	s15 =	sadd.s32 $0x80000000, s1  }
0x7d: {  	(xrf0) =	vadd.scan.msk.s32 $0xffff, v4  }
0x7e: {  	v6 =	vsel vm6, $0xFFFFFFFF, v0;
	v8 =	vadd.s32 s14, v8;
	v4 =	vsel vm7, $0xFFFFFFFF, v0;
	(xrf0) =	vadd.scan.msk.s32 $0xffff, v7  }
0x7f: {  	v6 =	vadd.s32 s21, v6;
	v4 =	vadd.s32 s12, v4;
	v7 =	vsel vm5, $0xFFFFFFFF, v0;
	v9, _, _ =	vpop (xrf0)  }
0x80: {  	v7 =	vadd.s32 s19, v7;
	v4 =	vadd.s32 v9, v4;
	v12 =	vxor.u32 $0x80000000, v9;
	v10, _, _ =	vpop (xrf0)  }
0x81: {  	v11 =	vld [tilespmem:s22+$0x0];
	v4 =	vsel vm7, v4, v2;
	v7 =	vadd.s32 v10, v7;
	v13 =	vxor.u32 $0x80000000, v10;
	(xrf0) =	vmax.scan.msk.u32 $0xffff, v12;
	v9, _, _ =	vpop (xrf0)  }
0x82: {  	v12 =	vsel vm4, $0xFFFFFFFF, v0;
	v6 =	vadd.s32 v9, v6;
	v14 =	vxor.u32 $0x80000000, v9;
	(xrf0) =	vmax.scan.msk.u32 $0xffff, v13;
	v10, _, _ =	vpop (xrf0)  }
0x83: {  	v12 =	vadd.s32 s16, v12;
	v6 =	vsel vm6, v6, v2;
	v13 =	vxor.u32 $0x80000000, v10;
	(xrf0) =	vmax.scan.msk.u32 $0xffff, v14;
	v9, _, _ =	vpop (xrf0)  }
0x84: {  	v8 =	vadd.s32 v10, v8;
	v12 =	vadd.s32 v9, v12;
	v9 =	vxor.u32 $0x80000000, v9;
	v10, _, _ =	vpop (xrf0);
	(xrf0) =	vmax.scan.msk.u32 $0xffff, v13  }
0x85: {  	v7 =	vsel vm5, v7, v2;
	v13 =	vxor.u32 $0x80000000, v10;
	(xrf0) =	vmax.scan.msk.u32 $0xffff, v9  }
0x86: {  	v3 =	vadd.s32 v3, v5;
	v5 =	vsel vm3, $0xFFFFFFFF, v0;
	[tilespmem:v4+s30+$0x0] =	vst.idx.msk $0xffff, v11;
	(xrf0) =	vmax.scan.msk.u32 $0xffff, v13  }
0x87: {  	v5 =	vadd.s32 s15, v5;
	[tilespmem:v4+s31+$0x0] =	vst.idx.msk $0xffff, v3;
	v4 =	vsel vm4, v12, v2;
	v9, _, _ =	vpop (xrf0)  }
0x88: {  	v5 =	vadd.s32 v10, v5;
	[tilespmem:v6+s9+$0x0] =	vst.idx.msk $0xffff, v11;
	(v2sf) =	vpush v9, $0xF;
	v9, _, _ =	vpop (xrf0)  }
0x89: {  	v5 =	vsel vm3, v5, v2;
	[tilespmem:v6+s0+$0x0] =	vst.idx.msk $0xffff, v3;
	v6, _, _ =	vpop (xrf0);
	(v2sf) =	vpush v9, $0xF  }
0x8a: {  	[tilespmem:v7+s3+$0x0] =	vst.idx.msk $0xffff, v11;
	(v2sf) =	vpush v6, $0xF;
	v6, _, _ =	vpop (xrf0)  }
0x8b: {  	[tilespmem:v7+s4+$0x0] =	vst.idx.msk $0xffff, v3;
	v7 =	vsel vm2, v8, v2;
	v8, _, _ =	vpop (xrf0);
	(v2sf) =	vpush v6, $0xF  }
0x8c: {  	[tilespmem:v4+s5+$0x0] =	vst.idx.msk $0xffff, v11;
	(v2sf) =	vpush v8, $0xF;
	v6, _, _ =	vpop (xrf0)  }
0x8d: {  	[tilespmem:v4+s6+$0x0] =	vst.idx.msk $0xffff, v3;
	(v2sf) =	vpush v6, $0xF  }
0x8e: {  	[tilespmem:v5+s7+$0x0] =	vst.idx.msk $0xffff, v11  }
0x8f: {  	[tilespmem:v5+s8+$0x0] =	vst.idx.msk $0xffff, v3  }
0x90: {  	[tilespmem:v7+s10+$0x0] =	vst.idx.msk $0xffff, v11  }
0x91: {  	s22 =	sshra.s32 s13, $0x2;
	[tilespmem:v7+s11+$0x0] =	vst.idx.msk $0xffff, v3  }
0x92: {  	v3 =	vld [tilespmem:s22+$0x800]  }
0x93: {  	v4 =	vld [tilespmem:s22+$0x1000]  }
.Ltmp1:
0x94: {  	(pc) =	sbr.rel @p0 .LBB2_5-.Ltmp1, $3  }
0x95: {  	_ =	sdelay $0x1  }
0x96: {  	vm1 =	vgt.s32 v3, $0xD3F;
	vm0 =	vgt.s32 v3, $0x1A7F;
	s1 =	spop (v2sf)  }
0x97: {  	vm8 =	vle.s32 v3, $0xD3F;
	vm2 =	vge.f32 v4, $0.0e+00;
	vm3 =	vmxor vm1, vm0;
	s20 =	sadd.s32 s1, s12;
	s12 =	spop (v2sf)  }
0x98: {  	vm7 =	vmand vm2, vm8  }
0x99: {  	vm4 =	vmand vm0, vm2;
	v4 =	vsel vm7, $0x1, v0  }
0x9a: {  	vm9 =	vmneg vm2;
	vm6 =	vmand vm2, vm3;
	v5 =	vsel vm4, $0x1, v0;
	(xrf0) =	vadd.scan.msk.s32 $0xffff, v4  }
0x9b: {  	v36 =	vsel vm6, $0x1, v0;
	vm14 =	vmand vm0, vm9;
	(xrf0) =	vadd.scan.msk.s32 $0xffff, v5  }
0x9c: {  	vm5 =	vmand vm8, vm9;
	v37 =	vsel vm14, $0x1, v0;
	(xrf0) =	vadd.scan.msk.s32 $0xffff, v36  }
0x9d: {  	vm15 =	vmand vm3, vm9;
	v38 =	vsel vm5, $0x1, v0;
	(xrf0) =	vadd.scan.msk.s32 $0xffff, v37  }
0x9e: {  	v39 =	vsel vm15, $0x1, v0;
	(xrf0) =	vadd.scan.msk.s32 $0xffff, v38  }
0x9f: {  	(xrf0) =	vadd.scan.msk.s32 $0xffff, v39  }
0xa0: {  	v40, _, _ =	vpop (xrf0)  }
0xa1: {  	v41 =	vxor.u32 $0x80000000, v40;
	v6, _, _ =	vpop (xrf0)  }
0xa2: {  	v7 =	vxor.u32 $0x80000000, v6;
	(xrf0) =	vmax.scan.msk.u32 $0xffff, v41;
	v42, _, _ =	vpop (xrf0)  }
0xa3: {  	v8 =	vxor.u32 $0x80000000, v42;
	(xrf0) =	vmax.scan.msk.u32 $0xffff, v7;
	v43, _, _ =	vpop (xrf0)  }
0xa4: {  	v9 =	vxor.u32 $0x80000000, v43;
	(xrf0) =	vmax.scan.msk.u32 $0xffff, v8;
	v44, _, _ =	vpop (xrf0)  }
0xa5: {  	v10 =	vxor.u32 $0x80000000, v44;
	(xrf0) =	vmax.scan.msk.u32 $0xffff, v9;
	v45, _, _ =	vpop (xrf0)  }
0xa6: {  	(xrf0) =	vmax.scan.msk.u32 $0xffff, v10;
	v46 =	vxor.u32 $0x80000000, v45  }
0xa7: {  	(xrf0) =	vmax.scan.msk.u32 $0xffff, v46  }
0xa8: {  	v47, _, _ =	vpop (xrf0)  }
0xa9: {  	(v2sf) =	vpush v47, $0xF;
	v48, _, _ =	vpop (xrf0)  }
0xaa: {  	v11, _, _ =	vpop (xrf0);
	(v2sf) =	vpush v48, $0xF  }
0xab: {  	(v2sf) =	vpush v11, $0xF;
	v49, _, _ =	vpop (xrf0)  }
0xac: {  	s1 =	spop (v2sf);
	s13 =	sadd.s32 $0x80000000, s20;
	v51 =	vsel vm7, $0xFFFFFFFF, v0;
	v50, _, _ =	vpop (xrf0);
	(v2sf) =	vpush v49, $0xF  }
0xad: {  	s1 =	sadd.s32 s1, s21;
	v10 =	vadd.s32 s13, v51;
	(v2sf) =	vpush v50, $0xF;
	v52, _, _ =	vpop (xrf0)  }
0xae: {  	v53 =	vsel vm6, $0xFFFFFFFF, v0;
	s1 =	sadd.s32 $0x80000000, s1;
	v4 =	vadd.s32 v40, v10;
	(v2sf) =	vpush v52, $0xF  }
0xaf: {  	s12 =	sadd.s32 s12, s19;
	v54 =	vld [tilespmem:s22+$0x0];
	s20 =	spop (v2sf);
	v10 =	vadd.s32 s1, v53;
	v4 =	vsel vm7, v4, v2  }
0xb0: {  	s12 =	sadd.s32 $0x80000000, s12;
	v55 =	vsel vm4, $0xFFFFFFFF, v0;
	s25 =	spop (v2sf);
	v5 =	vadd.s32 v42, v10  }
0xb1: {  	s16 =	sadd.s32 s25, s16;
	v10 =	vadd.s32 s12, v55;
	v5 =	vsel vm6, v5, v2  }
0xb2: {  	v12 =	vsel vm1, $0xFFFFF2C0, v0;
	v56 =	vsel vm5, $0xFFFFFFFF, v0;
	s21 =	spop (v2sf);
	s16 =	sadd.s32 $0x80000000, s16;
	v6 =	vadd.s32 v6, v10  }
0xb3: {  	v12 =	vsel vm0, $0xFFFFE580, v12;
	s15 =	sadd.s32 s21, s15;
	v10 =	vadd.s32 s16, v56;
	v6 =	vsel vm4, v6, v2  }
0xb4: {  	v3 =	vadd.s32 v3, v12;
	v57 =	vsel vm15, $0xFFFFFFFF, v0;
	s15 =	sadd.s32 $0x80000000, s15;
	v8 =	vadd.s32 v44, v10;
	[tilespmem:v4+s30+$0x0] =	vst.idx.msk $0xffff, v54  }
0xb5: {  	s14 =	sadd.s32 s20, s14;
	v59 =	vadd.s32 s15, v57;
	v58 =	vsel vm5, v8, v2;
	[tilespmem:v4+s31+$0x0] =	vst.idx.msk $0xffff, v3  }
0xb6: {  	v60 =	vsel vm14, $0xFFFFFFFF, v0;
	s14 =	sadd.s32 $0x80000000, s14;
	v8 =	vadd.s32 v45, v59;
	[tilespmem:v5+s9+$0x0] =	vst.idx.msk $0xffff, v54  }
0xb7: {  	v61 =	vadd.s32 s14, v60;
	v62 =	vsel vm15, v8, v2;
	[tilespmem:v5+s0+$0x0] =	vst.idx.msk $0xffff, v3  }
0xb8: {  	v7 =	vadd.s32 v43, v61;
	[tilespmem:v6+s3+$0x0] =	vst.idx.msk $0xffff, v54;
	s22 =	spop (v2sf)  }
0xb9: {  	s18 =	sadd.s32 $0x1, s18;
	v63 =	vsel vm14, v7, v2;
	[tilespmem:v6+s4+$0x0] =	vst.idx.msk $0xffff, v3;
	s20 =	spop (v2sf)  }
0xba: {  	p0 =	sne.s32 s18, $0x5;
	[tilespmem:v58+s5+$0x0] =	vst.idx.msk $0xffff, v54;
	s13 =	sadd.s32 s22, s13;
	s25 =	spop (v2sf)  }
.Ltmp2:
0xbb: {  	[tilespmem:v58+s6+$0x0] =	vst.idx.msk $0xffff, v3;
	s20 =	sadd.s32 s20, s12;
	s22 =	spop (v2sf);
	(pc) =	sbr.rel @p0 .LBB2_4-.Ltmp2, $4  }
0xbc: {  	[tilespmem:v62+s7+$0x0] =	vst.idx.msk $0xffff, v54;
	s12 =	sadd.s32 $0x80000000, s13;
	s1 =	sadd.s32 s25, s1;
	s25 =	spop (v2sf)  }
0xbd: {  	[tilespmem:v62+s8+$0x0] =	vst.idx.msk $0xffff, v3;
	s19 =	sadd.s32 s22, s14;
	s21 =	sadd.s32 $0x80000000, s1;
	s22 =	spop (v2sf)  }
0xbe: {  	[tilespmem:v63+s10+$0x0] =	vst.idx.msk $0xffff, v54;
	s16 =	sadd.s32 s25, s16;
	s14 =	sadd.s32 $0x80000000, s19;
	s25 =	sadd.s32 s22, s15  }
0xbf: {  	[tilespmem:v63+s11+$0x0] =	vst.idx.msk $0xffff, v3;
	s19 =	sadd.s32 $0x80000000, s20;
	s16 =	sadd.s32 $0x80000000, s16;
	s15 =	sadd.s32 $0x80000000, s25  }
0xc0: {  	s1 =	rddreg [dreg:$0x4];
	s13 =	simm.s32 $0x0;
	s22 =	sadd.s32 $0x7F, s12  }
0xc1: {  	[hbm4b:s1+s13] =	stream.linear.scatter [tilespmem:s30], [sflag:$0x1], $0x2800, $0x38;
	[tilespmem:$0x1FE80] =	vst v63  }
0xc2: {  	s12 =	sand.u32 $0x7F, s22  }
0xc3: {  	s25 =	sshra.s32 s22, $0x1F;
	p1 =	slt.s32 s22, $0x1;
	_ =	swait.ge [sflag:s26], $0x2800  }
0xc4: {  	p0 =	sne.s32 s12, $0x0;
	s12 =	sshrl.u32 s25, $0x19;
	[sflag:s26] =	ssyncset.done $0x0  }
0xc5: {  	s20 =	rddreg [dreg:$0x5];
	p0 =	por !p1, !p0;
	s1 =	sadd.s32 s12, s22  }
0xc6: {  	s12 =	simm.s32 $0x1;
	[sflag:s26] =	ssyncadd.s32 $0xFFFFD800;
	p0 =	por !p0, !p0  }
0xc7: {  	[hbm4b:s20+s13] =	stream.linear.scatter [tilespmem:s31], [sflag:$0x1], $0x2800, $0x38;
	[tilespmem:$0x1FE80] =	vst v63  }
0xc8: {  	s1 =	sshra.s32 s1, $0x7;
	s12 =	simm.s32 @!p0 $0x0;
	_ =	swait.ge [sflag:s26], $0x2800  }
0xc9: {  	s1 =	ssub.s32 s1, s12;
	[sflag:s26] =	ssyncset.done $0x0  }
0xca: {  	v3 =	vmov s1;
	[sflag:s26] =	ssyncadd.s32 $0xFFFFD800  }
0xcb: {  	s17 =	simm.s32 $0x1FE00;
	s21 =	sadd.s32 $0x7F, s21;
	s12 =	rddreg [dreg:$0x10];
	[tilespmem:$0x1FE00] =	vst v3  }
0xcc: {  	[hbm4b:s12+s13] =	stream.linear.scatter [tilespmem:s17], [sflag:$0x1], $0x10, $0x38;
	[tilespmem:$0x1FE80] =	vst v63  }
0xcd: {  	p4 =	slt.s32 s21, $0x1;
	_ =	swait.ge [sflag:s26], $0x10  }
0xce: {  	s25 =	sshra.s32 s21, $0x1F;
	s22 =	sand.u32 $0x7F, s21;
	[sflag:s26] =	ssyncset.done $0x0  }
0xcf: {  	p3 =	sne.s32 s22, $0x0;
	s18 =	rddreg [dreg:$0x6];
	[sflag:s26] =	ssyncadd.s32 $0xFFFFFFF0  }
0xd0: {  	[hbm4b:s18+s13] =	stream.linear.scatter [tilespmem:s9], [sflag:$0x1], $0x2800, $0x38;
	[tilespmem:$0x1FE80] =	vst v63  }
0xd1: {  	p0 =	por !p4, !p3;
	s12 =	sshrl.u32 s25, $0x19;
	_ =	swait.ge [sflag:s26], $0x2800  }
0xd2: {  	p0 =	por !p0, !p0;
	s1 =	sadd.s32 s12, s21;
	[sflag:s26] =	ssyncset.done $0x0  }
0xd3: {  	s12 =	simm.s32 $0x1;
	s20 =	rddreg [dreg:$0x7];
	[sflag:s26] =	ssyncadd.s32 $0xFFFFD800  }
0xd4: {  	[hbm4b:s20+s13] =	stream.linear.scatter [tilespmem:s0], [sflag:$0x1], $0x2800, $0x38;
	[tilespmem:$0x1FE80] =	vst v63  }
0xd5: {  	s1 =	sshra.s32 s1, $0x7;
	s12 =	simm.s32 @!p0 $0x0;
	_ =	swait.ge [sflag:s26], $0x2800  }
0xd6: {  	s1 =	ssub.s32 s1, s12;
	[sflag:s26] =	ssyncset.done $0x0  }
0xd7: {  	v3 =	vmov s1;
	[sflag:s26] =	ssyncadd.s32 $0xFFFFD800  }
0xd8: {  	s22 =	sadd.s32 $0x7F, s19;
	s18 =	rddreg [dreg:$0x11];
	[tilespmem:$0x1FE00] =	vst v3  }
0xd9: {  	[hbm4b:s18+s13] =	stream.linear.scatter [tilespmem:s17], [sflag:$0x1], $0x10, $0x38;
	[tilespmem:$0x1FE80] =	vst v63  }
0xda: {  	s25 =	sand.u32 $0x7F, s22;
	_ =	swait.ge [sflag:s26], $0x10  }
0xdb: {  	p6 =	slt.s32 s22, $0x1;
	p5 =	sne.s32 s25, $0x0;
	[sflag:s26] =	ssyncset.done $0x0  }
0xdc: {  	s18 =	sshra.s32 s22, $0x1F;
	s20 =	rddreg [dreg:$0x8];
	[sflag:s26] =	ssyncadd.s32 $0xFFFFFFF0  }
0xdd: {  	[hbm4b:s20+s13] =	stream.linear.scatter [tilespmem:s3], [sflag:$0x1], $0x2800, $0x38;
	[tilespmem:$0x1FE80] =	vst v63  }
0xde: {  	p0 =	por !p6, !p5;
	s12 =	sshrl.u32 s18, $0x19;
	_ =	swait.ge [sflag:s26], $0x2800  }
0xdf: {  	p0 =	por !p0, !p0;
	s1 =	sadd.s32 s12, s22;
	[sflag:s26] =	ssyncset.done $0x0  }
0xe0: {  	s12 =	simm.s32 $0x1;
	s21 =	rddreg [dreg:$0x9];
	[sflag:s26] =	ssyncadd.s32 $0xFFFFD800  }
0xe1: {  	[hbm4b:s21+s13] =	stream.linear.scatter [tilespmem:s4], [sflag:$0x1], $0x2800, $0x38;
	[tilespmem:$0x1FE80] =	vst v63  }
0xe2: {  	s1 =	sshra.s32 s1, $0x7;
	s12 =	simm.s32 @!p0 $0x0;
	_ =	swait.ge [sflag:s26], $0x2800  }
0xe3: {  	s1 =	ssub.s32 s1, s12;
	[sflag:s26] =	ssyncset.done $0x0  }
0xe4: {  	v3 =	vmov s1;
	[sflag:s26] =	ssyncadd.s32 $0xFFFFD800  }
0xe5: {  	s22 =	sadd.s32 $0x7F, s16;
	s19 =	rddreg [dreg:$0x12];
	[tilespmem:$0x1FE00] =	vst v3  }
0xe6: {  	[hbm4b:s19+s13] =	stream.linear.scatter [tilespmem:s17], [sflag:$0x1], $0x10, $0x38;
	[tilespmem:$0x1FE80] =	vst v63  }
0xe7: {  	s25 =	sand.u32 $0x7F, s22;
	_ =	swait.ge [sflag:s26], $0x10  }
0xe8: {  	s16 =	sshra.s32 s22, $0x1F;
	p2 =	slt.s32 s22, $0x1;
	[sflag:s26] =	ssyncset.done $0x0  }
0xe9: {  	p1 =	sne.s32 s25, $0x0;
	s20 =	rddreg [dreg:$0xa];
	[sflag:s26] =	ssyncadd.s32 $0xFFFFFFF0  }
0xea: {  	[hbm4b:s20+s13] =	stream.linear.scatter [tilespmem:s5], [sflag:$0x1], $0x2800, $0x38;
	[tilespmem:$0x1FE80] =	vst v63  }
0xeb: {  	s12 =	sshrl.u32 s16, $0x19;
	p0 =	por !p2, !p1;
	_ =	swait.ge [sflag:s26], $0x2800  }
0xec: {  	s1 =	sadd.s32 s12, s22;
	s12 =	simm.s32 $0x1;
	[sflag:s26] =	ssyncset.done $0x0  }
0xed: {  	p0 =	por !p0, !p0;
	s21 =	rddreg [dreg:$0xb];
	[sflag:s26] =	ssyncadd.s32 $0xFFFFD800  }
0xee: {  	[hbm4b:s21+s13] =	stream.linear.scatter [tilespmem:s6], [sflag:$0x1], $0x2800, $0x38;
	[tilespmem:$0x1FE80] =	vst v63  }
0xef: {  	s1 =	sshra.s32 s1, $0x7;
	s12 =	simm.s32 @!p0 $0x0;
	_ =	swait.ge [sflag:s26], $0x2800  }
0xf0: {  	s1 =	ssub.s32 s1, s12;
	[sflag:s26] =	ssyncset.done $0x0  }
0xf1: {  	v3 =	vmov s1;
	[sflag:s26] =	ssyncadd.s32 $0xFFFFD800  }
0xf2: {  	s21 =	sadd.s32 $0x7F, s15;
	s18 =	rddreg [dreg:$0x13];
	[tilespmem:$0x1FE00] =	vst v3  }
0xf3: {  	[hbm4b:s18+s13] =	stream.linear.scatter [tilespmem:s17], [sflag:$0x1], $0x10, $0x38;
	[tilespmem:$0x1FE80] =	vst v63  }
0xf4: {  	s22 =	sand.u32 $0x7F, s21;
	_ =	swait.ge [sflag:s26], $0x10  }
0xf5: {  	s25 =	sshra.s32 s21, $0x1F;
	p4 =	slt.s32 s21, $0x1;
	[sflag:s26] =	ssyncset.done $0x0  }
0xf6: {  	p3 =	sne.s32 s22, $0x0;
	s19 =	rddreg [dreg:$0xc];
	[sflag:s26] =	ssyncadd.s32 $0xFFFFFFF0  }
0xf7: {  	[hbm4b:s19+s13] =	stream.linear.scatter [tilespmem:s7], [sflag:$0x1], $0x2800, $0x38;
	[tilespmem:$0x1FE80] =	vst v63  }
0xf8: {  	s12 =	sshrl.u32 s25, $0x19;
	p0 =	por !p4, !p3;
	_ =	swait.ge [sflag:s26], $0x2800  }
0xf9: {  	s1 =	sadd.s32 s12, s21;
	s12 =	simm.s32 $0x1;
	[sflag:s26] =	ssyncset.done $0x0  }
0xfa: {  	p0 =	por !p0, !p0;
	s20 =	rddreg [dreg:$0xd];
	[sflag:s26] =	ssyncadd.s32 $0xFFFFD800  }
0xfb: {  	[hbm4b:s20+s13] =	stream.linear.scatter [tilespmem:s8], [sflag:$0x1], $0x2800, $0x38;
	[tilespmem:$0x1FE80] =	vst v63  }
0xfc: {  	s1 =	sshra.s32 s1, $0x7;
	s12 =	simm.s32 @!p0 $0x0;
	_ =	swait.ge [sflag:s26], $0x2800  }
0xfd: {  	s1 =	ssub.s32 s1, s12;
	[sflag:s26] =	ssyncset.done $0x0  }
0xfe: {  	v3 =	vmov s1;
	[sflag:s26] =	ssyncadd.s32 $0xFFFFD800  }
0xff: {  	s18 =	sadd.s32 $0x7F, s14;
	s12 =	rddreg [dreg:$0x14];
	[tilespmem:$0x1FE00] =	vst v3  }
0x100: {  	[hbm4b:s12+s13] =	stream.linear.scatter [tilespmem:s17], [sflag:$0x1], $0x10, $0x38;
	[tilespmem:$0x1FE80] =	vst v63  }
0x101: {  	s19 =	sand.u32 $0x7F, s18;
	_ =	swait.ge [sflag:s26], $0x10  }
0x102: {  	p6 =	slt.s32 s18, $0x1;
	p5 =	sne.s32 s19, $0x0;
	[sflag:s26] =	ssyncset.done $0x0  }
0x103: {  	s20 =	sshra.s32 s18, $0x1F;
	s15 =	rddreg [dreg:$0xe];
	[sflag:s26] =	ssyncadd.s32 $0xFFFFFFF0  }
0x104: {  	[hbm4b:s15+s13] =	stream.linear.scatter [tilespmem:s10], [sflag:$0x1], $0x2800, $0x38;
	[tilespmem:$0x1FE80] =	vst v63  }
0x105: {  	p0 =	por !p6, !p5;
	s12 =	sshrl.u32 s20, $0x19;
	_ =	swait.ge [sflag:s26], $0x2800  }
0x106: {  	p0 =	por !p0, !p0;
	s1 =	sadd.s32 s12, s18;
	[sflag:s26] =	ssyncset.done $0x0  }
0x107: {  	s12 =	simm.s32 $0x1;
	s16 =	rddreg [dreg:$0xf];
	[sflag:s26] =	ssyncadd.s32 $0xFFFFD800  }
0x108: {  	[hbm4b:s16+s13] =	stream.linear.scatter [tilespmem:s11], [sflag:$0x1], $0x2800, $0x38;
	[tilespmem:$0x1FE80] =	vst v63  }
0x109: {  	s1 =	sshra.s32 s1, $0x7;
	s12 =	simm.s32 @!p0 $0x0;
	_ =	swait.ge [sflag:s26], $0x2800  }
0x10a: {  	s1 =	ssub.s32 s1, s12;
	[sflag:s26] =	ssyncset.done $0x0  }
0x10b: {  	v3 =	vmov s1;
	[sflag:s26] =	ssyncadd.s32 $0xFFFFD800  }
0x10c: {  	s21 =	rddreg [dreg:$0x15];
	[tilespmem:$0x1FE00] =	vst v3  }
0x10d: {  	[hbm4b:s21+s13] =	stream.linear.scatter [tilespmem:s17], [sflag:$0x1], $0x10, $0x38;
	[tilespmem:$0x1FE80] =	vst v63  }
0x10e: {  	_ =	swait.ge [sflag:s26], $0x10  }
0x10f: {  	s22 =	rddreg [dreg:$0x17]  }
0x110: {  	s25 =	rddreg [dreg:$0x16];
	s12 =	sadd.s32 $0x1, s22  }
0x111: {  	p0 =	sne.s32 s12, s25  }
.Ltmp3:
0x112: {  	_ = 	snop;
	(pc) =	sbr.rel @p0 .LBB2_1-.Ltmp3, $3  }
0x113: {  	_ =	sdelay $0x1  }
0x114: {  	[sflag:s26] =	ssyncset.done $0x0  }
0x115: {  	[sflag:s26] =	ssyncadd.s32 $0xFFFFFFF0  }
0x116: {  	_ =	sfence.sel $0x180000  }
0x117: {  	[bflag:$0x0] =	sbarrier.arrive $0xFFFF  }
0x118: {  	_ =	strace $0x90000047  }
0x119: {  	s0 =	stileid.u32;
	[bflag:$0x2] =	sbarrier.arrive $0xFFFF  }
0x11a: {  	p0 =	sne.s32 s0, $0x0;
	s0 =	rddreg [dreg:$0x3]  }
0x11b: {  	s0 =	sadd.s32 @!p0 $0x100000, s0  }
0x11c: {  	[sflag:s0] =	ssyncadd.tile.s32 @!p0 $0x1;
	_ =	shalt  }
.Lfunc_end2:
_tile_overlayer_lowered:
.L_overlay_start_2:
0x11d: {  	(tag) =	ssettag $0x2  }
0x11e: {  	s0 =	rddreg [dreg:$0x0];
	s2 =	stileid.u32  }
0x11f: {  	s1 =	rddreg [dreg:$0x1];
	p0 =	sne.s32 s2, $0x0  }
0x120: {  	s3 =	rddreg [dreg:$0x2];
	[bflag:$0x3] =	sbarrier.arrive $0xFFFF;
	s2 =	simm.s32 @!p0 $0x1C01  }
0x121: {  	[timem:s3], [sflag:s2] =	dma.local @!p0 [hbm:s0], s1  }
0x122: {  	s0 =	simm.s32 @!p0 $0x1  }
0x123: {  	_ =	swait.ge @!p0 [sflag:s0], s1  }
0x124: {  	s1 =	ssub.s32 @!p0 $0x0, s1;
	[sflag:s0] =	ssyncset.done @!p0 $0x0  }
0x125: {  	[sflag:s0] =	ssyncadd.s32 @!p0 s1  }
0x126: {  	[bflag:$0x3] =	sbarrier.arrive $0xFFFF  }
0x127: {  	_ =	shalt  }

// kernel: sc_accumulate_h0.3.cloned.1.call-start
scs
__scs_entry_jumppad:
0x0: {  	(pc) =	sbr.rel $0x88, $3  }
0x1: {  	(tag) =	ssettag $0x0;
	lr =	simm.s32 $0x1  }
0x2: {  	[smem:$0x3F9C] =	sst lr;
	_ =	strace $0xD0000000  }
0x3: {  	_ = 	snop  }
0x4: {  	_ = 	snop  }
0x5: {  	_ = 	snop  }
0x6: {  	_ = 	snop  }
0x7: {  	_ = 	snop  }
__scs_overlays_trampoline_lowered:
0x8: {  	[smem:$0x3FAB] =	sst s0  }
0x9: {  	[smem:$0x3FAC] =	sst s1  }
0xa: {  	[smem:$0x3FAD] =	sst s2  }
0xb: {  	[smem:$0x3FAE] =	sst s3  }
0xc: {  	[smem:$0x3FAF] =	sst s4  }
0xd: {  	[smem:$0x3FB0] =	sst s5  }
0xe: {  	[smem:$0x3FB1] =	sst s6  }
0xf: {  	[smem:$0x3FB2] =	sst s7  }
0x10: {  	[smem:$0x3FB3] =	sst s8  }
0x11: {  	[smem:$0x3FB4] =	sst s9;
	s0 =	simm.s32 @!p0 $0x0  }
0x12: {  	s1 =	sld [smem:$0x3F9A];
	s0 =	simm.s32 @p0 $0x1  }
0x13: {  	[smem:$0x3FB5] =	sst s0;
	s0 =	simm.s32 @!p1 $0x0  }
0x14: {  	s2 =	sld [smem:$0x3F99];
	s0 =	simm.s32 @p1 $0x1  }
0x15: {  	[smem:$0x3FB6] =	sst s0;
	s0 =	simm.s32 @!p2 $0x0  }
0x16: {  	s3 =	sld [smem:$0x3FDB];
	s0 =	simm.s32 @p2 $0x1  }
0x17: {  	s4 =	simm.s32 $0x1BF5;
	[smem:$0x3FB8] =	sst s0  }
0x18: {  	s0 =	sld [smem:$0x3F9B];
	_ =	swait.ge [sflag:s4], $0x0  }
0x19: {  	s7 =	sld [smem:$0x3F9C]  }
0x1a: {  	s8 =	sadd.s32 $0xFFFFE003, lr  }
0x1b: {  	s9 =	sadd.s32 $0xFFFFFEF7, lr;
	s5 =	simm.s32 $0xFFFFFFFF;
	p2 =	slt.u32 s8, $0xFFFFF086  }
0x1c: {  	p1 =	slt.u32 s9, $0xF7A;
	s5 =	simm.s32 @!p2 $0x0  }
0x1d: {  	s5 =	simm.s32 @p1 $0x1;
	p0 =	seq.s32 s7, s2  }
0x1e: {  	s7 =	smul.u32 @!p0 $0xF7A, s2;
	p2 =	seq.s32 @!p0 s5, $0x0  }
0x1f: {  	s9 =	smul.u32 $0xF7A, s1;
	s8 =	simm.s32 @!p0 $0x1BF5;
	p2 =	por !p2, p0  }
0x20: {  	[sflag:s8] =	ssyncset.s32 @!p0 $0xFFFFF086;
	s6 =	sadd.s32 @!p0 s3, s7;
	s7 =	simm.s32 @!p0 $0x108  }
0x21: {  	s3 =	sadd.s32 s3, s9;
	s6 =	sadd.s32 @!p0 $0x88, s6;
	s7 =	simm.s32 @p2 $0x1082  }
0x22: {  	[simem:s7], [sflag:s8] =	dma.local @!p0 [hbm:s6], $0xF7A  }
0x23: {  	s9 =	sor.u32 $0xD0000000, s2;
	s6 =	simm.s32 $0x108;
	_ =	swait.ge @!p0 [sflag:s8], $0x0  }
0x24: {  	s3 =	sadd.s32 $0x88, s3;
	s6 =	simm.s32 @!p1 $0x1082;
	[sflag:s4] =	ssyncset.s32 $0xFFFFF086  }
0x25: {  	[simem:s6], [sflag:s4] =	dma.local [hbm:s3], $0xF7A  }
0x26: {  	[smem:$0x3F9C] =	sst s1;
	(tag) =	ssettag s2;
	_ =	strace s9  }
0x27: {  	s1 =	sld [smem:$0x3FAC]  }
0x28: {  	s2 =	sld [smem:$0x3FAD]  }
0x29: {  	s4 =	sld [smem:$0x3FAF]  }
0x2a: {  	p0 =	seq.s32 s5, $0x0;
	s5 =	sld [smem:$0x3FB0]  }
0x2b: {  	s6 =	sld [smem:$0x3FB1]  }
0x2c: {  	s7 =	sld [smem:$0x3FB2]  }
0x2d: {  	s3 =	simm.s32 $0x108;
	s8 =	sld [smem:$0x3FB3]  }
0x2e: {  	s3 =	simm.s32 @!p0 $0x1082;
	s9 =	sld [smem:$0x3FB4]  }
0x2f: {  	lr =	sadd.s32 s0, s3;
	s0 =	sld [smem:$0x3FAB]  }
0x30: {  	s3 =	sld [smem:$0x3FAE]  }
0x31: {  	[smem:$0x3FB7] =	sst s10  }
0x32: {  	s10 =	sld [smem:$0x3FB5];
	_ =	sdelay $0x3  }
0x33: {  	p0 =	seq.s32 s10, $0x1;
	s10 =	sld [smem:$0x3FB7];
	_ =	sdelay $0x3  }
0x34: {  	[smem:$0x3FB7] =	sst s10  }
0x35: {  	s10 =	sld [smem:$0x3FB6];
	_ =	sdelay $0x3  }
0x36: {  	p1 =	seq.s32 s10, $0x1;
	s10 =	sld [smem:$0x3FB7];
	_ =	sdelay $0x3  }
0x37: {  	[smem:$0x3FB7] =	sst s10  }
0x38: {  	s10 =	sld [smem:$0x3FB8]  }
0x39: {  	_ = 	snop;
	(pc) =	sbr.ind lr, $3  }
0x3a: {  	_ = 	snop  }
0x3b: {  	_ = 	snop  }
0x3c: {  	p2 =	seq.s32 s10, $0x1;
	s10 =	sld [smem:$0x3FB7]  }
0x3d: {  	_ =	shalt  }
0x3e: {  	_ =	shalt  }
0x3f: {  	_ =	shalt  }
0x40: {  	_ =	shalt  }
0x41: {  	_ =	shalt  }
0x42: {  	_ =	shalt  }
0x43: {  	_ =	shalt  }
0x44: {  	_ =	shalt  }
0x45: {  	_ =	shalt  }
0x46: {  	_ =	shalt  }
0x47: {  	_ =	shalt  }
0x48: {  	_ =	shalt  }
0x49: {  	_ =	shalt  }
0x4a: {  	_ =	shalt  }
0x4b: {  	_ =	shalt  }
0x4c: {  	_ =	shalt  }
0x4d: {  	_ =	shalt  }
0x4e: {  	_ =	shalt  }
0x4f: {  	_ =	shalt  }
0x50: {  	_ =	shalt  }
0x51: {  	_ =	shalt  }
0x52: {  	_ =	shalt  }
0x53: {  	_ =	shalt  }
0x54: {  	_ =	shalt  }
0x55: {  	_ =	shalt  }
0x56: {  	_ =	shalt  }
0x57: {  	_ =	shalt  }
0x58: {  	_ =	shalt  }
0x59: {  	_ =	shalt  }
0x5a: {  	_ =	shalt  }
0x5b: {  	_ =	shalt  }
0x5c: {  	_ =	shalt  }
0x5d: {  	_ =	shalt  }
0x5e: {  	_ =	shalt  }
0x5f: {  	_ =	shalt  }
0x60: {  	_ =	shalt  }
0x61: {  	_ =	shalt  }
0x62: {  	_ =	shalt  }
0x63: {  	_ =	shalt  }
0x64: {  	_ =	shalt  }
0x65: {  	_ =	shalt  }
0x66: {  	_ =	shalt  }
0x67: {  	_ =	shalt  }
0x68: {  	_ =	shalt  }
0x69: {  	_ =	shalt  }
0x6a: {  	_ =	shalt  }
0x6b: {  	_ =	shalt  }
0x6c: {  	_ =	shalt  }
0x6d: {  	_ =	shalt  }
0x6e: {  	_ =	shalt  }
0x6f: {  	_ =	shalt  }
0x70: {  	_ =	shalt  }
0x71: {  	_ =	shalt  }
0x72: {  	_ =	shalt  }
0x73: {  	_ =	shalt  }
0x74: {  	_ =	shalt  }
0x75: {  	_ =	shalt  }
0x76: {  	_ =	shalt  }
0x77: {  	_ =	shalt  }
0x78: {  	_ =	shalt  }
0x79: {  	_ =	shalt  }
0x7a: {  	_ =	shalt  }
0x7b: {  	_ =	shalt  }
0x7c: {  	_ =	shalt  }
0x7d: {  	_ =	shalt  }
0x7e: {  	_ =	shalt  }
0x7f: {  	_ =	shalt  }
0x80: {  	_ =	shalt  }
0x81: {  	_ =	shalt  }
0x82: {  	_ =	shalt  }
0x83: {  	_ =	shalt  }
0x84: {  	_ =	shalt  }
0x85: {  	_ =	shalt  }
0x86: {  	_ =	shalt  }
0x87: {  	_ =	shalt  }
.Lfunc_end0:
.L_simem_size_0:
called_computation.1_lowered:
.L_overlay_start_0:
0x88: {  	s2 =	sld [smem:$0x3FD9]  }
0x89: {  	s3 =	sld [smem:$0x3FFE];
	_ =	sdelay $0x1  }
0x8a: {  	s1 =	srdreg.scid  }
0x8b: {  	s0 =	sand.u32 $0x1, s1  }
0x8c: {  	s17 =	sshll.u32 s0, $0xA;
	s2 =	sadd.s32 s3, s2  }
0x8d: {  	s2 =	sadd.s32 s2, s17  }
0x8e: {  	[smem:$0x3FC3] =	sst s2  }
0x8f: {  	_ = 	snop  }
0x90: {  	s4 =	sld [smem:$0x3FC9]  }
0x91: {  	s18 =	sld [smem:$0x3FD0];
	(tm) =	ssettm $0x1  }
0x92: {  	s19 =	sld [smem:$0x3FFB];
	_ =	sdelay $0x3  }
0x93: {  	_ =	strace s19  }
0x94: {  	s2 =	sld [smem:$0x3FFC];
	_ =	sdelay $0x3  }
0x95: {  	_ =	strace s2  }
0x96: {  	s2 =	sld [smem:$0x3FFD];
	_ =	sdelay $0x3  }
0x97: {  	_ =	strace s2  }
0x98: {  	_ =	strace $0x8FFFFFFF  }
0x99: {  	s20 =	sld [smem:$0x3FDB];
	_ =	sdelay $0x1  }
0x9a: {  	s5 =	simm.s32 $_scs_section_size  }
0x9b: {  	s6 =	simm.s32 $_size__tile_overlayer_lowered;
	s7 =	simm.s32 $_tile_overlayer_lowered  }
0x9c: {  	s8 =	simm.s32 $0x1BFF;
	s21 =	sshll.u32 s7, $0x1;
	s5 =	sadd.s32 s5, s20  }
0x9d: {  	s22 =	simm.s32 $0x0;
	s6 =	sshll.u32 s6, $0x1;
	s7 =	sadd.s32 s21, s5  }
0x9e: {  	[timem:s22], [sflag:s8] =	dma.local [hbm:s7], s6  }
0x9f: {  	_ =	swait.ge [sflag:s8], s6  }
0xa0: {  	s6 =	ssub.s32 $0x0, s6;
	[sflag:s8] =	ssyncset.done $0x0  }
0xa1: {  	[sflag:s8] =	ssyncadd.s32 s6;
	_ =	sdelay $0x1  }
0xa2: {  	s23 =	simm.s32 $0x1B8B  }
0xa3: {  	_ =	swait.ge [sflag:s23], $0x1  }
0xa4: {  	[sflag:s23] =	ssyncset.done $0x0  }
0xa5: {  	[sflag:s23] =	ssyncadd.s32 $0xFFFFFFFF  }
0xa6: {  	s6 =	sld [smem:$0x0]  }
0xa7: {  	s7 =	sand.u32 $0xFFFFFFFE, s1  }
0xa8: {  	p0 =	sne.s32 s1, s7  }
0xa9: {  	s7 =	sshll.u32 @p0 s7, $0xE  }
0xaa: {  	s7 =	sadd.s32 @p0 $0x11B8D, s7;
	s8 =	sshll.u32 @p0 s6, $0x11  }
0xab: {  	s7 =	sor.u32 @p0 s8, s7  }
0xac: {  	[sflag:s7] =	ssyncadd.remote.s32 @p0 $0x1;
	_ =	sdelay $0x1  }
0xad: {  	s7 =	simm.s32 @p0 $0x1B8D  }
0xae: {  	_ =	swait.eq @p0 [sflag:s7], $0x1  }
0xaf: {  	[sflag:s7] =	ssyncadd.s32 @p0 $0xFFFFFFFF  }
0xb0: {  	s8 =	sshll.u32 @!p0 s1, $0xE  }
0xb1: {  	s8 =	sor.u32 @!p0 $0x4000, s8;
	s7 =	simm.s32 @!p0 $0x1B8D  }
0xb2: {  	s6 =	sshll.u32 @!p0 s6, $0x11;
	s8 =	sadd.s32 @!p0 $0x11B8D, s8;
	_ =	swait.eq @!p0 [sflag:s7], $0x1  }
0xb3: {  	s6 =	sor.u32 @!p0 s6, s8;
	[sflag:s7] =	ssyncadd.s32 @!p0 $0xFFFFFFFF  }
0xb4: {  	s25 =	simm.s32 $0x1B8E;
	s24 =	sld [smem:$0x3FFE];
	[sflag:s6] =	ssyncadd.remote.s32 @!p0 $0x1  }
0xb5: {  	s26 =	simm.s32 $execute0_lowered;
	[smem:$0x3FD2] =	sst s25  }
0xb6: {  	s7 =	sshll.u32 s26, $0x1;
	_ =	strace $0x8000004F;
	[dreg:$0x1] =	wrdreg $0xFFFFFFFF  }
0xb7: {  	s28 =	simm.s32 $_size_execute0_lowered;
	s5 =	sadd.s32 s5, s7;
	[dreg:$0x0] =	wrdreg $0x0  }
0xb8: {  	s7 =	sshll.u32 s28, $0x1;
	[dreg:$0x2] =	wrdreg s5  }
0xb9: {  	[dreg:$0x3] =	wrdreg s7  }
0xba: {  	[dreg:$0x4] =	wrdreg $0xC0  }
0xbb: {  	_ =	task [dreg:s22], $0x5FFFF  }
0xbc: {  	[dreg:$0x1] =	wrdreg $0xFFFFFFFF  }
0xbd: {  	[dreg:$0x0] =	wrdreg $0x60  }
0xbe: {  	[dreg:$0x2] =	wrdreg s4  }
0xbf: {  	[dreg:$0x3] =	wrdreg s24  }
0xc0: {  	[dreg:$0x4] =	wrdreg s18  }
0xc1: {  	[dreg:$0x5] =	wrdreg $0x119800  }
0xc2: {  	[dreg:$0x6] =	wrdreg $0x9  }
0xc3: {  	_ =	task.clear_ibuf [dreg:s22], $0x7FFFF;
	_ =	strace $0x9000004F  }
0xc4: {  	s29 =	simm.s32 $0x9;
	_ =	strace $0x80000051  }
0xc5: {  	_ =	swait.ge [sflag:s29], $0x1  }
0xc6: {  	[sflag:s29] =	ssyncadd.s32 $0xFFFFFFFF  }
0xc7: {  	_ =	strace $0x90000051  }
0xc8: {  	_ =	sfence  }
0xc9: {  	s30 =	sld [smem:$0x0];
	_ =	sdelay $0x2  }
0xca: {  	s31 =	sshll.u32 s1, $0xD;
	s1 =	sshrl.u32 s1, $0x2  }
0xcb: {  	s4 =	sand.u32 $0x4000, s31;
	s1 =	sadd.s32 s1, s30  }
0xcc: {  	s0 =	sor.u32 s4, s0;
	s1 =	sshll.u32 s1, $0x11  }
0xcd: {  	s0 =	sor.u32 s1, s0  }
0xce: {  	s0 =	sadd.s32 $0x8F2B, s0  }
0xcf: {  	[sflag:s0] =	ssyncadd.remote.s32 $0x1  }
0xd0: {  	_ =	sfence.sel $0xFFFF  }
0xd1: {  	[dreg:$0x0] =	wrdreg $0xFFFFFFFF;
	(pc) =	sbr.abs _section_cstart, $3  }
0xd2: {  	[dreg:$0x1] =	wrdreg $0xFFFFFFFF  }
0xd3: {  	_ =	task.clear_ibuf [dreg:s22], $0x2FFFF;
	_ =	strace $0x9FFFFFFF  }
0xd4: {  	(tm) =	ssettm $0x7FFFFFFF  }
0xd5: {  	_ =	shalt  }
tec
execute0_lowered:
.L_overlay_start_1:
0x0: {  	(tag) =	ssettag $0x1  }
0x1: {  	s1 =	rddreg [dreg:$0x0]  }
0x2: {  	s8 =	rddreg [dreg:$0x1]  }
0x3: {  	s12 =	rddreg [dreg:$0x2]  }
0x4: {  	s2 =	rddreg [dreg:$0x3]  }
0x5: {  	s3 =	srdreg.scid;
	s0 =	rddreg [dreg:$0x4]  }
0x6: {  	s4 =	simm.s32 $0x0;
	s17 =	simm.s32 $0x80;
	s18 =	simm.s32 $0x1  }
0x7: {  	s19 =	simm.s32 $0x4180;
	s9 =	sand.u32 $0x1, s3;
	s3 =	stileid.u32  }
0x8: {  	s20 =	simm.s32 $0x0;
	[smem:$0x7FF] =	sst s4;
	s11 =	smul.u32 $0x1B000, s3  }
0x9: {  	s6 =	sadd.s32 $0x48800, s8;
	s7 =	sadd.s32 $0x84800, s8;
	s14 =	smul.u32 $0xD80, s3  }
0xa: {  	s5 =	sshll.u32 s9, $0x4;
	_ =	strace $0x80000050;
	s29 =	smul.u32 $0x60, s9  }
0xb: {  	s26 =	ssub.s32 $0x2, s9;
	s16 =	smul.u32 $0xD800, s9;
	s5 =	sor.u32 s3, s5  }
0xc: {  	s30 =	sshll.u32 s3, $0x1;
	s15 =	sshrl.u32 s26, $0x1;
	s10 =	smul.u32 $0x1B00, s5  }
.Ltmp0:
0xd: {  	s5 =	sadd.s32 $0xC800, s8;
	s28 =	sshrl.u32 s11, $0x2;
	(pc) =	sbr.rel .LBB2_1-.Ltmp0, $4  }
0xe: {  	s15 =	ssub.s32 s26, s15;
	s31 =	sadd.s32 s14, s16;
	s14 =	simm.s32 $0x100  }
0xf: {  	s16 =	simm.s32 $0x4100;
	s13 =	sadd.s32 s10, s8;
	s8 =	sadd.s32 s28, s2  }
0x10: {  	s12 =	sadd.s32 s12, s31;
	s10 =	sor.u32 s29, s30;
	s9 =	sadd.s32 $0x4000, s8  }
0x11: {  	v0 =	vimm.f32 $0.0e+00;
	v1 =	vlaneseq.u32;
	v2 =	vimm.f32 $1.000000000e+00;
	s11 =	sadd.s32 $0x126A00, s13;
	s13 =	smax.u32 s15, $0x1;
	s15 =	simm.s32 $0x2  }
.LBB2_10:
0x12: {  	[hbm4b:s11+s4] =	stream.linear.scatter [tilespmem:s19], [sflag:$0x2], $0xD800, $0x38;
	[tilespmem:$0x18580] =	vst v63  }
0x13: {  	_ =	swait.ge [sflag:s15], $0xD800  }
0x14: {  	s21 =	sshll.u32 s3, $0x6;
	s20 =	sadd.s32 $0x1, s20;
	[sflag:s15] =	ssyncset.done $0x0  }
0x15: {  	s22 =	sshrl.u32 s8, $0x3;
	p0 =	sne.s32 s20, s13;
	[sflag:s15] =	ssyncadd.s32 $0xFFFF2800  }
.Ltmp1:
0x16: {  	s21 =	sor.u32 $0x1C02, s21;
	[bflag:$0x0] =	sbarrier.arrive $0xFFFF;
	(pc) =	sbr.rel @!p0 .LBB2_11-.Ltmp1, $4  }
0x17: {  	[hbm:s12], [sflag:s21] =	dma.local [spmem:s22], $0xD80  }
0x18: {  	_ =	swait.ge [sflag:s15], $0xD80  }
0x19: {  	[sflag:s15] =	ssyncset.done $0x0  }
0x1a: {  	[sflag:s15] =	ssyncadd.s32 $0xFFFFF280  }
.LBB2_1:
0x1b: {  	s21 =	simm.s32 $0x0;
	s22 =	simm.s32 $0x200  }
.LBB2_2:
0x1c: {  	p0 =	sne.s32 s22, $0xFE00;
	[tilespmem:s21+$0x170] =	vst v0  }
0x1d: {  	[tilespmem:s21+$0x100] =	vst v0  }
0x1e: {  	[tilespmem:s21+$0x110] =	vst v0  }
.Ltmp2:
0x1f: {  	[tilespmem:s21+$0x120] =	vst v0;
	(pc) =	sbr.rel @p0 .LBB2_2-.Ltmp2, $4  }
0x20: {  	[tilespmem:s21+$0x130] =	vst v0  }
0x21: {  	[tilespmem:s21+$0x140] =	vst v0  }
0x22: {  	[tilespmem:s21+$0x150] =	vst v0  }
0x23: {  	[tilespmem:s21+$0x160] =	vst v0;
	s21 =	sshra.s32 s22, $0x2;
	s22 =	sadd.s32 $0x200, s22  }
0x24: {  	[tilespmem:s21+$0x170] =	vst v0  }
0x25: {  	[tilespmem:s21+$0x100] =	vst v0  }
0x26: {  	[tilespmem:s21+$0x110] =	vst v0  }
0x27: {  	[tilespmem:s21+$0x120] =	vst v0  }
0x28: {  	[tilespmem:s21+$0x130] =	vst v0  }
0x29: {  	[tilespmem:s21+$0x140] =	vst v0  }
0x2a: {  	[tilespmem:s21+$0x150] =	vst v0  }
0x2b: {  	[tilespmem:s21+$0x160] =	vst v0  }
0x2c: {  	[spmem:s8] =	stream.linear.scatter [tilespmem:s14], [sflag:$0x2], $0x4000, $0x38;
	[tilespmem:$0x18580] =	vst v63  }
0x2d: {  	_ =	swait.ge [sflag:s15], $0x4000  }
0x2e: {  	[sflag:s15] =	ssyncset.done $0x0  }
0x2f: {  	[sflag:s15] =	ssyncadd.s32 $0xFFFFC000  }
0x30: {  	[spmem:s9] =	stream.linear.scatter [tilespmem:s14], [sflag:$0x2], $0x2C00, $0x38;
	[tilespmem:$0x18580] =	vst v63  }
0x31: {  	_ =	swait.ge [sflag:s15], $0x2C00  }
0x32: {  	[sflag:s15] =	ssyncset.done $0x0  }
0x33: {  	s21 =	simm.s32 $0x40;
	s22 =	simm.s32 $0x0;
	[sflag:s15] =	ssyncadd.s32 $0xFFFFD400  }
.LBB2_4:
0x34: {  	p0 =	sne.s32 s21, $0x35FC0;
	[tilespmem:s22+$0x4180] =	vst v0;
	s22 =	smov.u32 s21;
	s21 =	sadd.s32 $0x40, s21  }
.Ltmp3:
0x35: {  	(pc) =	sbr.rel @p0 .LBB2_4-.Ltmp3, $2  }
0x36: {  	_ =	sdelay $0x2  }
0x37: {  	s22 =	sshra.s32 s22, $0x2  }
.Ltmp4:
0x38: {  	(pc) =	sbr.rel .LBB2_6-.Ltmp4, $4  }
0x39: {  	_ = 	snop  }
0x3a: {  	[tilespmem:s22+$0x4180] =	vst v0  }
0x3b: {  	[bflag:$0x0] =	sbarrier.arrive $0xFFFF  }
0x3c: {  	s22 =	simm.s32 $0x0;
	p1 =	por $0x1, $0x1  }
.LBB2_9:
.Ltmp5:
0x3d: {  	(pc) =	sbr.rel @!p0 .LBB2_10-.Ltmp5, $2  }
0x3e: {  	_ =	sdelay $0x2  }
0x3f: {  	s22 =	simm.s32 $0x1;
	p1 =	por $0x0, $0x0  }
.LBB2_6:
0x40: {  	s21 =	sor.u32 s10, s22  }
0x41: {  	s21 =	sshll.u32 s21, $0x1  }
0x42: {  	s21 =	sadd.s32 s7, s21  }
0x43: {  	[tilespmem:s16], [sflag:$0x2] =	stream.linear.gather [hbm4b:s21+s4], $0x10, $0x38;
	[tilespmem:$0x18580] =	vst v63  }
0x44: {  	_ =	swait.ge [sflag:s15], $0x10  }
0x45: {  	[sflag:s15] =	ssyncset.done $0x0  }
0x46: {  	[sflag:s15] =	ssyncadd.s32 $0xFFFFFFF0  }
0x47: {  	v3 =	vld [tilespmem:$0x4100];
	_ =	sdelay $0x4  }
0x48: {  	v3 =	vxor.u32 $0x80000000, v3  }
0x49: {  	(xrf0) =	vmax.scan.msk.u32 $0xffff, v3;
	_ =	sdelay $0x5  }
0x4a: {  	v3, _, _ =	vpop (xrf0)  }
0x4b: {  	(v2sf) =	vpush v3, $0xF;
	_ =	sdelay $0xe  }
0x4c: {  	s31 =	spop (v2sf)  }
0x4d: {  	s21 =	sxor.u32 $0x80000000, s31  }
0x4e: {  	p2 =	slt.s32 s21, $0x1  }
.Ltmp6:
0x4f: {  	_ = 	snop;
	(pc) =	sbr.rel @p2 .LBB2_9-.Ltmp6, $2  }
0x50: {  	_ =	sdelay $0x2  }
0x51: {  	p0 =	por p1, p1  }
0x52: {  	s22 =	sadd.s32 s22, s10  }
0x53: {  	s22 =	smul.u32 $0x500, s22  }
.LBB2_8:
0x54: {  	s23 =	sand.u32 $0x1FFFFFF0, s22  }
0x55: {  	s24 =	sadd.s32 s5, s23  }
0x56: {  	[tilespmem:s4], [sflag:$0x2] =	stream.linear.gather [hbm4b:s24+s4], $0x80, $0x38;
	[tilespmem:$0x18580] =	vst v63  }
0x57: {  	_ =	swait.ge [sflag:s15], $0x80  }
0x58: {  	[sflag:s15] =	ssyncset.done $0x0  }
0x59: {  	s23 =	sadd.s32 s6, s23;
	[sflag:s15] =	ssyncadd.s32 $0xFFFFFF80  }
0x5a: {  	[tilespmem:s17], [sflag:$0x2] =	stream.linear.gather [hbm4b:s23+s4], $0x80, $0x38;
	[tilespmem:$0x18580] =	vst v63  }
0x5b: {  	_ =	swait.ge [sflag:s15], $0x80  }
0x5c: {  	[sflag:s15] =	ssyncset.done $0x0  }
0x5d: {  	[sflag:s15] =	ssyncadd.s32 $0xFFFFFF80  }
0x5e: {  	[tilespmem:s14], [sflag:$0x1] =	stream.indirect.gather [hbm4b:s1+s17], $0x80, s4, s17, $0xb8;
	[tilespmem:$0x18580] =	vst v63  }
0x5f: {  	_ =	swait.ge [sflag:s18], $0x4000  }
0x60: {  	[sflag:s18] =	ssyncset.done $0x0  }
0x61: {  	[sflag:s18] =	ssyncadd.s32 $0xFFFFC000  }
0x62: {  	[spmem:s2] =	stream.indirect.scatter.add.f32 [tilespmem:s14], [sflag:$0x2], $0x80, s17, s17, $0xb8;
	[tilespmem:$0x18580] =	vst v63  }
0x63: {  	_ =	swait.ge [sflag:s15], $0x4000  }
0x64: {  	[sflag:s15] =	ssyncset.done $0x0  }
0x65: {  	[sflag:s15] =	ssyncadd.s32 $0xFFFFC000  }
0x66: {  	v3 =	vld [tilespmem:$0x80];
	_ =	sdelay $0x4  }
0x67: {  	v3 =	vshll.u32 v3, $0x4  }
0x68: {  	v3 =	vor.u32 v1, v3;
	_ =	sdelay $0x4  }
0x69: {  	[tilespmem:v3+s19+$0x0] =	vst.idx.add.f32.msk $0xffff, v2  }
0x6a: {  	v3 =	vld [tilespmem:$0x90];
	_ =	sdelay $0x4  }
0x6b: {  	v3 =	vshll.u32 v3, $0x4  }
0x6c: {  	v3 =	vor.u32 v1, v3;
	_ =	sdelay $0x4  }
0x6d: {  	[tilespmem:v3+s19+$0x0] =	vst.idx.add.f32.msk $0xffff, v2  }
0x6e: {  	v3 =	vld [tilespmem:$0xA0];
	_ =	sdelay $0x4  }
0x6f: {  	v3 =	vshll.u32 v3, $0x4  }
0x70: {  	v3 =	vor.u32 v1, v3;
	_ =	sdelay $0x4  }
0x71: {  	[tilespmem:v3+s19+$0x0] =	vst.idx.add.f32.msk $0xffff, v2  }
0x72: {  	v3 =	vld [tilespmem:$0xB0];
	_ =	sdelay $0x4  }
0x73: {  	v3 =	vshll.u32 v3, $0x4  }
0x74: {  	v3 =	vor.u32 v1, v3;
	_ =	sdelay $0x4  }
0x75: {  	[tilespmem:v3+s19+$0x0] =	vst.idx.add.f32.msk $0xffff, v2  }
0x76: {  	v3 =	vld [tilespmem:$0xC0];
	_ =	sdelay $0x4  }
0x77: {  	v3 =	vshll.u32 v3, $0x4  }
0x78: {  	v3 =	vor.u32 v1, v3;
	_ =	sdelay $0x4  }
0x79: {  	[tilespmem:v3+s19+$0x0] =	vst.idx.add.f32.msk $0xffff, v2  }
0x7a: {  	v3 =	vld [tilespmem:$0xD0];
	_ =	sdelay $0x4  }
0x7b: {  	v3 =	vshll.u32 v3, $0x4  }
0x7c: {  	v3 =	vor.u32 v1, v3;
	_ =	sdelay $0x4  }
0x7d: {  	[tilespmem:v3+s19+$0x0] =	vst.idx.add.f32.msk $0xffff, v2  }
0x7e: {  	v3 =	vld [tilespmem:$0xE0];
	_ =	sdelay $0x4  }
0x7f: {  	v3 =	vshll.u32 v3, $0x4  }
0x80: {  	v3 =	vor.u32 v1, v3;
	_ =	sdelay $0x4  }
0x81: {  	[tilespmem:v3+s19+$0x0] =	vst.idx.add.f32.msk $0xffff, v2  }
0x82: {  	v3 =	vld [tilespmem:$0xF0];
	_ =	sdelay $0x4  }
0x83: {  	v3 =	vshll.u32 v3, $0x4  }
0x84: {  	p1 =	sne.s32 s21, $0x1;
	v3 =	vor.u32 v1, v3  }
.Ltmp7:
0x85: {  	_ = 	snop;
	(pc) =	sbr.rel @p1 .LBB2_8-.Ltmp7, $2  }
0x86: {  	_ =	sdelay $0x2  }
0x87: {  	s22 =	sadd.s32 $0x10, s22;
	s21 =	sadd.s32 $0xFFFFFFFF, s21;
	[tilespmem:v3+s19+$0x0] =	vst.idx.add.f32.msk $0xffff, v2  }
.Ltmp8:
0x88: {  	_ = 	snop;
	(pc) =	sbr.rel .LBB2_9-.Ltmp8, $1  }
0x89: {  	_ =	sdelay $0x3  }
.LBB2_11:
0x8a: {  	_ =	sfence.sel $0x180000  }
0x8b: {  	[bflag:$0x0] =	sbarrier.arrive $0xFFFF  }
0x8c: {  	p0 =	sne.s32 s3, $0x0;
	_ =	strace $0x90000050  }
0x8d: {  	s0 =	sadd.s32 @!p0 $0x100000, s0;
	[bflag:$0x2] =	sbarrier.arrive $0xFFFF  }
0x8e: {  	[sflag:s0] =	ssyncadd.tile.s32 @!p0 $0x1;
	_ =	shalt  }
.Lfunc_end2:
_tile_overlayer_lowered:
.L_overlay_start_2:
0x8f: {  	(tag) =	ssettag $0x2  }
0x90: {  	s0 =	rddreg [dreg:$0x0];
	s2 =	stileid.u32  }
0x91: {  	s1 =	rddreg [dreg:$0x1];
	p0 =	sne.s32 s2, $0x0  }
0x92: {  	s3 =	rddreg [dreg:$0x2];
	[bflag:$0x3] =	sbarrier.arrive $0xFFFF;
	s2 =	simm.s32 @!p0 $0x1C02  }
0x93: {  	[timem:s3], [sflag:s2] =	dma.local @!p0 [hbm:s0], s1  }
0x94: {  	s0 =	simm.s32 @!p0 $0x2  }
0x95: {  	_ =	swait.ge @!p0 [sflag:s0], s1  }
0x96: {  	s1 =	ssub.s32 @!p0 $0x0, s1;
	[sflag:s0] =	ssyncset.done @!p0 $0x0  }
0x97: {  	[sflag:s0] =	ssyncadd.s32 @!p0 s1  }
0x98: {  	[bflag:$0x3] =	sbarrier.arrive $0xFFFF  }
0x99: {  	_ =	shalt  }

// kernel: sc_accumulate_h1.3.cloned.1.call-start
scs
__scs_entry_jumppad:
0x0: {  	(pc) =	sbr.rel $0x88, $3  }
0x1: {  	(tag) =	ssettag $0x0;
	lr =	simm.s32 $0x1  }
0x2: {  	[smem:$0x3F9C] =	sst lr;
	_ =	strace $0xD0000000  }
0x3: {  	_ = 	snop  }
0x4: {  	_ = 	snop  }
0x5: {  	_ = 	snop  }
0x6: {  	_ = 	snop  }
0x7: {  	_ = 	snop  }
__scs_overlays_trampoline_lowered:
0x8: {  	[smem:$0x3FAB] =	sst s0  }
0x9: {  	[smem:$0x3FAC] =	sst s1  }
0xa: {  	[smem:$0x3FAD] =	sst s2  }
0xb: {  	[smem:$0x3FAE] =	sst s3  }
0xc: {  	[smem:$0x3FAF] =	sst s4  }
0xd: {  	[smem:$0x3FB0] =	sst s5  }
0xe: {  	[smem:$0x3FB1] =	sst s6  }
0xf: {  	[smem:$0x3FB2] =	sst s7  }
0x10: {  	[smem:$0x3FB3] =	sst s8  }
0x11: {  	[smem:$0x3FB4] =	sst s9;
	s0 =	simm.s32 @!p0 $0x0  }
0x12: {  	s1 =	sld [smem:$0x3F9A];
	s0 =	simm.s32 @p0 $0x1  }
0x13: {  	[smem:$0x3FB5] =	sst s0;
	s0 =	simm.s32 @!p1 $0x0  }
0x14: {  	s2 =	sld [smem:$0x3F99];
	s0 =	simm.s32 @p1 $0x1  }
0x15: {  	[smem:$0x3FB6] =	sst s0;
	s0 =	simm.s32 @!p2 $0x0  }
0x16: {  	s3 =	sld [smem:$0x3FDB];
	s0 =	simm.s32 @p2 $0x1  }
0x17: {  	s4 =	simm.s32 $0x1BF5;
	[smem:$0x3FB8] =	sst s0  }
0x18: {  	s0 =	sld [smem:$0x3F9B];
	_ =	swait.ge [sflag:s4], $0x0  }
0x19: {  	s7 =	sld [smem:$0x3F9C]  }
0x1a: {  	s8 =	sadd.s32 $0xFFFFE003, lr  }
0x1b: {  	s9 =	sadd.s32 $0xFFFFFEF7, lr;
	s5 =	simm.s32 $0xFFFFFFFF;
	p2 =	slt.u32 s8, $0xFFFFF086  }
0x1c: {  	p1 =	slt.u32 s9, $0xF7A;
	s5 =	simm.s32 @!p2 $0x0  }
0x1d: {  	s5 =	simm.s32 @p1 $0x1;
	p0 =	seq.s32 s7, s2  }
0x1e: {  	s7 =	smul.u32 @!p0 $0xF7A, s2;
	p2 =	seq.s32 @!p0 s5, $0x0  }
0x1f: {  	s9 =	smul.u32 $0xF7A, s1;
	s8 =	simm.s32 @!p0 $0x1BF5;
	p2 =	por !p2, p0  }
0x20: {  	[sflag:s8] =	ssyncset.s32 @!p0 $0xFFFFF086;
	s6 =	sadd.s32 @!p0 s3, s7;
	s7 =	simm.s32 @!p0 $0x108  }
0x21: {  	s3 =	sadd.s32 s3, s9;
	s6 =	sadd.s32 @!p0 $0x88, s6;
	s7 =	simm.s32 @p2 $0x1082  }
0x22: {  	[simem:s7], [sflag:s8] =	dma.local @!p0 [hbm:s6], $0xF7A  }
0x23: {  	s9 =	sor.u32 $0xD0000000, s2;
	s6 =	simm.s32 $0x108;
	_ =	swait.ge @!p0 [sflag:s8], $0x0  }
0x24: {  	s3 =	sadd.s32 $0x88, s3;
	s6 =	simm.s32 @!p1 $0x1082;
	[sflag:s4] =	ssyncset.s32 $0xFFFFF086  }
0x25: {  	[simem:s6], [sflag:s4] =	dma.local [hbm:s3], $0xF7A  }
0x26: {  	[smem:$0x3F9C] =	sst s1;
	(tag) =	ssettag s2;
	_ =	strace s9  }
0x27: {  	s1 =	sld [smem:$0x3FAC]  }
0x28: {  	s2 =	sld [smem:$0x3FAD]  }
0x29: {  	s4 =	sld [smem:$0x3FAF]  }
0x2a: {  	p0 =	seq.s32 s5, $0x0;
	s5 =	sld [smem:$0x3FB0]  }
0x2b: {  	s6 =	sld [smem:$0x3FB1]  }
0x2c: {  	s7 =	sld [smem:$0x3FB2]  }
0x2d: {  	s3 =	simm.s32 $0x108;
	s8 =	sld [smem:$0x3FB3]  }
0x2e: {  	s3 =	simm.s32 @!p0 $0x1082;
	s9 =	sld [smem:$0x3FB4]  }
0x2f: {  	lr =	sadd.s32 s0, s3;
	s0 =	sld [smem:$0x3FAB]  }
0x30: {  	s3 =	sld [smem:$0x3FAE]  }
0x31: {  	[smem:$0x3FB7] =	sst s10  }
0x32: {  	s10 =	sld [smem:$0x3FB5];
	_ =	sdelay $0x3  }
0x33: {  	p0 =	seq.s32 s10, $0x1;
	s10 =	sld [smem:$0x3FB7];
	_ =	sdelay $0x3  }
0x34: {  	[smem:$0x3FB7] =	sst s10  }
0x35: {  	s10 =	sld [smem:$0x3FB6];
	_ =	sdelay $0x3  }
0x36: {  	p1 =	seq.s32 s10, $0x1;
	s10 =	sld [smem:$0x3FB7];
	_ =	sdelay $0x3  }
0x37: {  	[smem:$0x3FB7] =	sst s10  }
0x38: {  	s10 =	sld [smem:$0x3FB8]  }
0x39: {  	_ = 	snop;
	(pc) =	sbr.ind lr, $3  }
0x3a: {  	_ = 	snop  }
0x3b: {  	_ = 	snop  }
0x3c: {  	p2 =	seq.s32 s10, $0x1;
	s10 =	sld [smem:$0x3FB7]  }
0x3d: {  	_ =	shalt  }
0x3e: {  	_ =	shalt  }
0x3f: {  	_ =	shalt  }
0x40: {  	_ =	shalt  }
0x41: {  	_ =	shalt  }
0x42: {  	_ =	shalt  }
0x43: {  	_ =	shalt  }
0x44: {  	_ =	shalt  }
0x45: {  	_ =	shalt  }
0x46: {  	_ =	shalt  }
0x47: {  	_ =	shalt  }
0x48: {  	_ =	shalt  }
0x49: {  	_ =	shalt  }
0x4a: {  	_ =	shalt  }
0x4b: {  	_ =	shalt  }
0x4c: {  	_ =	shalt  }
0x4d: {  	_ =	shalt  }
0x4e: {  	_ =	shalt  }
0x4f: {  	_ =	shalt  }
0x50: {  	_ =	shalt  }
0x51: {  	_ =	shalt  }
0x52: {  	_ =	shalt  }
0x53: {  	_ =	shalt  }
0x54: {  	_ =	shalt  }
0x55: {  	_ =	shalt  }
0x56: {  	_ =	shalt  }
0x57: {  	_ =	shalt  }
0x58: {  	_ =	shalt  }
0x59: {  	_ =	shalt  }
0x5a: {  	_ =	shalt  }
0x5b: {  	_ =	shalt  }
0x5c: {  	_ =	shalt  }
0x5d: {  	_ =	shalt  }
0x5e: {  	_ =	shalt  }
0x5f: {  	_ =	shalt  }
0x60: {  	_ =	shalt  }
0x61: {  	_ =	shalt  }
0x62: {  	_ =	shalt  }
0x63: {  	_ =	shalt  }
0x64: {  	_ =	shalt  }
0x65: {  	_ =	shalt  }
0x66: {  	_ =	shalt  }
0x67: {  	_ =	shalt  }
0x68: {  	_ =	shalt  }
0x69: {  	_ =	shalt  }
0x6a: {  	_ =	shalt  }
0x6b: {  	_ =	shalt  }
0x6c: {  	_ =	shalt  }
0x6d: {  	_ =	shalt  }
0x6e: {  	_ =	shalt  }
0x6f: {  	_ =	shalt  }
0x70: {  	_ =	shalt  }
0x71: {  	_ =	shalt  }
0x72: {  	_ =	shalt  }
0x73: {  	_ =	shalt  }
0x74: {  	_ =	shalt  }
0x75: {  	_ =	shalt  }
0x76: {  	_ =	shalt  }
0x77: {  	_ =	shalt  }
0x78: {  	_ =	shalt  }
0x79: {  	_ =	shalt  }
0x7a: {  	_ =	shalt  }
0x7b: {  	_ =	shalt  }
0x7c: {  	_ =	shalt  }
0x7d: {  	_ =	shalt  }
0x7e: {  	_ =	shalt  }
0x7f: {  	_ =	shalt  }
0x80: {  	_ =	shalt  }
0x81: {  	_ =	shalt  }
0x82: {  	_ =	shalt  }
0x83: {  	_ =	shalt  }
0x84: {  	_ =	shalt  }
0x85: {  	_ =	shalt  }
0x86: {  	_ =	shalt  }
0x87: {  	_ =	shalt  }
.Lfunc_end0:
.L_simem_size_0:
called_computation.2_lowered:
.L_overlay_start_0:
0x88: {  	s2 =	sld [smem:$0x3FD9]  }
0x89: {  	s3 =	sld [smem:$0x3FFE];
	_ =	sdelay $0x1  }
0x8a: {  	s1 =	srdreg.scid  }
0x8b: {  	s0 =	sand.u32 $0x1, s1  }
0x8c: {  	s17 =	sshll.u32 s0, $0xA;
	s2 =	sadd.s32 s3, s2  }
0x8d: {  	s2 =	sadd.s32 s2, s17  }
0x8e: {  	[smem:$0x3FC3] =	sst s2  }
0x8f: {  	_ = 	snop  }
0x90: {  	s18 =	sld [smem:$0x3FC9];
	(tm) =	ssettm $0x1  }
0x91: {  	s19 =	sld [smem:$0x3FFB];
	_ =	sdelay $0x3  }
0x92: {  	_ =	strace s19  }
0x93: {  	s2 =	sld [smem:$0x3FFC];
	_ =	sdelay $0x3  }
0x94: {  	_ =	strace s2  }
0x95: {  	s2 =	sld [smem:$0x3FFD];
	_ =	sdelay $0x3  }
0x96: {  	_ =	strace s2  }
0x97: {  	_ =	strace $0x8FFFFFFF  }
0x98: {  	s20 =	sld [smem:$0x3FDB];
	_ =	sdelay $0x1  }
0x99: {  	s4 =	simm.s32 $_scs_section_size  }
0x9a: {  	s5 =	simm.s32 $_size__tile_overlayer_lowered;
	s6 =	simm.s32 $_tile_overlayer_lowered  }
0x9b: {  	s7 =	simm.s32 $0x1BFF;
	s21 =	sshll.u32 s6, $0x1;
	s4 =	sadd.s32 s4, s20  }
0x9c: {  	s22 =	simm.s32 $0x0;
	s5 =	sshll.u32 s5, $0x1;
	s6 =	sadd.s32 s21, s4  }
0x9d: {  	[timem:s22], [sflag:s7] =	dma.local [hbm:s6], s5  }
0x9e: {  	_ =	swait.ge [sflag:s7], s5  }
0x9f: {  	s5 =	ssub.s32 $0x0, s5;
	[sflag:s7] =	ssyncset.done $0x0  }
0xa0: {  	[sflag:s7] =	ssyncadd.s32 s5;
	_ =	sdelay $0x1  }
0xa1: {  	s23 =	simm.s32 $0x1B8B  }
0xa2: {  	_ =	swait.ge [sflag:s23], $0x1  }
0xa3: {  	[sflag:s23] =	ssyncset.done $0x0  }
0xa4: {  	[sflag:s23] =	ssyncadd.s32 $0xFFFFFFFF  }
0xa5: {  	s5 =	sld [smem:$0x0]  }
0xa6: {  	s6 =	sand.u32 $0xFFFFFFFE, s1  }
0xa7: {  	p0 =	sne.s32 s1, s6  }
0xa8: {  	s6 =	sshll.u32 @p0 s6, $0xE  }
0xa9: {  	s6 =	sadd.s32 @p0 $0x11B8D, s6;
	s7 =	sshll.u32 @p0 s5, $0x11  }
0xaa: {  	s6 =	sor.u32 @p0 s7, s6  }
0xab: {  	[sflag:s6] =	ssyncadd.remote.s32 @p0 $0x1;
	_ =	sdelay $0x1  }
0xac: {  	s6 =	simm.s32 @p0 $0x1B8D  }
0xad: {  	_ =	swait.eq @p0 [sflag:s6], $0x1  }
0xae: {  	[sflag:s6] =	ssyncadd.s32 @p0 $0xFFFFFFFF  }
0xaf: {  	s7 =	sshll.u32 @!p0 s1, $0xE  }
0xb0: {  	s7 =	sor.u32 @!p0 $0x4000, s7;
	s6 =	simm.s32 @!p0 $0x1B8D  }
0xb1: {  	s5 =	sshll.u32 @!p0 s5, $0x11;
	s7 =	sadd.s32 @!p0 $0x11B8D, s7;
	_ =	swait.eq @!p0 [sflag:s6], $0x1  }
0xb2: {  	s5 =	sor.u32 @!p0 s5, s7;
	[sflag:s6] =	ssyncadd.s32 @!p0 $0xFFFFFFFF  }
0xb3: {  	s25 =	simm.s32 $0x1B8E;
	s24 =	sld [smem:$0x3FFE];
	[sflag:s5] =	ssyncadd.remote.s32 @!p0 $0x1  }
0xb4: {  	s26 =	simm.s32 $execute0_lowered;
	[smem:$0x3FD2] =	sst s25  }
0xb5: {  	s6 =	sshll.u32 s26, $0x1;
	_ =	strace $0x8000004C;
	[dreg:$0x1] =	wrdreg $0xFFFFFFFF  }
0xb6: {  	s28 =	simm.s32 $_size_execute0_lowered;
	s4 =	sadd.s32 s4, s6;
	[dreg:$0x0] =	wrdreg $0x0  }
0xb7: {  	s6 =	sshll.u32 s28, $0x1;
	[dreg:$0x2] =	wrdreg s4  }
0xb8: {  	[dreg:$0x3] =	wrdreg s6  }
0xb9: {  	[dreg:$0x4] =	wrdreg $0xC0  }
0xba: {  	_ =	task [dreg:s22], $0x5FFFF  }
0xbb: {  	[dreg:$0x1] =	wrdreg $0xFFFFFFFF  }
0xbc: {  	[dreg:$0x0] =	wrdreg $0x60  }
0xbd: {  	[dreg:$0x2] =	wrdreg s18  }
0xbe: {  	[dreg:$0x3] =	wrdreg s24  }
0xbf: {  	[dreg:$0x4] =	wrdreg $0x119800  }
0xc0: {  	[dreg:$0x5] =	wrdreg $0xA  }
0xc1: {  	_ =	task.clear_ibuf [dreg:s22], $0x6FFFF;
	_ =	strace $0x9000004C  }
0xc2: {  	s29 =	simm.s32 $0xA;
	_ =	strace $0x8000004E  }
0xc3: {  	_ =	swait.ge [sflag:s29], $0x1  }
0xc4: {  	[sflag:s29] =	ssyncadd.s32 $0xFFFFFFFF  }
0xc5: {  	_ =	strace $0x9000004E  }
0xc6: {  	_ =	sfence  }
0xc7: {  	s30 =	sld [smem:$0x0];
	_ =	sdelay $0x2  }
0xc8: {  	s31 =	sshll.u32 s1, $0xD;
	s1 =	sshrl.u32 s1, $0x2  }
0xc9: {  	s4 =	sand.u32 $0x4000, s31;
	s1 =	sadd.s32 s1, s30  }
0xca: {  	s0 =	sor.u32 s4, s0;
	s1 =	sshll.u32 s1, $0x11  }
0xcb: {  	s0 =	sor.u32 s1, s0  }
0xcc: {  	s0 =	sadd.s32 $0x8F2B, s0  }
0xcd: {  	[sflag:s0] =	ssyncadd.remote.s32 $0x1  }
0xce: {  	_ =	sfence.sel $0xFFFF  }
0xcf: {  	[dreg:$0x0] =	wrdreg $0xFFFFFFFF;
	(pc) =	sbr.abs _section_cstart, $3  }
0xd0: {  	[dreg:$0x1] =	wrdreg $0xFFFFFFFF  }
0xd1: {  	_ =	task.clear_ibuf [dreg:s22], $0x2FFFF;
	_ =	strace $0x9FFFFFFF  }
0xd2: {  	(tm) =	ssettm $0x7FFFFFFF  }
0xd3: {  	_ =	shalt  }
tec
execute0_lowered:
.L_overlay_start_1:
0x0: {  	(tag) =	ssettag $0x1  }
0x1: {  	s1 =	rddreg [dreg:$0x0]  }
0x2: {  	s8 =	rddreg [dreg:$0x1]  }
0x3: {  	s3 =	rddreg [dreg:$0x2]  }
0x4: {  	s0 =	rddreg [dreg:$0x3];
	s4 =	simm.s32 $0x0  }
0x5: {  	s5 =	srdreg.scid;
	s2 =	stileid.u32;
	s17 =	simm.s32 $0x4100  }
0x6: {  	s18 =	simm.s32 $0x80;
	s19 =	simm.s32 $0x1;
	s10 =	smul.u32 $0xD80, s2  }
0x7: {  	s20 =	simm.s32 $0x4180;
	s21 =	simm.s32 $0x0;
	s13 =	smul.u32 $0x1B000, s2  }
0x8: {  	[smem:$0x7FF] =	sst s4;
	s9 =	sand.u32 $0x1, s5;
	s31 =	smul.u32 $0xA0, s2  }
0x9: {  	s5 =	sadd.s32 $0xC800, s8;
	s6 =	sadd.s32 $0x48800, s8;
	s11 =	smul.u32 $0xD800, s9  }
0xa: {  	s30 =	sshll.u32 s2, $0x1;
	_ =	strace $0x8000004D;
	s15 =	smul.u32 $0x60, s9  }
0xb: {  	s7 =	sshll.u32 s9, $0x4;
	s28 =	ssub.s32 $0x2, s9;
	s16 =	smul.u32 $0x1E00, s9  }
0xc: {  	s12 =	sor.u32 s2, s7;
	s7 =	sadd.s32 $0x84800, s8;
	s14 =	sshrl.u32 s28, $0x1  }
0xd: {  	s29 =	sshrl.u32 s13, $0x2;
	s10 =	sadd.s32 s10, s11;
	s25 =	smul.u32 $0x1B00, s12  }
.Ltmp0:
0xe: {  	s13 =	sor.u32 s30, s15;
	s14 =	ssub.s32 s28, s14;
	(pc) =	sbr.rel .LBB2_1-.Ltmp0, $4  }
0xf: {  	s15 =	sadd.s32 s31, s16;
	s16 =	simm.s32 $0x2;
	s26 =	sadd.s32 s10, s8  }
0x10: {  	s10 =	sadd.s32 $0x20, s13;
	s13 =	smax.u32 s14, $0x1;
	s14 =	sadd.s32 $0xA00, s15  }
0x11: {  	s15 =	simm.s32 $0x100;
	s11 =	sadd.s32 s25, s8;
	s8 =	sadd.s32 s29, s3  }
0x12: {  	v0 =	vimm.f32 $0.0e+00;
	v1 =	vlaneseq.u32;
	v2 =	vimm.f32 $1.000000000e+00;
	s12 =	sadd.s32 $0x10BA00, s26;
	s9 =	sadd.s32 $0x4000, s8;
	s11 =	sadd.s32 $0xD5A00, s11  }
.LBB2_10:
0x13: {  	[hbm4b:s11+s4] =	stream.linear.scatter [tilespmem:s20], [sflag:$0x2], $0xD800, $0x38;
	[tilespmem:$0x18580] =	vst v63  }
0x14: {  	_ =	swait.ge [sflag:s16], $0xD800  }
0x15: {  	s22 =	sshll.u32 s2, $0x6;
	s21 =	sadd.s32 $0x1, s21;
	[sflag:s16] =	ssyncset.done $0x0  }
0x16: {  	s23 =	sshrl.u32 s8, $0x3;
	p0 =	sne.s32 s21, s13;
	[sflag:s16] =	ssyncadd.s32 $0xFFFF2800  }
.Ltmp1:
0x17: {  	s22 =	sor.u32 $0x1C02, s22;
	[bflag:$0x0] =	sbarrier.arrive $0xFFFF;
	(pc) =	sbr.rel @!p0 .LBB2_11-.Ltmp1, $4  }
0x18: {  	[hbm:s12], [sflag:s22] =	dma.local [spmem:s23], $0xD80  }
0x19: {  	_ =	swait.ge [sflag:s16], $0xD80  }
0x1a: {  	[sflag:s16] =	ssyncset.done $0x0  }
0x1b: {  	[sflag:s16] =	ssyncadd.s32 $0xFFFFF280  }
.LBB2_1:
0x1c: {  	s22 =	simm.s32 $0x0;
	s23 =	simm.s32 $0x200  }
.LBB2_2:
0x1d: {  	p0 =	sne.s32 s23, $0xFE00;
	[tilespmem:s22+$0x170] =	vst v0  }
0x1e: {  	[tilespmem:s22+$0x100] =	vst v0  }
0x1f: {  	[tilespmem:s22+$0x110] =	vst v0  }
.Ltmp2:
0x20: {  	[tilespmem:s22+$0x120] =	vst v0;
	(pc) =	sbr.rel @p0 .LBB2_2-.Ltmp2, $4  }
0x21: {  	[tilespmem:s22+$0x130] =	vst v0  }
0x22: {  	[tilespmem:s22+$0x140] =	vst v0  }
0x23: {  	[tilespmem:s22+$0x150] =	vst v0  }
0x24: {  	[tilespmem:s22+$0x160] =	vst v0;
	s22 =	sshra.s32 s23, $0x2;
	s23 =	sadd.s32 $0x200, s23  }
0x25: {  	[tilespmem:s22+$0x170] =	vst v0  }
0x26: {  	[tilespmem:s22+$0x100] =	vst v0  }
0x27: {  	[tilespmem:s22+$0x110] =	vst v0  }
0x28: {  	[tilespmem:s22+$0x120] =	vst v0  }
0x29: {  	[tilespmem:s22+$0x130] =	vst v0  }
0x2a: {  	[tilespmem:s22+$0x140] =	vst v0  }
0x2b: {  	[tilespmem:s22+$0x150] =	vst v0  }
0x2c: {  	[tilespmem:s22+$0x160] =	vst v0  }
0x2d: {  	[spmem:s8] =	stream.linear.scatter [tilespmem:s15], [sflag:$0x2], $0x4000, $0x38;
	[tilespmem:$0x18580] =	vst v63  }
0x2e: {  	_ =	swait.ge [sflag:s16], $0x4000  }
0x2f: {  	[sflag:s16] =	ssyncset.done $0x0  }
0x30: {  	[sflag:s16] =	ssyncadd.s32 $0xFFFFC000  }
0x31: {  	[spmem:s9] =	stream.linear.scatter [tilespmem:s15], [sflag:$0x2], $0x2C00, $0x38;
	[tilespmem:$0x18580] =	vst v63  }
0x32: {  	_ =	swait.ge [sflag:s16], $0x2C00  }
0x33: {  	[sflag:s16] =	ssyncset.done $0x0  }
0x34: {  	s22 =	simm.s32 $0x40;
	s23 =	simm.s32 $0x0;
	[sflag:s16] =	ssyncadd.s32 $0xFFFFD400  }
.LBB2_4:
0x35: {  	p0 =	sne.s32 s22, $0x35FC0;
	[tilespmem:s23+$0x4180] =	vst v0;
	s23 =	smov.u32 s22;
	s22 =	sadd.s32 $0x40, s22  }
.Ltmp3:
0x36: {  	(pc) =	sbr.rel @p0 .LBB2_4-.Ltmp3, $2  }
0x37: {  	_ =	sdelay $0x2  }
0x38: {  	s23 =	sshra.s32 s23, $0x2  }
.Ltmp4:
0x39: {  	(pc) =	sbr.rel .LBB2_6-.Ltmp4, $4  }
0x3a: {  	_ = 	snop  }
0x3b: {  	[tilespmem:s23+$0x4180] =	vst v0  }
0x3c: {  	[bflag:$0x0] =	sbarrier.arrive $0xFFFF  }
0x3d: {  	s23 =	simm.s32 $0x0;
	p1 =	por $0x1, $0x1  }
.LBB2_9:
.Ltmp5:
0x3e: {  	(pc) =	sbr.rel @!p0 .LBB2_10-.Ltmp5, $2  }
0x3f: {  	_ =	sdelay $0x2  }
0x40: {  	s23 =	simm.s32 $0x1;
	p1 =	por $0x0, $0x0  }
.LBB2_6:
0x41: {  	s22 =	sor.u32 s10, s23  }
0x42: {  	s22 =	sshll.u32 s22, $0x1  }
0x43: {  	s22 =	sand.u32 $0x1FFFFFFE, s22  }
0x44: {  	s22 =	sadd.s32 s7, s22  }
0x45: {  	[tilespmem:s17], [sflag:$0x2] =	stream.linear.gather [hbm4b:s22+s4], $0x10, $0x38;
	[tilespmem:$0x18580] =	vst v63  }
0x46: {  	_ =	swait.ge [sflag:s16], $0x10  }
0x47: {  	[sflag:s16] =	ssyncset.done $0x0  }
0x48: {  	[sflag:s16] =	ssyncadd.s32 $0xFFFFFFF0  }
0x49: {  	v3 =	vld [tilespmem:$0x4100];
	_ =	sdelay $0x4  }
0x4a: {  	v3 =	vxor.u32 $0x80000000, v3  }
0x4b: {  	(xrf0) =	vmax.scan.msk.u32 $0xffff, v3;
	_ =	sdelay $0x5  }
0x4c: {  	v3, _, _ =	vpop (xrf0)  }
0x4d: {  	(v2sf) =	vpush v3, $0xF;
	_ =	sdelay $0xe  }
0x4e: {  	s31 =	spop (v2sf)  }
0x4f: {  	s22 =	sxor.u32 $0x80000000, s31  }
0x50: {  	p2 =	slt.s32 s22, $0x1  }
.Ltmp6:
0x51: {  	_ = 	snop;
	(pc) =	sbr.rel @p2 .LBB2_9-.Ltmp6, $2  }
0x52: {  	_ =	sdelay $0x2  }
0x53: {  	p0 =	por p1, p1  }
0x54: {  	s23 =	smul.u32 $0x50, s23;
	_ =	sdelay $0x1  }
0x55: {  	s23 =	sadd.s32 s23, s14  }
0x56: {  	s23 =	sshll.u32 s23, $0x4  }
.LBB2_8:
0x57: {  	s24 =	sand.u32 $0x1FFFFFF0, s23  }
0x58: {  	s25 =	sadd.s32 s5, s24  }
0x59: {  	[tilespmem:s4], [sflag:$0x2] =	stream.linear.gather [hbm4b:s25+s4], $0x80, $0x38;
	[tilespmem:$0x18580] =	vst v63  }
0x5a: {  	_ =	swait.ge [sflag:s16], $0x80  }
0x5b: {  	[sflag:s16] =	ssyncset.done $0x0  }
0x5c: {  	s24 =	sadd.s32 s6, s24;
	[sflag:s16] =	ssyncadd.s32 $0xFFFFFF80  }
0x5d: {  	[tilespmem:s18], [sflag:$0x2] =	stream.linear.gather [hbm4b:s24+s4], $0x80, $0x38;
	[tilespmem:$0x18580] =	vst v63  }
0x5e: {  	_ =	swait.ge [sflag:s16], $0x80  }
0x5f: {  	[sflag:s16] =	ssyncset.done $0x0  }
0x60: {  	[sflag:s16] =	ssyncadd.s32 $0xFFFFFF80  }
0x61: {  	[tilespmem:s15], [sflag:$0x1] =	stream.indirect.gather [hbm4b:s1+s18], $0x80, s4, s18, $0xb8;
	[tilespmem:$0x18580] =	vst v63  }
0x62: {  	_ =	swait.ge [sflag:s19], $0x4000  }
0x63: {  	[sflag:s19] =	ssyncset.done $0x0  }
0x64: {  	[sflag:s19] =	ssyncadd.s32 $0xFFFFC000  }
0x65: {  	[spmem:s3] =	stream.indirect.scatter.add.f32 [tilespmem:s15], [sflag:$0x2], $0x80, s18, s18, $0xb8;
	[tilespmem:$0x18580] =	vst v63  }
0x66: {  	_ =	swait.ge [sflag:s16], $0x4000  }
0x67: {  	[sflag:s16] =	ssyncset.done $0x0  }
0x68: {  	[sflag:s16] =	ssyncadd.s32 $0xFFFFC000  }
0x69: {  	v3 =	vld [tilespmem:$0x80];
	_ =	sdelay $0x4  }
0x6a: {  	v3 =	vshll.u32 v3, $0x4  }
0x6b: {  	v3 =	vor.u32 v1, v3;
	_ =	sdelay $0x4  }
0x6c: {  	[tilespmem:v3+s20+$0x0] =	vst.idx.add.f32.msk $0xffff, v2  }
0x6d: {  	v3 =	vld [tilespmem:$0x90];
	_ =	sdelay $0x4  }
0x6e: {  	v3 =	vshll.u32 v3, $0x4  }
0x6f: {  	v3 =	vor.u32 v1, v3;
	_ =	sdelay $0x4  }
0x70: {  	[tilespmem:v3+s20+$0x0] =	vst.idx.add.f32.msk $0xffff, v2  }
0x71: {  	v3 =	vld [tilespmem:$0xA0];
	_ =	sdelay $0x4  }
0x72: {  	v3 =	vshll.u32 v3, $0x4  }
0x73: {  	v3 =	vor.u32 v1, v3;
	_ =	sdelay $0x4  }
0x74: {  	[tilespmem:v3+s20+$0x0] =	vst.idx.add.f32.msk $0xffff, v2  }
0x75: {  	v3 =	vld [tilespmem:$0xB0];
	_ =	sdelay $0x4  }
0x76: {  	v3 =	vshll.u32 v3, $0x4  }
0x77: {  	v3 =	vor.u32 v1, v3;
	_ =	sdelay $0x4  }
0x78: {  	[tilespmem:v3+s20+$0x0] =	vst.idx.add.f32.msk $0xffff, v2  }
0x79: {  	v3 =	vld [tilespmem:$0xC0];
	_ =	sdelay $0x4  }
0x7a: {  	v3 =	vshll.u32 v3, $0x4  }
0x7b: {  	v3 =	vor.u32 v1, v3;
	_ =	sdelay $0x4  }
0x7c: {  	[tilespmem:v3+s20+$0x0] =	vst.idx.add.f32.msk $0xffff, v2  }
0x7d: {  	v3 =	vld [tilespmem:$0xD0];
	_ =	sdelay $0x4  }
0x7e: {  	v3 =	vshll.u32 v3, $0x4  }
0x7f: {  	v3 =	vor.u32 v1, v3;
	_ =	sdelay $0x4  }
0x80: {  	[tilespmem:v3+s20+$0x0] =	vst.idx.add.f32.msk $0xffff, v2  }
0x81: {  	v3 =	vld [tilespmem:$0xE0];
	_ =	sdelay $0x4  }
0x82: {  	v3 =	vshll.u32 v3, $0x4  }
0x83: {  	v3 =	vor.u32 v1, v3;
	_ =	sdelay $0x4  }
0x84: {  	[tilespmem:v3+s20+$0x0] =	vst.idx.add.f32.msk $0xffff, v2  }
0x85: {  	v3 =	vld [tilespmem:$0xF0];
	_ =	sdelay $0x4  }
0x86: {  	v3 =	vshll.u32 v3, $0x4  }
0x87: {  	p1 =	sne.s32 s22, $0x1;
	v3 =	vor.u32 v1, v3  }
.Ltmp7:
0x88: {  	_ = 	snop;
	(pc) =	sbr.rel @p1 .LBB2_8-.Ltmp7, $2  }
0x89: {  	_ =	sdelay $0x2  }
0x8a: {  	s23 =	sadd.s32 $0x10, s23;
	s22 =	sadd.s32 $0xFFFFFFFF, s22;
	[tilespmem:v3+s20+$0x0] =	vst.idx.add.f32.msk $0xffff, v2  }
.Ltmp8:
0x8b: {  	_ = 	snop;
	(pc) =	sbr.rel .LBB2_9-.Ltmp8, $1  }
0x8c: {  	_ =	sdelay $0x3  }
.LBB2_11:
0x8d: {  	_ =	sfence.sel $0x180000  }
0x8e: {  	[bflag:$0x0] =	sbarrier.arrive $0xFFFF  }
0x8f: {  	p0 =	sne.s32 s2, $0x0;
	_ =	strace $0x9000004D  }
0x90: {  	s0 =	sadd.s32 @!p0 $0x100000, s0;
	[bflag:$0x2] =	sbarrier.arrive $0xFFFF  }
0x91: {  	[sflag:s0] =	ssyncadd.tile.s32 @!p0 $0x1;
	_ =	shalt  }
.Lfunc_end2:
_tile_overlayer_lowered:
.L_overlay_start_2:
0x92: {  	(tag) =	ssettag $0x2  }
0x93: {  	s0 =	rddreg [dreg:$0x0];
	s2 =	stileid.u32  }
0x94: {  	s1 =	rddreg [dreg:$0x1];
	p0 =	sne.s32 s2, $0x0  }
0x95: {  	s3 =	rddreg [dreg:$0x2];
	[bflag:$0x3] =	sbarrier.arrive $0xFFFF;
	s2 =	simm.s32 @!p0 $0x1C02  }
0x96: {  	[timem:s3], [sflag:s2] =	dma.local @!p0 [hbm:s0], s1  }
0x97: {  	s0 =	simm.s32 @!p0 $0x2  }
0x98: {  	_ =	swait.ge @!p0 [sflag:s0], s1  }
0x99: {  	s1 =	ssub.s32 @!p0 $0x0, s1;
	[sflag:s0] =	ssyncset.done @!p0 $0x0  }
0x9a: {  	[sflag:s0] =	ssyncadd.s32 @!p0 s1  }
0x9b: {  	[bflag:$0x3] =	sbarrier.arrive $0xFFFF  }
0x9c: {  	_ =	shalt  }

// kernel: sc_accumulate_h2.3.cloned.1.call-start
scs
__scs_entry_jumppad:
0x0: {  	(pc) =	sbr.rel $0x88, $3  }
0x1: {  	(tag) =	ssettag $0x0;
	lr =	simm.s32 $0x1  }
0x2: {  	[smem:$0x3F9C] =	sst lr;
	_ =	strace $0xD0000000  }
0x3: {  	_ = 	snop  }
0x4: {  	_ = 	snop  }
0x5: {  	_ = 	snop  }
0x6: {  	_ = 	snop  }
0x7: {  	_ = 	snop  }
__scs_overlays_trampoline_lowered:
0x8: {  	[smem:$0x3FAB] =	sst s0  }
0x9: {  	[smem:$0x3FAC] =	sst s1  }
0xa: {  	[smem:$0x3FAD] =	sst s2  }
0xb: {  	[smem:$0x3FAE] =	sst s3  }
0xc: {  	[smem:$0x3FAF] =	sst s4  }
0xd: {  	[smem:$0x3FB0] =	sst s5  }
0xe: {  	[smem:$0x3FB1] =	sst s6  }
0xf: {  	[smem:$0x3FB2] =	sst s7  }
0x10: {  	[smem:$0x3FB3] =	sst s8  }
0x11: {  	[smem:$0x3FB4] =	sst s9;
	s0 =	simm.s32 @!p0 $0x0  }
0x12: {  	s1 =	sld [smem:$0x3F9A];
	s0 =	simm.s32 @p0 $0x1  }
0x13: {  	[smem:$0x3FB5] =	sst s0;
	s0 =	simm.s32 @!p1 $0x0  }
0x14: {  	s2 =	sld [smem:$0x3F99];
	s0 =	simm.s32 @p1 $0x1  }
0x15: {  	[smem:$0x3FB6] =	sst s0;
	s0 =	simm.s32 @!p2 $0x0  }
0x16: {  	s3 =	sld [smem:$0x3FDB];
	s0 =	simm.s32 @p2 $0x1  }
0x17: {  	s4 =	simm.s32 $0x1BF5;
	[smem:$0x3FB8] =	sst s0  }
0x18: {  	s0 =	sld [smem:$0x3F9B];
	_ =	swait.ge [sflag:s4], $0x0  }
0x19: {  	s7 =	sld [smem:$0x3F9C]  }
0x1a: {  	s8 =	sadd.s32 $0xFFFFE003, lr  }
0x1b: {  	s9 =	sadd.s32 $0xFFFFFEF7, lr;
	s5 =	simm.s32 $0xFFFFFFFF;
	p2 =	slt.u32 s8, $0xFFFFF086  }
0x1c: {  	p1 =	slt.u32 s9, $0xF7A;
	s5 =	simm.s32 @!p2 $0x0  }
0x1d: {  	s5 =	simm.s32 @p1 $0x1;
	p0 =	seq.s32 s7, s2  }
0x1e: {  	s7 =	smul.u32 @!p0 $0xF7A, s2;
	p2 =	seq.s32 @!p0 s5, $0x0  }
0x1f: {  	s9 =	smul.u32 $0xF7A, s1;
	s8 =	simm.s32 @!p0 $0x1BF5;
	p2 =	por !p2, p0  }
0x20: {  	[sflag:s8] =	ssyncset.s32 @!p0 $0xFFFFF086;
	s6 =	sadd.s32 @!p0 s3, s7;
	s7 =	simm.s32 @!p0 $0x108  }
0x21: {  	s3 =	sadd.s32 s3, s9;
	s6 =	sadd.s32 @!p0 $0x88, s6;
	s7 =	simm.s32 @p2 $0x1082  }
0x22: {  	[simem:s7], [sflag:s8] =	dma.local @!p0 [hbm:s6], $0xF7A  }
0x23: {  	s9 =	sor.u32 $0xD0000000, s2;
	s6 =	simm.s32 $0x108;
	_ =	swait.ge @!p0 [sflag:s8], $0x0  }
0x24: {  	s3 =	sadd.s32 $0x88, s3;
	s6 =	simm.s32 @!p1 $0x1082;
	[sflag:s4] =	ssyncset.s32 $0xFFFFF086  }
0x25: {  	[simem:s6], [sflag:s4] =	dma.local [hbm:s3], $0xF7A  }
0x26: {  	[smem:$0x3F9C] =	sst s1;
	(tag) =	ssettag s2;
	_ =	strace s9  }
0x27: {  	s1 =	sld [smem:$0x3FAC]  }
0x28: {  	s2 =	sld [smem:$0x3FAD]  }
0x29: {  	s4 =	sld [smem:$0x3FAF]  }
0x2a: {  	p0 =	seq.s32 s5, $0x0;
	s5 =	sld [smem:$0x3FB0]  }
0x2b: {  	s6 =	sld [smem:$0x3FB1]  }
0x2c: {  	s7 =	sld [smem:$0x3FB2]  }
0x2d: {  	s3 =	simm.s32 $0x108;
	s8 =	sld [smem:$0x3FB3]  }
0x2e: {  	s3 =	simm.s32 @!p0 $0x1082;
	s9 =	sld [smem:$0x3FB4]  }
0x2f: {  	lr =	sadd.s32 s0, s3;
	s0 =	sld [smem:$0x3FAB]  }
0x30: {  	s3 =	sld [smem:$0x3FAE]  }
0x31: {  	[smem:$0x3FB7] =	sst s10  }
0x32: {  	s10 =	sld [smem:$0x3FB5];
	_ =	sdelay $0x3  }
0x33: {  	p0 =	seq.s32 s10, $0x1;
	s10 =	sld [smem:$0x3FB7];
	_ =	sdelay $0x3  }
0x34: {  	[smem:$0x3FB7] =	sst s10  }
0x35: {  	s10 =	sld [smem:$0x3FB6];
	_ =	sdelay $0x3  }
0x36: {  	p1 =	seq.s32 s10, $0x1;
	s10 =	sld [smem:$0x3FB7];
	_ =	sdelay $0x3  }
0x37: {  	[smem:$0x3FB7] =	sst s10  }
0x38: {  	s10 =	sld [smem:$0x3FB8]  }
0x39: {  	_ = 	snop;
	(pc) =	sbr.ind lr, $3  }
0x3a: {  	_ = 	snop  }
0x3b: {  	_ = 	snop  }
0x3c: {  	p2 =	seq.s32 s10, $0x1;
	s10 =	sld [smem:$0x3FB7]  }
0x3d: {  	_ =	shalt  }
0x3e: {  	_ =	shalt  }
0x3f: {  	_ =	shalt  }
0x40: {  	_ =	shalt  }
0x41: {  	_ =	shalt  }
0x42: {  	_ =	shalt  }
0x43: {  	_ =	shalt  }
0x44: {  	_ =	shalt  }
0x45: {  	_ =	shalt  }
0x46: {  	_ =	shalt  }
0x47: {  	_ =	shalt  }
0x48: {  	_ =	shalt  }
0x49: {  	_ =	shalt  }
0x4a: {  	_ =	shalt  }
0x4b: {  	_ =	shalt  }
0x4c: {  	_ =	shalt  }
0x4d: {  	_ =	shalt  }
0x4e: {  	_ =	shalt  }
0x4f: {  	_ =	shalt  }
0x50: {  	_ =	shalt  }
0x51: {  	_ =	shalt  }
0x52: {  	_ =	shalt  }
0x53: {  	_ =	shalt  }
0x54: {  	_ =	shalt  }
0x55: {  	_ =	shalt  }
0x56: {  	_ =	shalt  }
0x57: {  	_ =	shalt  }
0x58: {  	_ =	shalt  }
0x59: {  	_ =	shalt  }
0x5a: {  	_ =	shalt  }
0x5b: {  	_ =	shalt  }
0x5c: {  	_ =	shalt  }
0x5d: {  	_ =	shalt  }
0x5e: {  	_ =	shalt  }
0x5f: {  	_ =	shalt  }
0x60: {  	_ =	shalt  }
0x61: {  	_ =	shalt  }
0x62: {  	_ =	shalt  }
0x63: {  	_ =	shalt  }
0x64: {  	_ =	shalt  }
0x65: {  	_ =	shalt  }
0x66: {  	_ =	shalt  }
0x67: {  	_ =	shalt  }
0x68: {  	_ =	shalt  }
0x69: {  	_ =	shalt  }
0x6a: {  	_ =	shalt  }
0x6b: {  	_ =	shalt  }
0x6c: {  	_ =	shalt  }
0x6d: {  	_ =	shalt  }
0x6e: {  	_ =	shalt  }
0x6f: {  	_ =	shalt  }
0x70: {  	_ =	shalt  }
0x71: {  	_ =	shalt  }
0x72: {  	_ =	shalt  }
0x73: {  	_ =	shalt  }
0x74: {  	_ =	shalt  }
0x75: {  	_ =	shalt  }
0x76: {  	_ =	shalt  }
0x77: {  	_ =	shalt  }
0x78: {  	_ =	shalt  }
0x79: {  	_ =	shalt  }
0x7a: {  	_ =	shalt  }
0x7b: {  	_ =	shalt  }
0x7c: {  	_ =	shalt  }
0x7d: {  	_ =	shalt  }
0x7e: {  	_ =	shalt  }
0x7f: {  	_ =	shalt  }
0x80: {  	_ =	shalt  }
0x81: {  	_ =	shalt  }
0x82: {  	_ =	shalt  }
0x83: {  	_ =	shalt  }
0x84: {  	_ =	shalt  }
0x85: {  	_ =	shalt  }
0x86: {  	_ =	shalt  }
0x87: {  	_ =	shalt  }
.Lfunc_end0:
.L_simem_size_0:
called_computation.3_lowered:
.L_overlay_start_0:
0x88: {  	s2 =	sld [smem:$0x3FD9]  }
0x89: {  	s3 =	sld [smem:$0x3FFE];
	_ =	sdelay $0x1  }
0x8a: {  	s1 =	srdreg.scid  }
0x8b: {  	s0 =	sand.u32 $0x1, s1  }
0x8c: {  	s17 =	sshll.u32 s0, $0xA;
	s2 =	sadd.s32 s3, s2  }
0x8d: {  	s2 =	sadd.s32 s2, s17  }
0x8e: {  	[smem:$0x3FC3] =	sst s2  }
0x8f: {  	_ = 	snop  }
0x90: {  	s2 =	sld [smem:$0x3FC9];
	(tm) =	ssettm $0x1  }
0x91: {  	s18 =	sld [smem:$0x3FFB];
	_ =	sdelay $0x3  }
0x92: {  	_ =	strace s18  }
0x93: {  	s3 =	sld [smem:$0x3FFC];
	_ =	sdelay $0x3  }
0x94: {  	_ =	strace s3  }
0x95: {  	s3 =	sld [smem:$0x3FFD];
	_ =	sdelay $0x3  }
0x96: {  	_ =	strace s3  }
0x97: {  	_ =	strace $0x8FFFFFFF  }
0x98: {  	s19 =	sld [smem:$0x3FDB];
	_ =	sdelay $0x1  }
0x99: {  	s4 =	simm.s32 $_scs_section_size  }
0x9a: {  	s5 =	simm.s32 $_size__tile_overlayer_lowered;
	s6 =	simm.s32 $_tile_overlayer_lowered  }
0x9b: {  	s22 =	simm.s32 $0x1BFF;
	s21 =	sshll.u32 s6, $0x1;
	s3 =	sadd.s32 s4, s19  }
0x9c: {  	s7 =	simm.s32 $0x0;
	s20 =	sshll.u32 s5, $0x1;
	s5 =	sadd.s32 s21, s3  }
0x9d: {  	[timem:s7], [sflag:s22] =	dma.local [hbm:s5], s20  }
0x9e: {  	_ =	swait.ge [sflag:s22], s20  }
0x9f: {  	s4 =	ssub.s32 $0x0, s20;
	[sflag:s22] =	ssyncset.done $0x0  }
0xa0: {  	[sflag:s22] =	ssyncadd.s32 s4;
	_ =	sdelay $0x1  }
0xa1: {  	s23 =	simm.s32 $0x1B8B  }
0xa2: {  	_ =	swait.ge [sflag:s23], $0x1  }
0xa3: {  	[sflag:s23] =	ssyncset.done $0x0  }
0xa4: {  	s25 =	simm.s32 $0x1B8E;
	s24 =	sld [smem:$0x3FFE];
	[sflag:s23] =	ssyncadd.s32 $0xFFFFFFFF  }
0xa5: {  	s26 =	simm.s32 $execute0_lowered;
	[smem:$0x3FD2] =	sst s25  }
0xa6: {  	s5 =	sshll.u32 s26, $0x1;
	_ =	strace $0x80000049;
	[dreg:$0x1] =	wrdreg $0xFFFFFFFF  }
0xa7: {  	s28 =	simm.s32 $_size_execute0_lowered;
	s3 =	sadd.s32 s3, s5;
	[dreg:$0x0] =	wrdreg $0x0  }
0xa8: {  	s5 =	sshll.u32 s28, $0x1;
	[dreg:$0x2] =	wrdreg s3  }
0xa9: {  	[dreg:$0x3] =	wrdreg s5  }
0xaa: {  	[dreg:$0x4] =	wrdreg $0xC0  }
0xab: {  	_ =	task [dreg:s7], $0x5FFFF  }
0xac: {  	[dreg:$0x1] =	wrdreg $0xFFFFFFFF  }
0xad: {  	[dreg:$0x0] =	wrdreg $0x60  }
0xae: {  	[dreg:$0x2] =	wrdreg s2  }
0xaf: {  	[dreg:$0x3] =	wrdreg s24  }
0xb0: {  	[dreg:$0x4] =	wrdreg $0x119800  }
0xb1: {  	[dreg:$0x5] =	wrdreg $0xB  }
0xb2: {  	_ =	task.clear_ibuf [dreg:s7], $0x6FFFF;
	_ =	strace $0x90000049  }
0xb3: {  	s29 =	simm.s32 $0xB;
	_ =	strace $0x8000004B  }
0xb4: {  	_ =	swait.ge [sflag:s29], $0x1  }
0xb5: {  	[sflag:s29] =	ssyncadd.s32 $0xFFFFFFFF  }
0xb6: {  	_ =	strace $0x9000004B  }
0xb7: {  	_ =	sfence  }
0xb8: {  	s30 =	sld [smem:$0x0];
	_ =	sdelay $0x2  }
0xb9: {  	s31 =	sshll.u32 s1, $0xD;
	s1 =	sshrl.u32 s1, $0x2  }
0xba: {  	s3 =	sand.u32 $0x4000, s31;
	s1 =	sadd.s32 s1, s30  }
0xbb: {  	s0 =	sor.u32 s3, s0;
	s1 =	sshll.u32 s1, $0x11  }
0xbc: {  	s0 =	sor.u32 s1, s0  }
0xbd: {  	s0 =	sadd.s32 $0x8F2B, s0  }
0xbe: {  	[sflag:s0] =	ssyncadd.remote.s32 $0x1  }
0xbf: {  	_ =	sfence.sel $0xFFFF  }
0xc0: {  	[dreg:$0x0] =	wrdreg $0xFFFFFFFF;
	(pc) =	sbr.abs _section_cstart, $3  }
0xc1: {  	[dreg:$0x1] =	wrdreg $0xFFFFFFFF  }
0xc2: {  	_ =	task.clear_ibuf [dreg:s7], $0x2FFFF;
	_ =	strace $0x9FFFFFFF  }
0xc3: {  	(tm) =	ssettm $0x7FFFFFFF  }
tec
execute0_lowered:
.L_overlay_start_1:
0x0: {  	(tag) =	ssettag $0x1  }
0x1: {  	s1 =	rddreg [dreg:$0x0]  }
0x2: {  	s8 =	rddreg [dreg:$0x1]  }
0x3: {  	s3 =	rddreg [dreg:$0x2]  }
0x4: {  	s0 =	rddreg [dreg:$0x3];
	s4 =	simm.s32 $0x0  }
0x5: {  	s5 =	srdreg.scid;
	s2 =	stileid.u32;
	s17 =	simm.s32 $0x4100  }
0x6: {  	s18 =	simm.s32 $0x80;
	s19 =	simm.s32 $0x1;
	s10 =	smul.u32 $0xD80, s2  }
0x7: {  	s20 =	simm.s32 $0x4180;
	s21 =	simm.s32 $0x0;
	s13 =	smul.u32 $0x1B000, s2  }
0x8: {  	[smem:$0x7FF] =	sst s4;
	s9 =	sand.u32 $0x1, s5;
	s31 =	smul.u32 $0xA0, s2  }
0x9: {  	s5 =	sadd.s32 $0xC800, s8;
	s6 =	sadd.s32 $0x48800, s8;
	s11 =	smul.u32 $0xD800, s9  }
0xa: {  	s30 =	sshll.u32 s2, $0x1;
	_ =	strace $0x8000004A;
	s15 =	smul.u32 $0x60, s9  }
0xb: {  	s7 =	sshll.u32 s9, $0x4;
	s28 =	ssub.s32 $0x2, s9;
	s16 =	smul.u32 $0x1E00, s9  }
0xc: {  	s12 =	sor.u32 s2, s7;
	s7 =	sadd.s32 $0x84800, s8;
	s14 =	sshrl.u32 s28, $0x1  }
0xd: {  	s29 =	sshrl.u32 s13, $0x2;
	s10 =	sadd.s32 s10, s11;
	s25 =	smul.u32 $0x1B00, s12  }
.Ltmp0:
0xe: {  	s13 =	sor.u32 s30, s15;
	s14 =	ssub.s32 s28, s14;
	(pc) =	sbr.rel .LBB2_1-.Ltmp0, $4  }
0xf: {  	s15 =	sadd.s32 s31, s16;
	s16 =	simm.s32 $0x2;
	s26 =	sadd.s32 s10, s8  }
0x10: {  	s10 =	sadd.s32 $0x40, s13;
	s13 =	smax.u32 s14, $0x1;
	s14 =	sadd.s32 $0x1400, s15  }
0x11: {  	s15 =	simm.s32 $0x100;
	s11 =	sadd.s32 s25, s8;
	s8 =	sadd.s32 s29, s3  }
0x12: {  	v0 =	vimm.f32 $0.0e+00;
	v1 =	vlaneseq.u32;
	v2 =	vimm.f32 $1.000000000e+00;
	s12 =	sadd.s32 $0xBAA00, s26;
	s9 =	sadd.s32 $0x4000, s8;
	s11 =	sadd.s32 $0x84A00, s11  }
.LBB2_10:
0x13: {  	[hbm4b:s11+s4] =	stream.linear.scatter [tilespmem:s20], [sflag:$0x2], $0xD800, $0x38;
	[tilespmem:$0x18580] =	vst v63  }
0x14: {  	_ =	swait.ge [sflag:s16], $0xD800  }
0x15: {  	s22 =	sshll.u32 s2, $0x6;
	s21 =	sadd.s32 $0x1, s21;
	[sflag:s16] =	ssyncset.done $0x0  }
0x16: {  	s23 =	sshrl.u32 s8, $0x3;
	p0 =	sne.s32 s21, s13;
	[sflag:s16] =	ssyncadd.s32 $0xFFFF2800  }
.Ltmp1:
0x17: {  	s22 =	sor.u32 $0x1C02, s22;
	[bflag:$0x0] =	sbarrier.arrive $0xFFFF;
	(pc) =	sbr.rel @!p0 .LBB2_11-.Ltmp1, $4  }
0x18: {  	[hbm:s12], [sflag:s22] =	dma.local [spmem:s23], $0xD80  }
0x19: {  	_ =	swait.ge [sflag:s16], $0xD80  }
0x1a: {  	[sflag:s16] =	ssyncset.done $0x0  }
0x1b: {  	[sflag:s16] =	ssyncadd.s32 $0xFFFFF280  }
.LBB2_1:
0x1c: {  	s22 =	simm.s32 $0x0;
	s23 =	simm.s32 $0x200  }
.LBB2_2:
0x1d: {  	p0 =	sne.s32 s23, $0xFE00;
	[tilespmem:s22+$0x170] =	vst v0  }
0x1e: {  	[tilespmem:s22+$0x100] =	vst v0  }
0x1f: {  	[tilespmem:s22+$0x110] =	vst v0  }
.Ltmp2:
0x20: {  	[tilespmem:s22+$0x120] =	vst v0;
	(pc) =	sbr.rel @p0 .LBB2_2-.Ltmp2, $4  }
0x21: {  	[tilespmem:s22+$0x130] =	vst v0  }
0x22: {  	[tilespmem:s22+$0x140] =	vst v0  }
0x23: {  	[tilespmem:s22+$0x150] =	vst v0  }
0x24: {  	[tilespmem:s22+$0x160] =	vst v0;
	s22 =	sshra.s32 s23, $0x2;
	s23 =	sadd.s32 $0x200, s23  }
0x25: {  	[tilespmem:s22+$0x170] =	vst v0  }
0x26: {  	[tilespmem:s22+$0x100] =	vst v0  }
0x27: {  	[tilespmem:s22+$0x110] =	vst v0  }
0x28: {  	[tilespmem:s22+$0x120] =	vst v0  }
0x29: {  	[tilespmem:s22+$0x130] =	vst v0  }
0x2a: {  	[tilespmem:s22+$0x140] =	vst v0  }
0x2b: {  	[tilespmem:s22+$0x150] =	vst v0  }
0x2c: {  	[tilespmem:s22+$0x160] =	vst v0  }
0x2d: {  	[spmem:s8] =	stream.linear.scatter [tilespmem:s15], [sflag:$0x2], $0x4000, $0x38;
	[tilespmem:$0x18580] =	vst v63  }
0x2e: {  	_ =	swait.ge [sflag:s16], $0x4000  }
0x2f: {  	[sflag:s16] =	ssyncset.done $0x0  }
0x30: {  	[sflag:s16] =	ssyncadd.s32 $0xFFFFC000  }
0x31: {  	[spmem:s9] =	stream.linear.scatter [tilespmem:s15], [sflag:$0x2], $0x2C00, $0x38;
	[tilespmem:$0x18580] =	vst v63  }
0x32: {  	_ =	swait.ge [sflag:s16], $0x2C00  }
0x33: {  	[sflag:s16] =	ssyncset.done $0x0  }
0x34: {  	s22 =	simm.s32 $0x40;
	s23 =	simm.s32 $0x0;
	[sflag:s16] =	ssyncadd.s32 $0xFFFFD400  }
.LBB2_4:
0x35: {  	p0 =	sne.s32 s22, $0x35FC0;
	[tilespmem:s23+$0x4180] =	vst v0;
	s23 =	smov.u32 s22;
	s22 =	sadd.s32 $0x40, s22  }
.Ltmp3:
0x36: {  	(pc) =	sbr.rel @p0 .LBB2_4-.Ltmp3, $2  }
0x37: {  	_ =	sdelay $0x2  }
0x38: {  	s23 =	sshra.s32 s23, $0x2  }
.Ltmp4:
0x39: {  	(pc) =	sbr.rel .LBB2_6-.Ltmp4, $4  }
0x3a: {  	_ = 	snop  }
0x3b: {  	[tilespmem:s23+$0x4180] =	vst v0  }
0x3c: {  	[bflag:$0x0] =	sbarrier.arrive $0xFFFF  }
0x3d: {  	s23 =	simm.s32 $0x0;
	p1 =	por $0x1, $0x1  }
.LBB2_9:
.Ltmp5:
0x3e: {  	(pc) =	sbr.rel @!p0 .LBB2_10-.Ltmp5, $2  }
0x3f: {  	_ =	sdelay $0x2  }
0x40: {  	s23 =	simm.s32 $0x1;
	p1 =	por $0x0, $0x0  }
.LBB2_6:
0x41: {  	s22 =	sor.u32 s10, s23  }
0x42: {  	s22 =	sshll.u32 s22, $0x1  }
0x43: {  	s22 =	sand.u32 $0x1FFFFFFE, s22  }
0x44: {  	s22 =	sadd.s32 s7, s22  }
0x45: {  	[tilespmem:s17], [sflag:$0x2] =	stream.linear.gather [hbm4b:s22+s4], $0x10, $0x38;
	[tilespmem:$0x18580] =	vst v63  }
0x46: {  	_ =	swait.ge [sflag:s16], $0x10  }
0x47: {  	[sflag:s16] =	ssyncset.done $0x0  }
0x48: {  	[sflag:s16] =	ssyncadd.s32 $0xFFFFFFF0  }
0x49: {  	v3 =	vld [tilespmem:$0x4100];
	_ =	sdelay $0x4  }
0x4a: {  	v3 =	vxor.u32 $0x80000000, v3  }
0x4b: {  	(xrf0) =	vmax.scan.msk.u32 $0xffff, v3;
	_ =	sdelay $0x5  }
0x4c: {  	v3, _, _ =	vpop (xrf0)  }
0x4d: {  	(v2sf) =	vpush v3, $0xF;
	_ =	sdelay $0xe  }
0x4e: {  	s31 =	spop (v2sf)  }
0x4f: {  	s22 =	sxor.u32 $0x80000000, s31  }
0x50: {  	p2 =	slt.s32 s22, $0x1  }
.Ltmp6:
0x51: {  	_ = 	snop;
	(pc) =	sbr.rel @p2 .LBB2_9-.Ltmp6, $2  }
0x52: {  	_ =	sdelay $0x2  }
0x53: {  	p0 =	por p1, p1  }
0x54: {  	s23 =	smul.u32 $0x50, s23;
	_ =	sdelay $0x1  }
0x55: {  	s23 =	sadd.s32 s23, s14  }
0x56: {  	s23 =	sshll.u32 s23, $0x4  }
.LBB2_8:
0x57: {  	s24 =	sand.u32 $0x1FFFFFF0, s23  }
0x58: {  	s25 =	sadd.s32 s5, s24  }
0x59: {  	[tilespmem:s4], [sflag:$0x2] =	stream.linear.gather [hbm4b:s25+s4], $0x80, $0x38;
	[tilespmem:$0x18580] =	vst v63  }
0x5a: {  	_ =	swait.ge [sflag:s16], $0x80  }
0x5b: {  	[sflag:s16] =	ssyncset.done $0x0  }
0x5c: {  	s24 =	sadd.s32 s6, s24;
	[sflag:s16] =	ssyncadd.s32 $0xFFFFFF80  }
0x5d: {  	[tilespmem:s18], [sflag:$0x2] =	stream.linear.gather [hbm4b:s24+s4], $0x80, $0x38;
	[tilespmem:$0x18580] =	vst v63  }
0x5e: {  	_ =	swait.ge [sflag:s16], $0x80  }
0x5f: {  	[sflag:s16] =	ssyncset.done $0x0  }
0x60: {  	[sflag:s16] =	ssyncadd.s32 $0xFFFFFF80  }
0x61: {  	[tilespmem:s15], [sflag:$0x1] =	stream.indirect.gather [hbm4b:s1+s18], $0x80, s4, s18, $0xb8;
	[tilespmem:$0x18580] =	vst v63  }
0x62: {  	_ =	swait.ge [sflag:s19], $0x4000  }
0x63: {  	[sflag:s19] =	ssyncset.done $0x0  }
0x64: {  	[sflag:s19] =	ssyncadd.s32 $0xFFFFC000  }
0x65: {  	[spmem:s3] =	stream.indirect.scatter.add.f32 [tilespmem:s15], [sflag:$0x2], $0x80, s18, s18, $0xb8;
	[tilespmem:$0x18580] =	vst v63  }
0x66: {  	_ =	swait.ge [sflag:s16], $0x4000  }
0x67: {  	[sflag:s16] =	ssyncset.done $0x0  }
0x68: {  	[sflag:s16] =	ssyncadd.s32 $0xFFFFC000  }
0x69: {  	v3 =	vld [tilespmem:$0x80];
	_ =	sdelay $0x4  }
0x6a: {  	v3 =	vshll.u32 v3, $0x4  }
0x6b: {  	v3 =	vor.u32 v1, v3;
	_ =	sdelay $0x4  }
0x6c: {  	[tilespmem:v3+s20+$0x0] =	vst.idx.add.f32.msk $0xffff, v2  }
0x6d: {  	v3 =	vld [tilespmem:$0x90];
	_ =	sdelay $0x4  }
0x6e: {  	v3 =	vshll.u32 v3, $0x4  }
0x6f: {  	v3 =	vor.u32 v1, v3;
	_ =	sdelay $0x4  }
0x70: {  	[tilespmem:v3+s20+$0x0] =	vst.idx.add.f32.msk $0xffff, v2  }
0x71: {  	v3 =	vld [tilespmem:$0xA0];
	_ =	sdelay $0x4  }
0x72: {  	v3 =	vshll.u32 v3, $0x4  }
0x73: {  	v3 =	vor.u32 v1, v3;
	_ =	sdelay $0x4  }
0x74: {  	[tilespmem:v3+s20+$0x0] =	vst.idx.add.f32.msk $0xffff, v2  }
0x75: {  	v3 =	vld [tilespmem:$0xB0];
	_ =	sdelay $0x4  }
0x76: {  	v3 =	vshll.u32 v3, $0x4  }
0x77: {  	v3 =	vor.u32 v1, v3;
	_ =	sdelay $0x4  }
0x78: {  	[tilespmem:v3+s20+$0x0] =	vst.idx.add.f32.msk $0xffff, v2  }
0x79: {  	v3 =	vld [tilespmem:$0xC0];
	_ =	sdelay $0x4  }
0x7a: {  	v3 =	vshll.u32 v3, $0x4  }
0x7b: {  	v3 =	vor.u32 v1, v3;
	_ =	sdelay $0x4  }
0x7c: {  	[tilespmem:v3+s20+$0x0] =	vst.idx.add.f32.msk $0xffff, v2  }
0x7d: {  	v3 =	vld [tilespmem:$0xD0];
	_ =	sdelay $0x4  }
0x7e: {  	v3 =	vshll.u32 v3, $0x4  }
0x7f: {  	v3 =	vor.u32 v1, v3;
	_ =	sdelay $0x4  }
0x80: {  	[tilespmem:v3+s20+$0x0] =	vst.idx.add.f32.msk $0xffff, v2  }
0x81: {  	v3 =	vld [tilespmem:$0xE0];
	_ =	sdelay $0x4  }
0x82: {  	v3 =	vshll.u32 v3, $0x4  }
0x83: {  	v3 =	vor.u32 v1, v3;
	_ =	sdelay $0x4  }
0x84: {  	[tilespmem:v3+s20+$0x0] =	vst.idx.add.f32.msk $0xffff, v2  }
0x85: {  	v3 =	vld [tilespmem:$0xF0];
	_ =	sdelay $0x4  }
0x86: {  	v3 =	vshll.u32 v3, $0x4  }
0x87: {  	p1 =	sne.s32 s22, $0x1;
	v3 =	vor.u32 v1, v3  }
.Ltmp7:
0x88: {  	_ = 	snop;
	(pc) =	sbr.rel @p1 .LBB2_8-.Ltmp7, $2  }
0x89: {  	_ =	sdelay $0x2  }
0x8a: {  	s23 =	sadd.s32 $0x10, s23;
	s22 =	sadd.s32 $0xFFFFFFFF, s22;
	[tilespmem:v3+s20+$0x0] =	vst.idx.add.f32.msk $0xffff, v2  }
.Ltmp8:
0x8b: {  	_ = 	snop;
	(pc) =	sbr.rel .LBB2_9-.Ltmp8, $1  }
0x8c: {  	_ =	sdelay $0x3  }
.LBB2_11:
0x8d: {  	_ =	sfence.sel $0x180000  }
0x8e: {  	[bflag:$0x0] =	sbarrier.arrive $0xFFFF  }
0x8f: {  	p0 =	sne.s32 s2, $0x0;
	_ =	strace $0x9000004A  }
0x90: {  	s0 =	sadd.s32 @!p0 $0x100000, s0;
	[bflag:$0x2] =	sbarrier.arrive $0xFFFF  }
0x91: {  	[sflag:s0] =	ssyncadd.tile.s32 @!p0 $0x1;
	_ =	shalt  }
.Lfunc_end2:
_tile_overlayer_lowered:
.L_overlay_start_2:
0x92: {  	(tag) =	ssettag $0x2  }
0x93: {  	s0 =	rddreg [dreg:$0x0];
	s2 =	stileid.u32  }
0x94: {  	s1 =	rddreg [dreg:$0x1];
	p0 =	sne.s32 s2, $0x0  }
0x95: {  	s3 =	rddreg [dreg:$0x2];
	[bflag:$0x3] =	sbarrier.arrive $0xFFFF;
	s2 =	simm.s32 @!p0 $0x1C02  }
0x96: {  	[timem:s3], [sflag:s2] =	dma.local @!p0 [hbm:s0], s1  }
0x97: {  	s0 =	simm.s32 @!p0 $0x2  }
0x98: {  	_ =	swait.ge @!p0 [sflag:s0], s1  }
0x99: {  	s1 =	ssub.s32 @!p0 $0x0, s1;
	[sflag:s0] =	ssyncset.done @!p0 $0x0  }
0x9a: {  	[sflag:s0] =	ssyncadd.s32 @!p0 s1  }
0x9b: {  	[bflag:$0x3] =	sbarrier.arrive $0xFFFF  }
0x9c: {  	_ =	shalt  }

</sc_bundles>
